<compile_context>
chip_gen: v7x
topology: tpu7x:2x2x1
jax: 0.10.2.dev20260603
libtpu: 0.0.44.dev20260713+nightly
codegen_flags: <defaults>
</compile_context>

<pallas_src>
import functools

import jax
import jax.numpy as jnp
from jax import lax
from jax.experimental import pallas as pl
from jax.experimental.pallas import tpu as pltpu
from jax.experimental.pallas import tpu_sc as plsc

NC, NS, L = 2, 16, 16
NW = NC * NS
B, T, D = 1024, 50, 128
BT = B * T
PER_W = BT // NW
CH = 200
NCHUNK = PER_W // CH
NBUF = 4

TB = 2
GRID = T // TB


def _sc_gather_body(ids_hbm, table_hbm, out_hbm, idx_v,
                    b0, b1, b2, b3, g0, g1, g2, g3, s0, s1, s2, s3):
    wid = lax.axis_index("s") * NC + lax.axis_index("c")
    base = wid * PER_W
    pltpu.sync_copy(ids_hbm.at[pl.ds(base, PER_W)], idx_v)
    bufs = (b0, b1, b2, b3)
    gsem = (g0, g1, g2, g3)
    ssem = (s0, s1, s2, s3)

    def start_gather(c):
        return pltpu.async_copy(
            table_hbm.at[idx_v.at[pl.ds(c * CH, CH)]],
            bufs[c % NBUF], gsem[c % NBUF])

    AHEAD = 2
    gh = [None] * NCHUNK
    sh = [None] * NCHUNK
    for c in range(AHEAD):
        gh[c] = start_gather(c)
    for c in range(NCHUNK):
        n = c + AHEAD
        if n < NCHUNK:
            p = n - NBUF
            if p >= 0:
                sh[p].wait()
            gh[n] = start_gather(n)
        gh[c].wait()
        sh[c] = pltpu.async_copy(
            bufs[c % NBUF], out_hbm.at[pl.ds(base + c * CH, CH)],
            ssem[c % NBUF])
    for c in range(NCHUNK - NBUF, NCHUNK):
        sh[c].wait()


@functools.cache
def _sc_gather():
    return pl.kernel(
        _sc_gather_body,
        out_type=jax.ShapeDtypeStruct((BT, D), jnp.float32),
        mesh=plsc.VectorSubcoreMesh(
            core_axis_name="c", subcore_axis_name="s", num_cores=NC),
        scratch_types=[
            pltpu.VMEM((PER_W,), jnp.int32),
        ] + [pltpu.VMEM((CH, D), jnp.float32)] * NBUF
          + [pltpu.SemaphoreType.DMA] * (2 * NBUF),
    )


_SQRT_HALF = 0.7071067811865476


def _gelu(x):
    return 0.5 * x * (1.0 + lax.erf(x * _SQRT_HALF))


def _dotT(a, b):
    return lax.dot_general(a, b, (((0,), (0,)), ((), ())),
                           preferred_element_type=jnp.float32)


def _tc_body(tok_ref, base_ref,
             ttab_ref, cstab_ref,
             cat_hbm, num_hbm, time_hbm, ctab_hbm, pw_hbm,
             nw1_ref, nb1_ref, nw2_ref, nb2_ref, ng_ref, ngb_ref,
             tw1_ref, tb1_ref, tw2_ref, tb2_ref, tg_ref, tgb_ref,
             pb_ref, lng_ref, lnb_ref,
             out_ref,
             counts_ref, ctab_s, pw_s, cat_s, num_s, time_s,
             sem0, sem1, sem2):
    g = pl.program_id(0)

    @pl.when(g == 0)
    def _init():
        counts_ref[...] = jnp.zeros((1, B), jnp.float32)
        c1 = pltpu.make_async_copy(ctab_hbm, ctab_s, sem0)
        c2 = pltpu.make_async_copy(pw_hbm, pw_s, sem1)
        c1.start()
        c2.start()
        c1.wait()
        c2.wait()

    tok = tok_ref[:, 0, :]

    m6 = (tok == 6).astype(jnp.float32)
    cnts = []
    c = counts_ref[...]
    for i in range(TB):
        c = c + m6[i:i + 1, :]
        cnts.append(c)
    counts_ref[...] = c

    out_ref[...] = base_ref[...] + (ttab_ref[6:7, :]
                                    + cstab_ref[0:1, :])[None]

    case_on = jnp.max(c) > 0.0
    r = jnp.max(jnp.where(tok < 7,
                          jnp.where(tok == 1, 6, 2),
                          jnp.zeros_like(tok)))

    @pl.when(case_on)
    def _case_active():
        for i in range(TB):
            case_id = jnp.minimum(cnts[i].astype(jnp.int32), 31)
            oh_c = (case_id
                    == lax.broadcasted_iota(jnp.int32, (32, B), 0))
            casec = _dotT(oh_c.astype(jnp.float32), cstab_ref[...])
            out_ref[i] = out_ref[i] + (casec - cstab_ref[0:1, :])

    @pl.when((r & 2) != 0)
    def _special_types():
        for i in range(TB):
            ti = tok[i:i + 1, :]

            @pl.when(jnp.any(ti < 7))
            def _type_row(i=i, ti=ti):
                tid = jnp.where(ti == 1, 1, jnp.zeros_like(ti))
                tid = jnp.where(ti == 2, 2, tid)
                tid = jnp.where(ti == 3, 3, tid)
                tid = jnp.where((ti == 4) | (ti == 5), 4, tid)
                tid = jnp.where(ti == 6, 5, tid)
                tid = jnp.where(ti >= 7, 6, tid)
                oh_t = (tid == lax.broadcasted_iota(jnp.int32, (8, B), 0))
                typec = _dotT(oh_t.astype(jnp.float32), ttab_ref[...])
                out_ref[i] = out_ref[i] + (typec - ttab_ref[6:7, :])

    @pl.when((r & 4) != 0)
    def _event():
        f1 = pltpu.make_async_copy(cat_hbm.at[pl.ds(g * TB, TB)],
                                   cat_s, sem0)
        f2 = pltpu.make_async_copy(num_hbm.at[pl.ds(g * TB, TB)],
                                   num_s, sem1)
        f3 = pltpu.make_async_copy(time_hbm.at[pl.ds(g * TB, TB)],
                                   time_s, sem2)
        f1.start()
        f2.start()
        f3.start()
        f1.wait()
        f2.wait()
        f3.wait()

        def mlp(x, gm, gb, w1, b1, w2, b2):
            m = jnp.mean(x, axis=0, keepdims=True)
            va = jnp.mean((x - m) ** 2, axis=0, keepdims=True)
            xn = (x - m) / jnp.sqrt(va + 1e-5) * gm + gb
            h = _gelu(_dotT(xn, w1) + b1)
            return jnp.dot(h, w2,
                           preferred_element_type=jnp.float32) + b2

        for i in range(TB):
            ti = tok[i:i + 1, :]

            @pl.when(jnp.any(ti == 1))
            def _event_row(i=i, ti=ti):
                num_h = mlp(num_s[i], ng_ref[...], ngb_ref[...],
                            nw1_ref[...], nb1_ref[...],
                            nw2_ref[...], nb2_ref[...])
                time_h = mlp(time_s[i], tg_ref[...], tgb_ref[...],
                             tw1_ref[...], tb1_ref[...],
                             tw2_ref[...], tb2_ref[...])

                ev = (pb_ref[...]
                      + jnp.dot(num_h, pw_s[256:320, :],
                                preferred_element_type=jnp.float32)
                      + jnp.dot(time_h, pw_s[320:384, :],
                                preferred_element_type=jnp.float32))

                cat = cat_s[i]
                sub = lax.broadcasted_iota(jnp.int32, (128, B), 0)
                for t in range(4):
                    row = cat[t:t + 1, :]
                    ck = jnp.zeros((B, 64), jnp.float32)
                    for cc in range(8):
                        oh = (row == sub + cc * 128).astype(jnp.float32)
                        ck = ck + _dotT(
                            oh, ctab_s[t, cc * 128:(cc + 1) * 128, :])
                    ev = ev + jnp.dot(ck, pw_s[64 * t:64 * (t + 1), :],
                                      preferred_element_type=jnp.float32)

                ev = _gelu(ev)
                m = jnp.mean(ev, axis=1, keepdims=True)
                va = jnp.mean((ev - m) ** 2, axis=1, keepdims=True)
                ev = ((ev - m) / jnp.sqrt(va + 1e-5) * lng_ref[...]
                      + lnb_ref[...])

                is_row = (ti == 1).astype(jnp.float32)
                is_col = _dotT(is_row, jnp.ones((1, 1), jnp.float32))
                out_ref[i] = out_ref[i] + is_col * ev


def _t_spec(shape):
    nd = len(shape)
    return pl.BlockSpec((TB,) + shape[1:],
                        lambda g: (g,) + (0,) * (nd - 1))


def _w_spec(shape):
    nd = len(shape)
    return pl.BlockSpec(shape, lambda g, _n=nd: (0,) * _n)


_ANY = pl.BlockSpec(memory_space=pltpu.MemorySpace.HBM)


def kernel(token_ids, cat_feats, num_feats, time_feats, tok_table,
           cat_tables, num_norm_g, num_norm_b, time_norm_g, time_norm_b,
           num_w1, num_b1, num_w2, num_b2, time_w1, time_b1, time_w2,
           time_b2, proj_w, proj_b, proj_ln_g, proj_ln_b, type_table,
           case_table, event_scale, type_scale, case_scale):
    ids_flat = jnp.transpose(token_ids, (1, 0)).reshape(BT).astype(jnp.int32)
    base = _sc_gather()(ids_flat, tok_table)

    ttab = jnp.pad(type_table * type_scale, ((0, 1), (0, 0)))
    cstab = case_table * case_scale
    lng = proj_ln_g * event_scale
    lnb = proj_ln_b * event_scale
    ctab = jnp.pad(cat_tables, ((0, 0), (0, 24), (0, 0)))

    r2 = lambda a: a.reshape(1, -1)
    c2 = lambda a: a.reshape(-1, 1)
    out = pl.pallas_call(
        _tc_body,
        grid=(GRID,),
        in_specs=[
            _t_spec((T, 1, B)), _t_spec((T, B, D)),
            _w_spec((8, D)), _w_spec((32, D)),
            _ANY, _ANY, _ANY, _ANY, _ANY,
            _w_spec((16, 64)), _w_spec((1, 64)),
            _w_spec((64, 64)), _w_spec((1, 64)),
            _w_spec((16, 1)), _w_spec((16, 1)),
            _w_spec((8, 64)), _w_spec((1, 64)),
            _w_spec((64, 64)), _w_spec((1, 64)),
            _w_spec((8, 1)), _w_spec((8, 1)),
            _w_spec((1, D)), _w_spec((1, D)), _w_spec((1, D)),
        ],
        out_specs=_t_spec((T, B, D)),
        out_shape=jax.ShapeDtypeStruct((T, B, D), jnp.float32),
        scratch_shapes=[
            pltpu.VMEM((1, B), jnp.float32),
            pltpu.VMEM((4, 1024, 64), jnp.float32),
            pltpu.VMEM((384, D), jnp.float32),
            pltpu.VMEM((TB, 4, B), jnp.int32),
            pltpu.VMEM((TB, 16, B), jnp.float32),
            pltpu.VMEM((TB, 8, B), jnp.float32),
            pltpu.SemaphoreType.DMA,
            pltpu.SemaphoreType.DMA,
            pltpu.SemaphoreType.DMA,
        ],
        compiler_params=pltpu.CompilerParams(
            dimension_semantics=("arbitrary",)),
    )(
        jnp.transpose(token_ids, (1, 0)).reshape(T, 1, B).astype(jnp.int32),
        base.reshape(T, B, D),
        ttab, cstab,
        jnp.transpose(cat_feats, (1, 2, 0)).astype(jnp.int32),
        jnp.transpose(num_feats, (1, 2, 0)),
        jnp.transpose(time_feats, (1, 2, 0)),
        ctab, proj_w,
        num_w1, r2(num_b1), num_w2, r2(num_b2),
        c2(num_norm_g), c2(num_norm_b),
        time_w1, r2(time_b1), time_w2, r2(time_b2),
        c2(time_norm_g), c2(time_norm_b),
        r2(proj_b), r2(lng), r2(lnb),
    )
    return jnp.transpose(out, (1, 0, 2))

# --- scband reference (transcript-rebuilt; emitter-appended) ---
"""Pipeline reference for scband-event-embedder-17411797418506 (READ-ONLY COPY).

The authoritative reference and input builder live on the scoring server;
editing this copy changes nothing except your own understanding.
"""

import jax, jax.numpy as jnp
import numpy as np

SPECIAL_TOKENS = {'<PAD>': 0, '<EVENT>': 1, '<LABEL>': 2, '<QUERY>': 3, '<TASK_NEXT_ACTIVITY>': 4, '<TASK_REMAINING_TIME>': 5, '<CASE_SEP>': 6}


def _layer_norm(x, g, b, eps=1e-5):
    m = jnp.mean(x, axis=-1, keepdims=True)
    v = jnp.mean((x - m) ** 2, axis=-1, keepdims=True)
    return (x - m) / jnp.sqrt(v + eps) * g + b


def setup_inputs(seed=0):
    key = jax.random.key(seed)
    ks = jax.random.split(key, 16)
    B, T = 1024, 50
    vocab, d_model = 100000, 128
    ncat, card, d_cat = 4, 1000, 64
    nnum, ntime, hid = 16, 8, 64
    max_cases = 32
    concat_dim = ncat * d_cat + hid + hid
    inp = {}
    inp['token_ids'] = jax.random.randint(ks[0], (B, T), 0, vocab)
    inp['cat_feats'] = jax.random.randint(ks[1], (B, T, ncat), 0, card)
    inp['num_feats'] = jax.random.normal(ks[2], (B, T, nnum), dtype=jnp.float32)
    inp['time_feats'] = jax.random.normal(ks[3], (B, T, ntime), dtype=jnp.float32)
    tok = jax.random.normal(ks[4], (vocab, d_model), dtype=jnp.float32) * 0.02
    inp['tok_table'] = tok.at[SPECIAL_TOKENS['<PAD>']].set(0.0)
    inp['cat_tables'] = jax.random.normal(ks[5], (ncat, card, d_cat), dtype=jnp.float32) * 0.02
    inp['num_norm_g'] = jnp.ones((nnum,), jnp.float32)
    inp['num_norm_b'] = jnp.zeros((nnum,), jnp.float32)
    inp['time_norm_g'] = jnp.ones((ntime,), jnp.float32)
    inp['time_norm_b'] = jnp.zeros((ntime,), jnp.float32)
    inp['num_w1'] = jax.random.normal(ks[6], (nnum, hid), dtype=jnp.float32) * (1.0 / np.sqrt(nnum))
    inp['num_b1'] = jnp.zeros((hid,), jnp.float32)
    inp['num_w2'] = jax.random.normal(ks[7], (hid, hid), dtype=jnp.float32) * (1.0 / np.sqrt(hid))
    inp['num_b2'] = jnp.zeros((hid,), jnp.float32)
    inp['time_w1'] = jax.random.normal(ks[8], (ntime, hid), dtype=jnp.float32) * (1.0 / np.sqrt(ntime))
    inp['time_b1'] = jnp.zeros((hid,), jnp.float32)
    inp['time_w2'] = jax.random.normal(ks[9], (hid, hid), dtype=jnp.float32) * (1.0 / np.sqrt(hid))
    inp['time_b2'] = jnp.zeros((hid,), jnp.float32)
    inp['proj_w'] = jax.random.normal(ks[10], (concat_dim, d_model), dtype=jnp.float32) * (1.0 / np.sqrt(concat_dim))
    inp['proj_b'] = jnp.zeros((d_model,), jnp.float32)
    inp['proj_ln_g'] = jnp.ones((d_model,), jnp.float32)
    inp['proj_ln_b'] = jnp.zeros((d_model,), jnp.float32)
    inp['type_table'] = jax.random.normal(ks[11], (7, d_model), dtype=jnp.float32) * 0.02
    inp['case_table'] = jax.random.normal(ks[12], (max_cases, d_model), dtype=jnp.float32) * 0.02
    inp['event_scale'] = jnp.float32(1.0)
    inp['type_scale'] = jnp.float32(1.0)
    inp['case_scale'] = jnp.float32(1.0)
    return inp


def _forward(token_ids, cat_feats, num_feats, time_feats, tok_table, cat_tables, num_norm_g, num_norm_b, time_norm_g, time_norm_b, num_w1, num_b1, num_w2, num_b2, time_w1, time_b1, time_w2, time_b2, proj_w, proj_b, proj_ln_g, proj_ln_b, type_table, case_table, event_scale, type_scale, case_scale):
    base = jnp.take(tok_table, token_ids, axis=0)
    ncat = cat_tables.shape[0]
    cat_parts = [jnp.take(cat_tables[i], cat_feats[:, :, i], axis=0) for i in range(ncat)]
    cat_concat = jnp.concatenate(cat_parts, axis=-1)
    num_h = _layer_norm(num_feats, num_norm_g, num_norm_b)
    num_h = jax.nn.gelu(num_h @ num_w1 + num_b1, approximate=False) @ num_w2 + num_b2
    time_h = _layer_norm(time_feats, time_norm_g, time_norm_b)
    time_h = jax.nn.gelu(time_h @ time_w1 + time_b1, approximate=False) @ time_w2 + time_b2
    ev = jnp.concatenate([cat_concat, num_h, time_h], axis=-1) @ proj_w + proj_b
    ev = _layer_norm(jax.nn.gelu(ev, approximate=False), proj_ln_g, proj_ln_b)
    is_event = (token_ids == SPECIAL_TOKENS['<EVENT>'])[..., None].astype(jnp.float32)
    mixed = base + event_scale * is_event * ev
    type_ids = jnp.zeros_like(token_ids)
    type_ids = jnp.where(token_ids == SPECIAL_TOKENS['<EVENT>'], 1, type_ids)
    type_ids = jnp.where(token_ids == SPECIAL_TOKENS['<LABEL>'], 2, type_ids)
    type_ids = jnp.where(token_ids == SPECIAL_TOKENS['<QUERY>'], 3, type_ids)
    is_task = (token_ids == SPECIAL_TOKENS['<TASK_NEXT_ACTIVITY>']) | (token_ids == SPECIAL_TOKENS['<TASK_REMAINING_TIME>'])
    type_ids = jnp.where(is_task, 4, type_ids)
    type_ids = jnp.where(token_ids == SPECIAL_TOKENS['<CASE_SEP>'], 5, type_ids)
    type_ids = jnp.where(token_ids >= len(SPECIAL_TOKENS), 6, type_ids)
    mixed = mixed + type_scale * jnp.take(type_table, type_ids, axis=0)
    case_ids = jnp.minimum(jnp.cumsum((token_ids == SPECIAL_TOKENS['<CASE_SEP>']).astype(jnp.int32), axis=1), case_table.shape[0] - 1)
    mixed = mixed + case_scale * jnp.take(case_table, case_ids, axis=0)
    return mixed


def reference(token_ids, cat_feats, num_feats, time_feats, tok_table, cat_tables, num_norm_g, num_norm_b, time_norm_g, time_norm_b, num_w1, num_b1, num_w2, num_b2, time_w1, time_b1, time_w2, time_b2, proj_w, proj_b, proj_ln_g, proj_ln_b, type_table, case_table, event_scale, type_scale, case_scale):
    return _forward(token_ids=token_ids, cat_feats=cat_feats, num_feats=num_feats, time_feats=time_feats, tok_table=tok_table, cat_tables=cat_tables, num_norm_g=num_norm_g, num_norm_b=num_norm_b, time_norm_g=time_norm_g, time_norm_b=time_norm_b, num_w1=num_w1, num_b1=num_b1, num_w2=num_w2, num_b2=num_b2, time_w1=time_w1, time_b1=time_b1, time_w2=time_w2, time_b2=time_b2, proj_w=proj_w, proj_b=proj_b, proj_ln_g=proj_ln_g, proj_ln_b=proj_ln_b, type_table=type_table, case_table=case_table, event_scale=event_scale, type_scale=type_scale, case_scale=case_scale)

if __name__ == "__main__":
    import jax
    _d = setup_inputs()
    print(jax.jit(kernel)(*tuple(_d.values())))

</pallas_src>

<mosaic_0001>
#map = affine_map<(d0, d1) -> (0)>
#map1 = affine_map<(d0, d1) -> (0, 0)>
module attributes {stable_mosaic.version = 14 : i64} {
  func.func @_sc_gather_body(%arg0: i32, %arg1: i32, %arg2: memref<51200xi32, #tpu.memory_space<hbm>>, %arg3: memref<100000x128xf32, #tpu.memory_space<hbm>>, %arg4: memref<51200x128xf32, #tpu.memory_space<hbm>>, %arg5: memref<1600xi32, #tpu.memory_space<vmem>>, %arg6: memref<200x128xf32, #tpu.memory_space<vmem>>, %arg7: memref<200x128xf32, #tpu.memory_space<vmem>>, %arg8: memref<200x128xf32, #tpu.memory_space<vmem>>, %arg9: memref<200x128xf32, #tpu.memory_space<vmem>>, %arg10: memref<!tpu.dma_semaphore, #tpu.memory_space<semaphore_mem>>, %arg11: memref<!tpu.dma_semaphore, #tpu.memory_space<semaphore_mem>>, %arg12: memref<!tpu.dma_semaphore, #tpu.memory_space<semaphore_mem>>, %arg13: memref<!tpu.dma_semaphore, #tpu.memory_space<semaphore_mem>>, %arg14: memref<!tpu.dma_semaphore, #tpu.memory_space<semaphore_mem>>, %arg15: memref<!tpu.dma_semaphore, #tpu.memory_space<semaphore_mem>>, %arg16: memref<!tpu.dma_semaphore, #tpu.memory_space<semaphore_mem>>, %arg17: memref<!tpu.dma_semaphore, #tpu.memory_space<semaphore_mem>>) attributes {dimension_semantics = [#tpu.dimension_semantics<core_parallel>, #tpu.dimension_semantics<subcore_parallel>], iteration_bounds = array<i64: 2, 16>, scalar_prefetch = 0 : i64, scratch_operands = 13 : i64, tpu.core_type = #tpu.core_type<sc_vector_subcore>, window_params = [{transform_indices = #map}, {transform_indices = #map1}, {transform_indices = #map1}]} {
    %mul3A = arith.constant 2 : i32
    %mul3A_0 = arith.muli %arg1, %mul3A : i32
    %add3A = arith.addi %mul3A_0, %arg0 : i32
    %mul3A_1 = arith.constant 1600 : i32
    %mul3A_2 = arith.muli %add3A, %mul3A_1 : i32
    "tpu.region"() ({
      %run_scoped3A = tpu.sem_alloc : memref<!tpu.dma_semaphore, #tpu.memory_space<semaphore_mem>>
      %dma_start3A_161 = tpu.memref_slice %arg2[%mul3A_2] : memref<51200xi32, #tpu.memory_space<hbm>> -> memref<1600xi32, #tpu.memory_space<hbm>>
      %dma_start3A_162 = tpu.memref_slice %arg2[%mul3A_2] : memref<51200xi32, #tpu.memory_space<hbm>> -> memref<1600xi32, #tpu.memory_space<hbm>>
      tpu.enqueue_dma source(%dma_start3A_162 : memref<1600xi32, #tpu.memory_space<hbm>>) target(%arg5 : memref<1600xi32, #tpu.memory_space<vmem>>) target_semaphore(%run_scoped3A : memref<!tpu.dma_semaphore, #tpu.memory_space<semaphore_mem>>)
      %dma_wait3A_163 = tpu.memref_slice %arg2[%mul3A_2] : memref<51200xi32, #tpu.memory_space<hbm>> -> memref<1600xi32, #tpu.memory_space<hbm>>
      %dma_wait3A_164 = tpu.memref_slice %arg2[%mul3A_2] : memref<51200xi32, #tpu.memory_space<hbm>> -> memref<1600xi32, #tpu.memory_space<hbm>>
      tpu.wait_dma2 semaphore(%run_scoped3A : memref<!tpu.dma_semaphore, #tpu.memory_space<semaphore_mem>>) src(%dma_wait3A_164 : memref<1600xi32, #tpu.memory_space<hbm>>) dst(%arg5 : memref<1600xi32, #tpu.memory_space<vmem>>)
      tpu.yield
    }) : () -> ()
    %dma_start3A = arith.constant 0 : i32
    %dma_start3A_3 = tpu.memref_slice %arg5[%dma_start3A] : memref<1600xi32, #tpu.memory_space<vmem>> -> memref<200xi32, #tpu.memory_space<vmem>>
    %dma_start3A_4 = arith.constant 0 : i32
    %dma_start3A_5 = arith.constant 0 : i32
    %dma_start3A_6 = tpu.memref_slice %arg3[%dma_start3A_4, %dma_start3A_5] : memref<100000x128xf32, #tpu.memory_space<hbm>> -> memref<100000x128xf32, #tpu.memory_space<hbm>>
    tpu.enqueue_indirect_dma source(%dma_start3A_6 : memref<100000x128xf32, #tpu.memory_space<hbm>>) target(%arg6 : memref<200x128xf32, #tpu.memory_space<vmem>>) offsets(%dma_start3A_3 : memref<200xi32, #tpu.memory_space<vmem>>) semaphore(%arg10 : memref<!tpu.dma_semaphore, #tpu.memory_space<semaphore_mem>>)
    %dma_start3A_7 = arith.constant 200 : i32
    %dma_start3A_8 = tpu.memref_slice %arg5[%dma_start3A_7] : memref<1600xi32, #tpu.memory_space<vmem>> -> memref<200xi32, #tpu.memory_space<vmem>>
    %dma_start3A_9 = arith.constant 0 : i32
    %dma_start3A_10 = arith.constant 0 : i32
    %dma_start3A_11 = tpu.memref_slice %arg3[%dma_start3A_9, %dma_start3A_10] : memref<100000x128xf32, #tpu.memory_space<hbm>> -> memref<100000x128xf32, #tpu.memory_space<hbm>>
    tpu.enqueue_indirect_dma source(%dma_start3A_11 : memref<100000x128xf32, #tpu.memory_space<hbm>>) target(%arg7 : memref<200x128xf32, #tpu.memory_space<vmem>>) offsets(%dma_start3A_8 : memref<200xi32, #tpu.memory_space<vmem>>) semaphore(%arg11 : memref<!tpu.dma_semaphore, #tpu.memory_space<semaphore_mem>>)
    %dma_start3A_12 = arith.constant 400 : i32
    %dma_start3A_13 = tpu.memref_slice %arg5[%dma_start3A_12] : memref<1600xi32, #tpu.memory_space<vmem>> -> memref<200xi32, #tpu.memory_space<vmem>>
    %dma_start3A_14 = arith.constant 0 : i32
    %dma_start3A_15 = arith.constant 0 : i32
    %dma_start3A_16 = tpu.memref_slice %arg3[%dma_start3A_14, %dma_start3A_15] : memref<100000x128xf32, #tpu.memory_space<hbm>> -> memref<100000x128xf32, #tpu.memory_space<hbm>>
    tpu.enqueue_indirect_dma source(%dma_start3A_16 : memref<100000x128xf32, #tpu.memory_space<hbm>>) target(%arg8 : memref<200x128xf32, #tpu.memory_space<vmem>>) offsets(%dma_start3A_13 : memref<200xi32, #tpu.memory_space<vmem>>) semaphore(%arg12 : memref<!tpu.dma_semaphore, #tpu.memory_space<semaphore_mem>>)
    %dma_wait3A = arith.constant 0 : i32
    %dma_wait3A_17 = tpu.memref_slice %arg5[%dma_wait3A] : memref<1600xi32, #tpu.memory_space<vmem>> -> memref<200xi32, #tpu.memory_space<vmem>>
    %dma_wait3A_18 = arith.constant 0 : i32
    %dma_wait3A_19 = arith.constant 0 : i32
    %dma_wait3A_20 = tpu.memref_slice %arg3[%dma_wait3A_18, %dma_wait3A_19] : memref<100000x128xf32, #tpu.memory_space<hbm>> -> memref<100000x128xf32, #tpu.memory_space<hbm>>
    tpu.wait_indirect_dma semaphore(%arg10 : memref<!tpu.dma_semaphore, #tpu.memory_space<semaphore_mem>>) src(%dma_wait3A_20 : memref<100000x128xf32, #tpu.memory_space<hbm>>) dst(%arg6 : memref<200x128xf32, #tpu.memory_space<vmem>>)
    %add3A_21 = arith.constant 0 : i32
    %add3A_22 = arith.addi %mul3A_2, %add3A_21 : i32
    %dma_start3A_23 = arith.constant 0 : i32
    %dma_start3A_24 = tpu.memref_slice %arg4[%add3A_22, %dma_start3A_23] : memref<51200x128xf32, #tpu.memory_space<hbm>> -> memref<200x128xf32, #tpu.memory_space<hbm>>
    %dma_start3A_25 = arith.constant 0 : i32
    %dma_start3A_26 = tpu.memref_slice %arg4[%add3A_22, %dma_start3A_25] : memref<51200x128xf32, #tpu.memory_space<hbm>> -> memref<200x128xf32, #tpu.memory_space<hbm>>
    tpu.enqueue_dma source(%arg6 : memref<200x128xf32, #tpu.memory_space<vmem>>) target(%dma_start3A_26 : memref<200x128xf32, #tpu.memory_space<hbm>>) target_semaphore(%arg14 : memref<!tpu.dma_semaphore, #tpu.memory_space<semaphore_mem>>)
    %dma_start3A_27 = arith.constant 600 : i32
    %dma_start3A_28 = tpu.memref_slice %arg5[%dma_start3A_27] : memref<1600xi32, #tpu.memory_space<vmem>> -> memref<200xi32, #tpu.memory_space<vmem>>
    %dma_start3A_29 = arith.constant 0 : i32
    %dma_start3A_30 = arith.constant 0 : i32
    %dma_start3A_31 = tpu.memref_slice %arg3[%dma_start3A_29, %dma_start3A_30] : memref<100000x128xf32, #tpu.memory_space<hbm>> -> memref<100000x128xf32, #tpu.memory_space<hbm>>
    tpu.enqueue_indirect_dma source(%dma_start3A_31 : memref<100000x128xf32, #tpu.memory_space<hbm>>) target(%arg9 : memref<200x128xf32, #tpu.memory_space<vmem>>) offsets(%dma_start3A_28 : memref<200xi32, #tpu.memory_space<vmem>>) semaphore(%arg13 : memref<!tpu.dma_semaphore, #tpu.memory_space<semaphore_mem>>)
    %dma_wait3A_32 = arith.constant 200 : i32
    %dma_wait3A_33 = tpu.memref_slice %arg5[%dma_wait3A_32] : memref<1600xi32, #tpu.memory_space<vmem>> -> memref<200xi32, #tpu.memory_space<vmem>>
    %dma_wait3A_34 = arith.constant 0 : i32
    %dma_wait3A_35 = arith.constant 0 : i32
    %dma_wait3A_36 = tpu.memref_slice %arg3[%dma_wait3A_34, %dma_wait3A_35] : memref<100000x128xf32, #tpu.memory_space<hbm>> -> memref<100000x128xf32, #tpu.memory_space<hbm>>
    tpu.wait_indirect_dma semaphore(%arg11 : memref<!tpu.dma_semaphore, #tpu.memory_space<semaphore_mem>>) src(%dma_wait3A_36 : memref<100000x128xf32, #tpu.memory_space<hbm>>) dst(%arg7 : memref<200x128xf32, #tpu.memory_space<vmem>>)
    %add3A_37 = arith.constant 200 : i32
    %add3A_38 = arith.addi %mul3A_2, %add3A_37 : i32
    %dma_start3A_39 = arith.constant 0 : i32
    %dma_start3A_40 = tpu.memref_slice %arg4[%add3A_38, %dma_start3A_39] : memref<51200x128xf32, #tpu.memory_space<hbm>> -> memref<200x128xf32, #tpu.memory_space<hbm>>
    %dma_start3A_41 = arith.constant 0 : i32
    %dma_start3A_42 = tpu.memref_slice %arg4[%add3A_38, %dma_start3A_41] : memref<51200x128xf32, #tpu.memory_space<hbm>> -> memref<200x128xf32, #tpu.memory_space<hbm>>
    tpu.enqueue_dma source(%arg7 : memref<200x128xf32, #tpu.memory_space<vmem>>) target(%dma_start3A_42 : memref<200x128xf32, #tpu.memory_space<hbm>>) target_semaphore(%arg15 : memref<!tpu.dma_semaphore, #tpu.memory_space<semaphore_mem>>)
    %dma_wait3A_43 = arith.constant 0 : i32
    %dma_wait3A_44 = tpu.memref_slice %arg4[%add3A_22, %dma_wait3A_43] : memref<51200x128xf32, #tpu.memory_space<hbm>> -> memref<200x128xf32, #tpu.memory_space<hbm>>
    %dma_wait3A_45 = arith.constant 0 : i32
    %dma_wait3A_46 = tpu.memref_slice %arg4[%add3A_22, %dma_wait3A_45] : memref<51200x128xf32, #tpu.memory_space<hbm>> -> memref<200x128xf32, #tpu.memory_space<hbm>>
    tpu.wait_dma2 semaphore(%arg14 : memref<!tpu.dma_semaphore, #tpu.memory_space<semaphore_mem>>) src(%arg6 : memref<200x128xf32, #tpu.memory_space<vmem>>) dst(%dma_wait3A_46 : memref<200x128xf32, #tpu.memory_space<hbm>>)
    %dma_start3A_47 = arith.constant 800 : i32
    %dma_start3A_48 = tpu.memref_slice %arg5[%dma_start3A_47] : memref<1600xi32, #tpu.memory_space<vmem>> -> memref<200xi32, #tpu.memory_space<vmem>>
    %dma_start3A_49 = arith.constant 0 : i32
    %dma_start3A_50 = arith.constant 0 : i32
    %dma_start3A_51 = tpu.memref_slice %arg3[%dma_start3A_49, %dma_start3A_50] : memref<100000x128xf32, #tpu.memory_space<hbm>> -> memref<100000x128xf32, #tpu.memory_space<hbm>>
    tpu.enqueue_indirect_dma source(%dma_start3A_51 : memref<100000x128xf32, #tpu.memory_space<hbm>>) target(%arg6 : memref<200x128xf32, #tpu.memory_space<vmem>>) offsets(%dma_start3A_48 : memref<200xi32, #tpu.memory_space<vmem>>) semaphore(%arg10 : memref<!tpu.dma_semaphore, #tpu.memory_space<semaphore_mem>>)
    %dma_wait3A_52 = arith.constant 400 : i32
    %dma_wait3A_53 = tpu.memref_slice %arg5[%dma_wait3A_52] : memref<1600xi32, #tpu.memory_space<vmem>> -> memref<200xi32, #tpu.memory_space<vmem>>
    %dma_wait3A_54 = arith.constant 0 : i32
    %dma_wait3A_55 = arith.constant 0 : i32
    %dma_wait3A_56 = tpu.memref_slice %arg3[%dma_wait3A_54, %dma_wait3A_55] : memref<100000x128xf32, #tpu.memory_space<hbm>> -> memref<100000x128xf32, #tpu.memory_space<hbm>>
    tpu.wait_indirect_dma semaphore(%arg12 : memref<!tpu.dma_semaphore, #tpu.memory_space<semaphore_mem>>) src(%dma_wait3A_56 : memref<100000x128xf32, #tpu.memory_space<hbm>>) dst(%arg8 : memref<200x128xf32, #tpu.memory_space<vmem>>)
    %add3A_57 = arith.constant 400 : i32
    %add3A_58 = arith.addi %mul3A_2, %add3A_57 : i32
    %dma_start3A_59 = arith.constant 0 : i32
    %dma_start3A_60 = tpu.memref_slice %arg4[%add3A_58, %dma_start3A_59] : memref<51200x128xf32, #tpu.memory_space<hbm>> -> memref<200x128xf32, #tpu.memory_space<hbm>>
    %dma_start3A_61 = arith.constant 0 : i32
    %dma_start3A_62 = tpu.memref_slice %arg4[%add3A_58, %dma_start3A_61] : memref<51200x128xf32, #tpu.memory_space<hbm>> -> memref<200x128xf32, #tpu.memory_space<hbm>>
    tpu.enqueue_dma source(%arg8 : memref<200x128xf32, #tpu.memory_space<vmem>>) target(%dma_start3A_62 : memref<200x128xf32, #tpu.memory_space<hbm>>) target_semaphore(%arg16 : memref<!tpu.dma_semaphore, #tpu.memory_space<semaphore_mem>>)
    %dma_wait3A_63 = arith.constant 0 : i32
    %dma_wait3A_64 = tpu.memref_slice %arg4[%add3A_38, %dma_wait3A_63] : memref<51200x128xf32, #tpu.memory_space<hbm>> -> memref<200x128xf32, #tpu.memory_space<hbm>>
    %dma_wait3A_65 = arith.constant 0 : i32
    %dma_wait3A_66 = tpu.memref_slice %arg4[%add3A_38, %dma_wait3A_65] : memref<51200x128xf32, #tpu.memory_space<hbm>> -> memref<200x128xf32, #tpu.memory_space<hbm>>
    tpu.wait_dma2 semaphore(%arg15 : memref<!tpu.dma_semaphore, #tpu.memory_space<semaphore_mem>>) src(%arg7 : memref<200x128xf32, #tpu.memory_space<vmem>>) dst(%dma_wait3A_66 : memref<200x128xf32, #tpu.memory_space<hbm>>)
    %dma_start3A_67 = arith.constant 1000 : i32
    %dma_start3A_68 = tpu.memref_slice %arg5[%dma_start3A_67] : memref<1600xi32, #tpu.memory_space<vmem>> -> memref<200xi32, #tpu.memory_space<vmem>>
    %dma_start3A_69 = arith.constant 0 : i32
    %dma_start3A_70 = arith.constant 0 : i32
    %dma_start3A_71 = tpu.memref_slice %arg3[%dma_start3A_69, %dma_start3A_70] : memref<100000x128xf32, #tpu.memory_space<hbm>> -> memref<100000x128xf32, #tpu.memory_space<hbm>>
    tpu.enqueue_indirect_dma source(%dma_start3A_71 : memref<100000x128xf32, #tpu.memory_space<hbm>>) target(%arg7 : memref<200x128xf32, #tpu.memory_space<vmem>>) offsets(%dma_start3A_68 : memref<200xi32, #tpu.memory_space<vmem>>) semaphore(%arg11 : memref<!tpu.dma_semaphore, #tpu.memory_space<semaphore_mem>>)
    %dma_wait3A_72 = arith.constant 600 : i32
    %dma_wait3A_73 = tpu.memref_slice %arg5[%dma_wait3A_72] : memref<1600xi32, #tpu.memory_space<vmem>> -> memref<200xi32, #tpu.memory_space<vmem>>
    %dma_wait3A_74 = arith.constant 0 : i32
    %dma_wait3A_75 = arith.constant 0 : i32
    %dma_wait3A_76 = tpu.memref_slice %arg3[%dma_wait3A_74, %dma_wait3A_75] : memref<100000x128xf32, #tpu.memory_space<hbm>> -> memref<100000x128xf32, #tpu.memory_space<hbm>>
    tpu.wait_indirect_dma semaphore(%arg13 : memref<!tpu.dma_semaphore, #tpu.memory_space<semaphore_mem>>) src(%dma_wait3A_76 : memref<100000x128xf32, #tpu.memory_space<hbm>>) dst(%arg9 : memref<200x128xf32, #tpu.memory_space<vmem>>)
    %add3A_77 = arith.constant 600 : i32
    %add3A_78 = arith.addi %mul3A_2, %add3A_77 : i32
    %dma_start3A_79 = arith.constant 0 : i32
    %dma_start3A_80 = tpu.memref_slice %arg4[%add3A_78, %dma_start3A_79] : memref<51200x128xf32, #tpu.memory_space<hbm>> -> memref<200x128xf32, #tpu.memory_space<hbm>>
    %dma_start3A_81 = arith.constant 0 : i32
    %dma_start3A_82 = tpu.memref_slice %arg4[%add3A_78, %dma_start3A_81] : memref<51200x128xf32, #tpu.memory_space<hbm>> -> memref<200x128xf32, #tpu.memory_space<hbm>>
    tpu.enqueue_dma source(%arg9 : memref<200x128xf32, #tpu.memory_space<vmem>>) target(%dma_start3A_82 : memref<200x128xf32, #tpu.memory_space<hbm>>) target_semaphore(%arg17 : memref<!tpu.dma_semaphore, #tpu.memory_space<semaphore_mem>>)
    %dma_wait3A_83 = arith.constant 0 : i32
    %dma_wait3A_84 = tpu.memref_slice %arg4[%add3A_58, %dma_wait3A_83] : memref<51200x128xf32, #tpu.memory_space<hbm>> -> memref<200x128xf32, #tpu.memory_space<hbm>>
    %dma_wait3A_85 = arith.constant 0 : i32
    %dma_wait3A_86 = tpu.memref_slice %arg4[%add3A_58, %dma_wait3A_85] : memref<51200x128xf32, #tpu.memory_space<hbm>> -> memref<200x128xf32, #tpu.memory_space<hbm>>
    tpu.wait_dma2 semaphore(%arg16 : memref<!tpu.dma_semaphore, #tpu.memory_space<semaphore_mem>>) src(%arg8 : memref<200x128xf32, #tpu.memory_space<vmem>>) dst(%dma_wait3A_86 : memref<200x128xf32, #tpu.memory_space<hbm>>)
    %dma_start3A_87 = arith.constant 1200 : i32
    %dma_start3A_88 = tpu.memref_slice %arg5[%dma_start3A_87] : memref<1600xi32, #tpu.memory_space<vmem>> -> memref<200xi32, #tpu.memory_space<vmem>>
    %dma_start3A_89 = arith.constant 0 : i32
    %dma_start3A_90 = arith.constant 0 : i32
    %dma_start3A_91 = tpu.memref_slice %arg3[%dma_start3A_89, %dma_start3A_90] : memref<100000x128xf32, #tpu.memory_space<hbm>> -> memref<100000x128xf32, #tpu.memory_space<hbm>>
    tpu.enqueue_indirect_dma source(%dma_start3A_91 : memref<100000x128xf32, #tpu.memory_space<hbm>>) target(%arg8 : memref<200x128xf32, #tpu.memory_space<vmem>>) offsets(%dma_start3A_88 : memref<200xi32, #tpu.memory_space<vmem>>) semaphore(%arg12 : memref<!tpu.dma_semaphore, #tpu.memory_space<semaphore_mem>>)
    %dma_wait3A_92 = arith.constant 800 : i32
    %dma_wait3A_93 = tpu.memref_slice %arg5[%dma_wait3A_92] : memref<1600xi32, #tpu.memory_space<vmem>> -> memref<200xi32, #tpu.memory_space<vmem>>
    %dma_wait3A_94 = arith.constant 0 : i32
    %dma_wait3A_95 = arith.constant 0 : i32
    %dma_wait3A_96 = tpu.memref_slice %arg3[%dma_wait3A_94, %dma_wait3A_95] : memref<100000x128xf32, #tpu.memory_space<hbm>> -> memref<100000x128xf32, #tpu.memory_space<hbm>>
    tpu.wait_indirect_dma semaphore(%arg10 : memref<!tpu.dma_semaphore, #tpu.memory_space<semaphore_mem>>) src(%dma_wait3A_96 : memref<100000x128xf32, #tpu.memory_space<hbm>>) dst(%arg6 : memref<200x128xf32, #tpu.memory_space<vmem>>)
    %add3A_97 = arith.constant 800 : i32
    %add3A_98 = arith.addi %mul3A_2, %add3A_97 : i32
    %dma_start3A_99 = arith.constant 0 : i32
    %dma_start3A_100 = tpu.memref_slice %arg4[%add3A_98, %dma_start3A_99] : memref<51200x128xf32, #tpu.memory_space<hbm>> -> memref<200x128xf32, #tpu.memory_space<hbm>>
    %dma_start3A_101 = arith.constant 0 : i32
    %dma_start3A_102 = tpu.memref_slice %arg4[%add3A_98, %dma_start3A_101] : memref<51200x128xf32, #tpu.memory_space<hbm>> -> memref<200x128xf32, #tpu.memory_space<hbm>>
    tpu.enqueue_dma source(%arg6 : memref<200x128xf32, #tpu.memory_space<vmem>>) target(%dma_start3A_102 : memref<200x128xf32, #tpu.memory_space<hbm>>) target_semaphore(%arg14 : memref<!tpu.dma_semaphore, #tpu.memory_space<semaphore_mem>>)
    %dma_wait3A_103 = arith.constant 0 : i32
    %dma_wait3A_104 = tpu.memref_slice %arg4[%add3A_78, %dma_wait3A_103] : memref<51200x128xf32, #tpu.memory_space<hbm>> -> memref<200x128xf32, #tpu.memory_space<hbm>>
    %dma_wait3A_105 = arith.constant 0 : i32
    %dma_wait3A_106 = tpu.memref_slice %arg4[%add3A_78, %dma_wait3A_105] : memref<51200x128xf32, #tpu.memory_space<hbm>> -> memref<200x128xf32, #tpu.memory_space<hbm>>
    tpu.wait_dma2 semaphore(%arg17 : memref<!tpu.dma_semaphore, #tpu.memory_space<semaphore_mem>>) src(%arg9 : memref<200x128xf32, #tpu.memory_space<vmem>>) dst(%dma_wait3A_106 : memref<200x128xf32, #tpu.memory_space<hbm>>)
    %dma_start3A_107 = arith.constant 1400 : i32
    %dma_start3A_108 = tpu.memref_slice %arg5[%dma_start3A_107] : memref<1600xi32, #tpu.memory_space<vmem>> -> memref<200xi32, #tpu.memory_space<vmem>>
    %dma_start3A_109 = arith.constant 0 : i32
    %dma_start3A_110 = arith.constant 0 : i32
    %dma_start3A_111 = tpu.memref_slice %arg3[%dma_start3A_109, %dma_start3A_110] : memref<100000x128xf32, #tpu.memory_space<hbm>> -> memref<100000x128xf32, #tpu.memory_space<hbm>>
    tpu.enqueue_indirect_dma source(%dma_start3A_111 : memref<100000x128xf32, #tpu.memory_space<hbm>>) target(%arg9 : memref<200x128xf32, #tpu.memory_space<vmem>>) offsets(%dma_start3A_108 : memref<200xi32, #tpu.memory_space<vmem>>) semaphore(%arg13 : memref<!tpu.dma_semaphore, #tpu.memory_space<semaphore_mem>>)
    %dma_wait3A_112 = arith.constant 1000 : i32
    %dma_wait3A_113 = tpu.memref_slice %arg5[%dma_wait3A_112] : memref<1600xi32, #tpu.memory_space<vmem>> -> memref<200xi32, #tpu.memory_space<vmem>>
    %dma_wait3A_114 = arith.constant 0 : i32
    %dma_wait3A_115 = arith.constant 0 : i32
    %dma_wait3A_116 = tpu.memref_slice %arg3[%dma_wait3A_114, %dma_wait3A_115] : memref<100000x128xf32, #tpu.memory_space<hbm>> -> memref<100000x128xf32, #tpu.memory_space<hbm>>
    tpu.wait_indirect_dma semaphore(%arg11 : memref<!tpu.dma_semaphore, #tpu.memory_space<semaphore_mem>>) src(%dma_wait3A_116 : memref<100000x128xf32, #tpu.memory_space<hbm>>) dst(%arg7 : memref<200x128xf32, #tpu.memory_space<vmem>>)
    %add3A_117 = arith.constant 1000 : i32
    %add3A_118 = arith.addi %mul3A_2, %add3A_117 : i32
    %dma_start3A_119 = arith.constant 0 : i32
    %dma_start3A_120 = tpu.memref_slice %arg4[%add3A_118, %dma_start3A_119] : memref<51200x128xf32, #tpu.memory_space<hbm>> -> memref<200x128xf32, #tpu.memory_space<hbm>>
    %dma_start3A_121 = arith.constant 0 : i32
    %dma_start3A_122 = tpu.memref_slice %arg4[%add3A_118, %dma_start3A_121] : memref<51200x128xf32, #tpu.memory_space<hbm>> -> memref<200x128xf32, #tpu.memory_space<hbm>>
    tpu.enqueue_dma source(%arg7 : memref<200x128xf32, #tpu.memory_space<vmem>>) target(%dma_start3A_122 : memref<200x128xf32, #tpu.memory_space<hbm>>) target_semaphore(%arg15 : memref<!tpu.dma_semaphore, #tpu.memory_space<semaphore_mem>>)
    %dma_wait3A_123 = arith.constant 1200 : i32
    %dma_wait3A_124 = tpu.memref_slice %arg5[%dma_wait3A_123] : memref<1600xi32, #tpu.memory_space<vmem>> -> memref<200xi32, #tpu.memory_space<vmem>>
    %dma_wait3A_125 = arith.constant 0 : i32
    %dma_wait3A_126 = arith.constant 0 : i32
    %dma_wait3A_127 = tpu.memref_slice %arg3[%dma_wait3A_125, %dma_wait3A_126] : memref<100000x128xf32, #tpu.memory_space<hbm>> -> memref<100000x128xf32, #tpu.memory_space<hbm>>
    tpu.wait_indirect_dma semaphore(%arg12 : memref<!tpu.dma_semaphore, #tpu.memory_space<semaphore_mem>>) src(%dma_wait3A_127 : memref<100000x128xf32, #tpu.memory_space<hbm>>) dst(%arg8 : memref<200x128xf32, #tpu.memory_space<vmem>>)
    %add3A_128 = arith.constant 1200 : i32
    %add3A_129 = arith.addi %mul3A_2, %add3A_128 : i32
    %dma_start3A_130 = arith.constant 0 : i32
    %dma_start3A_131 = tpu.memref_slice %arg4[%add3A_129, %dma_start3A_130] : memref<51200x128xf32, #tpu.memory_space<hbm>> -> memref<200x128xf32, #tpu.memory_space<hbm>>
    %dma_start3A_132 = arith.constant 0 : i32
    %dma_start3A_133 = tpu.memref_slice %arg4[%add3A_129, %dma_start3A_132] : memref<51200x128xf32, #tpu.memory_space<hbm>> -> memref<200x128xf32, #tpu.memory_space<hbm>>
    tpu.enqueue_dma source(%arg8 : memref<200x128xf32, #tpu.memory_space<vmem>>) target(%dma_start3A_133 : memref<200x128xf32, #tpu.memory_space<hbm>>) target_semaphore(%arg16 : memref<!tpu.dma_semaphore, #tpu.memory_space<semaphore_mem>>)
    %dma_wait3A_134 = arith.constant 1400 : i32
    %dma_wait3A_135 = tpu.memref_slice %arg5[%dma_wait3A_134] : memref<1600xi32, #tpu.memory_space<vmem>> -> memref<200xi32, #tpu.memory_space<vmem>>
    %dma_wait3A_136 = arith.constant 0 : i32
    %dma_wait3A_137 = arith.constant 0 : i32
    %dma_wait3A_138 = tpu.memref_slice %arg3[%dma_wait3A_136, %dma_wait3A_137] : memref<100000x128xf32, #tpu.memory_space<hbm>> -> memref<100000x128xf32, #tpu.memory_space<hbm>>
    tpu.wait_indirect_dma semaphore(%arg13 : memref<!tpu.dma_semaphore, #tpu.memory_space<semaphore_mem>>) src(%dma_wait3A_138 : memref<100000x128xf32, #tpu.memory_space<hbm>>) dst(%arg9 : memref<200x128xf32, #tpu.memory_space<vmem>>)
    %add3A_139 = arith.constant 1400 : i32
    %add3A_140 = arith.addi %mul3A_2, %add3A_139 : i32
    %dma_start3A_141 = arith.constant 0 : i32
    %dma_start3A_142 = tpu.memref_slice %arg4[%add3A_140, %dma_start3A_141] : memref<51200x128xf32, #tpu.memory_space<hbm>> -> memref<200x128xf32, #tpu.memory_space<hbm>>
    %dma_start3A_143 = arith.constant 0 : i32
    %dma_start3A_144 = tpu.memref_slice %arg4[%add3A_140, %dma_start3A_143] : memref<51200x128xf32, #tpu.memory_space<hbm>> -> memref<200x128xf32, #tpu.memory_space<hbm>>
    tpu.enqueue_dma source(%arg9 : memref<200x128xf32, #tpu.memory_space<vmem>>) target(%dma_start3A_144 : memref<200x128xf32, #tpu.memory_space<hbm>>) target_semaphore(%arg17 : memref<!tpu.dma_semaphore, #tpu.memory_space<semaphore_mem>>)
    %dma_wait3A_145 = arith.constant 0 : i32
    %dma_wait3A_146 = tpu.memref_slice %arg4[%add3A_98, %dma_wait3A_145] : memref<51200x128xf32, #tpu.memory_space<hbm>> -> memref<200x128xf32, #tpu.memory_space<hbm>>
    %dma_wait3A_147 = arith.constant 0 : i32
    %dma_wait3A_148 = tpu.memref_slice %arg4[%add3A_98, %dma_wait3A_147] : memref<51200x128xf32, #tpu.memory_space<hbm>> -> memref<200x128xf32, #tpu.memory_space<hbm>>
    tpu.wait_dma2 semaphore(%arg14 : memref<!tpu.dma_semaphore, #tpu.memory_space<semaphore_mem>>) src(%arg6 : memref<200x128xf32, #tpu.memory_space<vmem>>) dst(%dma_wait3A_148 : memref<200x128xf32, #tpu.memory_space<hbm>>)
    %dma_wait3A_149 = arith.constant 0 : i32
    %dma_wait3A_150 = tpu.memref_slice %arg4[%add3A_118, %dma_wait3A_149] : memref<51200x128xf32, #tpu.memory_space<hbm>> -> memref<200x128xf32, #tpu.memory_space<hbm>>
    %dma_wait3A_151 = arith.constant 0 : i32
    %dma_wait3A_152 = tpu.memref_slice %arg4[%add3A_118, %dma_wait3A_151] : memref<51200x128xf32, #tpu.memory_space<hbm>> -> memref<200x128xf32, #tpu.memory_space<hbm>>
    tpu.wait_dma2 semaphore(%arg15 : memref<!tpu.dma_semaphore, #tpu.memory_space<semaphore_mem>>) src(%arg7 : memref<200x128xf32, #tpu.memory_space<vmem>>) dst(%dma_wait3A_152 : memref<200x128xf32, #tpu.memory_space<hbm>>)
    %dma_wait3A_153 = arith.constant 0 : i32
    %dma_wait3A_154 = tpu.memref_slice %arg4[%add3A_129, %dma_wait3A_153] : memref<51200x128xf32, #tpu.memory_space<hbm>> -> memref<200x128xf32, #tpu.memory_space<hbm>>
    %dma_wait3A_155 = arith.constant 0 : i32
    %dma_wait3A_156 = tpu.memref_slice %arg4[%add3A_129, %dma_wait3A_155] : memref<51200x128xf32, #tpu.memory_space<hbm>> -> memref<200x128xf32, #tpu.memory_space<hbm>>
    tpu.wait_dma2 semaphore(%arg16 : memref<!tpu.dma_semaphore, #tpu.memory_space<semaphore_mem>>) src(%arg8 : memref<200x128xf32, #tpu.memory_space<vmem>>) dst(%dma_wait3A_156 : memref<200x128xf32, #tpu.memory_space<hbm>>)
    %dma_wait3A_157 = arith.constant 0 : i32
    %dma_wait3A_158 = tpu.memref_slice %arg4[%add3A_140, %dma_wait3A_157] : memref<51200x128xf32, #tpu.memory_space<hbm>> -> memref<200x128xf32, #tpu.memory_space<hbm>>
    %dma_wait3A_159 = arith.constant 0 : i32
    %dma_wait3A_160 = tpu.memref_slice %arg4[%add3A_140, %dma_wait3A_159] : memref<51200x128xf32, #tpu.memory_space<hbm>> -> memref<200x128xf32, #tpu.memory_space<hbm>>
    tpu.wait_dma2 semaphore(%arg17 : memref<!tpu.dma_semaphore, #tpu.memory_space<semaphore_mem>>) src(%arg9 : memref<200x128xf32, #tpu.memory_space<vmem>>) dst(%dma_wait3A_160 : memref<200x128xf32, #tpu.memory_space<hbm>>)
    return
  }
}

module attributes {stable_mosaic.version = 14 : i64} {
  func.func @_tc_body(%arg0: i32, %arg1: memref<2x1x1024xi32, #tpu.memory_space<vmem>>, %arg2: memref<2x1024x128xf32, #tpu.memory_space<vmem>>, %arg3: memref<8x128xf32, #tpu.memory_space<vmem>>, %arg4: memref<32x128xf32, #tpu.memory_space<vmem>>, %arg5: memref<50x4x1024xi32, #tpu.memory_space<hbm>>, %arg6: memref<50x16x1024xf32, #tpu.memory_space<hbm>>, %arg7: memref<50x8x1024xf32, #tpu.memory_space<hbm>>, %arg8: memref<4x1024x64xf32, #tpu.memory_space<hbm>>, %arg9: memref<384x128xf32, #tpu.memory_space<hbm>>, %arg10: memref<16x64xf32, #tpu.memory_space<vmem>>, %arg11: memref<1x64xf32, #tpu.memory_space<vmem>>, %arg12: memref<64x64xf32, #tpu.memory_space<vmem>>, %arg13: memref<1x64xf32, #tpu.memory_space<vmem>>, %arg14: memref<16x1xf32, #tpu.memory_space<vmem>>, %arg15: memref<16x1xf32, #tpu.memory_space<vmem>>, %arg16: memref<8x64xf32, #tpu.memory_space<vmem>>, %arg17: memref<1x64xf32, #tpu.memory_space<vmem>>, %arg18: memref<64x64xf32, #tpu.memory_space<vmem>>, %arg19: memref<1x64xf32, #tpu.memory_space<vmem>>, %arg20: memref<8x1xf32, #tpu.memory_space<vmem>>, %arg21: memref<8x1xf32, #tpu.memory_space<vmem>>, %arg22: memref<1x128xf32, #tpu.memory_space<vmem>>, %arg23: memref<1x128xf32, #tpu.memory_space<vmem>>, %arg24: memref<1x128xf32, #tpu.memory_space<vmem>>, %arg25: memref<2x1024x128xf32, #tpu.memory_space<vmem>>, %arg26: memref<1x1024xf32, #tpu.memory_space<vmem>>, %arg27: memref<4x1024x64xf32, #tpu.memory_space<vmem>>, %arg28: memref<384x128xf32, #tpu.memory_space<vmem>>, %arg29: memref<2x4x1024xi32, #tpu.memory_space<vmem>>, %arg30: memref<2x16x1024xf32, #tpu.memory_space<vmem>>, %arg31: memref<2x8x1024xf32, #tpu.memory_space<vmem>>, %arg32: memref<!tpu.dma_semaphore, #tpu.memory_space<semaphore_mem>>, %arg33: memref<!tpu.dma_semaphore, #tpu.memory_space<semaphore_mem>>, %arg34: memref<!tpu.dma_semaphore, #tpu.memory_space<semaphore_mem>>) attributes {dimension_semantics = [#tpu.dimension_semantics<arbitrary>], iteration_bounds = array<i64: 25>, scalar_prefetch = 0 : i64, scratch_operands = 9 : i64, tpu.core_type = #tpu.core_type<tc>, window_params = [{transform_indices = @transform_0, window_bounds = array<i64: 2, 1, 1024>}, {transform_indices = @transform_1, window_bounds = array<i64: 2, 1024, 128>}, {pipeline_mode = #tpu.pipeline_mode<synchronous>, transform_indices = @transform_2, window_bounds = array<i64: 8, 128>}, {pipeline_mode = #tpu.pipeline_mode<synchronous>, transform_indices = @transform_3, window_bounds = array<i64: 32, 128>}, {}, {}, {}, {}, {}, {pipeline_mode = #tpu.pipeline_mode<synchronous>, transform_indices = @transform_9, window_bounds = array<i64: 16, 64>}, {pipeline_mode = #tpu.pipeline_mode<synchronous>, transform_indices = @transform_10, window_bounds = array<i64: 1, 64>}, {pipeline_mode = #tpu.pipeline_mode<synchronous>, transform_indices = @transform_11, window_bounds = array<i64: 64, 64>}, {pipeline_mode = #tpu.pipeline_mode<synchronous>, transform_indices = @transform_12, window_bounds = array<i64: 1, 64>}, {pipeline_mode = #tpu.pipeline_mode<synchronous>, transform_indices = @transform_13, window_bounds = array<i64: 16, 1>}, {pipeline_mode = #tpu.pipeline_mode<synchronous>, transform_indices = @transform_14, window_bounds = array<i64: 16, 1>}, {pipeline_mode = #tpu.pipeline_mode<synchronous>, transform_indices = @transform_15, window_bounds = array<i64: 8, 64>}, {pipeline_mode = #tpu.pipeline_mode<synchronous>, transform_indices = @transform_16, window_bounds = array<i64: 1, 64>}, {pipeline_mode = #tpu.pipeline_mode<synchronous>, transform_indices = @transform_17, window_bounds = array<i64: 64, 64>}, {pipeline_mode = #tpu.pipeline_mode<synchronous>, transform_indices = @transform_18, window_bounds = array<i64: 1, 64>}, {pipeline_mode = #tpu.pipeline_mode<synchronous>, transform_indices = @transform_19, window_bounds = array<i64: 8, 1>}, {pipeline_mode = #tpu.pipeline_mode<synchronous>, transform_indices = @transform_20, window_bounds = array<i64: 8, 1>}, {pipeline_mode = #tpu.pipeline_mode<synchronous>, transform_indices = @transform_21, window_bounds = array<i64: 1, 128>}, {pipeline_mode = #tpu.pipeline_mode<synchronous>, transform_indices = @transform_22, window_bounds = array<i64: 1, 128>}, {pipeline_mode = #tpu.pipeline_mode<synchronous>, transform_indices = @transform_23, window_bounds = array<i64: 1, 128>}, {transform_indices = @transform_24, window_bounds = array<i64: 2, 1024, 128>}]} {
    %eq3A = arith.constant 0 : i32
    %eq3A_0 = arith.cmpi eq, %arg0, %eq3A : i32
    %convert_element_type3A = arith.extui %eq3A_0 : i1 to i32
    %cond3A = arith.constant 0 : i32
    %cond3A_1 = arith.cmpi ne, %convert_element_type3A, %cond3A : i32
    scf.if %cond3A_1 {
      %broadcast_in_dim3A_71 = arith.constant 0.000000e+00 : f32
      %broadcast_in_dim3A_72 = vector.broadcast %broadcast_in_dim3A_71 : f32 to vector<1x1024xf32>
      %swap3A_73 = arith.constant 0 : index
      %swap3A_74 = arith.constant 0 : index
      %swap3A_75 = vector.load %arg26[%swap3A_73, %swap3A_74] : memref<1x1024xf32, #tpu.memory_space<vmem>>, vector<1x1024xf32>
      tpu.vector_store %arg26[%swap3A_73, %swap3A_74], %broadcast_in_dim3A_72 {strides = array<i32>} : memref<1x1024xf32, #tpu.memory_space<vmem>>, vector<1x1024xf32>,
      tpu.enqueue_dma source(%arg8 : memref<4x1024x64xf32, #tpu.memory_space<hbm>>) target(%arg27 : memref<4x1024x64xf32, #tpu.memory_space<vmem>>) target_semaphore(%arg32 : memref<!tpu.dma_semaphore, #tpu.memory_space<semaphore_mem>>)
      tpu.enqueue_dma source(%arg9 : memref<384x128xf32, #tpu.memory_space<hbm>>) target(%arg28 : memref<384x128xf32, #tpu.memory_space<vmem>>) target_semaphore(%arg33 : memref<!tpu.dma_semaphore, #tpu.memory_space<semaphore_mem>>)
      tpu.wait_dma2 semaphore(%arg32 : memref<!tpu.dma_semaphore, #tpu.memory_space<semaphore_mem>>) src(%arg8 : memref<4x1024x64xf32, #tpu.memory_space<hbm>>) dst(%arg27 : memref<4x1024x64xf32, #tpu.memory_space<vmem>>)
      tpu.wait_dma2 semaphore(%arg33 : memref<!tpu.dma_semaphore, #tpu.memory_space<semaphore_mem>>) src(%arg9 : memref<384x128xf32, #tpu.memory_space<hbm>>) dst(%arg28 : memref<384x128xf32, #tpu.memory_space<vmem>>)
    } else {
    }
    %get3A = arith.constant 0 : index
    %get3A_2 = arith.constant 0 : index
    %get3A_3 = arith.constant 0 : index
    %get3A_4 = vector.load %arg1[%get3A, %get3A_2, %get3A_3] : memref<2x1x1024xi32, #tpu.memory_space<vmem>>, vector<2x1x1024xi32>
    %get3A_5 = vector.shape_cast %get3A_4 : vector<2x1x1024xi32> to vector<2x1024xi32>
    %eq3A_6 = arith.constant 6 : i32
    %eq3A_7 = vector.broadcast %eq3A_6 : i32 to vector<2x1024xi32>
    %eq3A_8 = arith.cmpi eq, %get3A_5, %eq3A_7 : vector<2x1024xi32>
    %convert_element_type3A_9 = arith.extui %eq3A_8 : vector<2x1024xi1> to vector<2x1024xi32>
    %convert_element_type3A_10 = arith.sitofp %convert_element_type3A_9 : vector<2x1024xi32> to vector<2x1024xf32>
    %get3A_11 = arith.constant 0 : index
    %get3A_12 = arith.constant 0 : index
    %get3A_13 = vector.load %arg26[%get3A_11, %get3A_12] : memref<1x1024xf32, #tpu.memory_space<vmem>>, vector<1x1024xf32>
    %slice3A = vector.extract_strided_slice %convert_element_type3A_10 {offsets = [0, 0], sizes = [1, 1024], strides = [1, 1]} : vector<2x1024xf32> to vector<1x1024xf32>
    %add3A = arith.addf %get3A_13, %slice3A : vector<1x1024xf32>
    %slice3A_14 = vector.extract_strided_slice %convert_element_type3A_10 {offsets = [1, 0], sizes = [1, 1024], strides = [1, 1]} : vector<2x1024xf32> to vector<1x1024xf32>
    %add3A_15 = arith.addf %add3A, %slice3A_14 : vector<1x1024xf32>
    %swap3A = arith.constant 0 : index
    %swap3A_16 = arith.constant 0 : index
    %swap3A_17 = vector.load %arg26[%swap3A, %swap3A_16] : memref<1x1024xf32, #tpu.memory_space<vmem>>, vector<1x1024xf32>
    tpu.vector_store %arg26[%swap3A, %swap3A_16], %add3A_15 {strides = array<i32>} : memref<1x1024xf32, #tpu.memory_space<vmem>>, vector<1x1024xf32>,
    %get3A_18 = arith.constant 0 : index
    %get3A_19 = arith.constant 0 : index
    %get3A_20 = arith.constant 0 : index
    %get3A_21 = vector.load %arg2[%get3A_18, %get3A_19, %get3A_20] : memref<2x1024x128xf32, #tpu.memory_space<vmem>>, vector<2x1024x128xf32>
    %get3A_22 = arith.constant 6 : index
    %get3A_23 = arith.constant 0 : index
    %get3A_24 = vector.load %arg3[%get3A_22, %get3A_23] : memref<8x128xf32, #tpu.memory_space<vmem>>, vector<1x128xf32>
    %get3A_25 = arith.constant 0 : index
    %get3A_26 = arith.constant 0 : index
    %get3A_27 = vector.load %arg4[%get3A_25, %get3A_26] : memref<32x128xf32, #tpu.memory_space<vmem>>, vector<1x128xf32>
    %add3A_28 = arith.addf %get3A_24, %get3A_27 : vector<1x128xf32>
    %broadcast_in_dim3A = vector.shape_cast %add3A_28 : vector<1x128xf32> to vector<1x1x128xf32>
    %add3A_29 = vector.broadcast %broadcast_in_dim3A : vector<1x1x128xf32> to vector<2x1024x128xf32>
    %add3A_30 = arith.addf %get3A_21, %add3A_29 : vector<2x1024x128xf32>
    %swap3A_31 = arith.constant 0 : index
    %swap3A_32 = arith.constant 0 : index
    %swap3A_33 = arith.constant 0 : index
    %swap3A_34 = vector.load %arg25[%swap3A_31, %swap3A_32, %swap3A_33] : memref<2x1024x128xf32, #tpu.memory_space<vmem>>, vector<2x1024x128xf32>
    tpu.vector_store %arg25[%swap3A_31, %swap3A_32, %swap3A_33], %add3A_30 {strides = array<i32>} : memref<2x1024x128xf32, #tpu.memory_space<vmem>>, vector<2x1024x128xf32>,
    %reduce_max3A = vector.shape_cast %add3A_15 : vector<1x1024xf32> to vector<1x1x1024xf32>
    %reduce_max3A_35 = arith.constant dense<0xFF800000> : vector<1xf32>
    %reduce_max3A_36 = vector.multi_reduction <maximumf>, %reduce_max3A, %reduce_max3A_35 [1, 2] : vector<1x1x1024xf32> to vector<1xf32>
    %reduce_max3A_37 = vector.shape_cast %reduce_max3A_36 : vector<1xf32> to vector<1x1x1xf32>
    %reduce_max3A_38 = vector.extract %reduce_max3A_37[0, 0, 0] : f32 from vector<1x1x1xf32>
    %gt3A = arith.constant 0.000000e+00 : f32
    %gt3A_39 = arith.cmpf ogt, %reduce_max3A_38, %gt3A : f32
    %lt3A = arith.constant 7 : i32
    %lt3A_40 = vector.broadcast %lt3A : i32 to vector<2x1024xi32>
    %lt3A_41 = arith.cmpi slt, %get3A_5, %lt3A_40 : vector<2x1024xi32>
    %eq3A_42 = arith.constant 1 : i32
    %eq3A_43 = vector.broadcast %eq3A_42 : i32 to vector<2x1024xi32>
    %eq3A_44 = arith.cmpi eq, %get3A_5, %eq3A_43 : vector<2x1024xi32>
    %jit3A = arith.constant 6 : i32
    %jit3A_45 = arith.constant 2 : i32
    %broadcast_in_dim3A_46 = vector.broadcast %jit3A : i32 to vector<2x1024xi32>
    %broadcast_in_dim3A_47 = vector.broadcast %jit3A_45 : i32 to vector<2x1024xi32>
    %select_n3A = arith.select %eq3A_44, %broadcast_in_dim3A_46, %broadcast_in_dim3A_47 : vector<2x1024xi1>, vector<2x1024xi32>
    %broadcast_in_dim3A_48 = arith.constant 0 : i32
    %broadcast_in_dim3A_49 = vector.broadcast %broadcast_in_dim3A_48 : i32 to vector<2x1024xi32>
    %select_n3A_50 = arith.select %lt3A_41, %select_n3A, %broadcast_in_dim3A_49 : vector<2x1024xi1>, vector<2x1024xi32>
    %reduce_max3A_51 = vector.shape_cast %select_n3A_50 : vector<2x1024xi32> to vector<1x2x1024xi32>
    %reduce_max3A_52 = arith.constant dense<-2147483648> : vector<1xi32>
    %reduce_max3A_53 = vector.multi_reduction <maxsi>, %reduce_max3A_51, %reduce_max3A_52 [1, 2] : vector<1x2x1024xi32> to vector<1xi32>
    %reduce_max3A_54 = vector.shape_cast %reduce_max3A_53 : vector<1xi32> to vector<1x1x1xi32>
    %reduce_max3A_55 = vector.extract %reduce_max3A_54[0, 0, 0] : i32 from vector<1x1x1xi32>
    %convert_element_type3A_56 = arith.extui %gt3A_39 : i1 to i32
    %cond3A_57 = arith.constant 0 : i32
    %cond3A_58 = arith.cmpi ne, %convert_element_type3A_56, %cond3A_57 : i32
    scf.if %cond3A_58 {
      %convert_element_type3A_71 = arith.fptosi %add3A : vector<1x1024xf32> to vector<1x1024xi32>
      %min3A = arith.constant 31 : i32
      %min3A_72 = vector.broadcast %min3A : i32 to vector<1x1024xi32>
      %min3A_73 = arith.minsi %convert_element_type3A_71, %min3A_72 : vector<1x1024xi32>
      %iota3A = tpu.iota {dimensions = array<i32: 0>} : vector<32x1024xi32>
      %eq3A_74 = vector.broadcast %min3A_73 : vector<1x1024xi32> to vector<32x1024xi32>
      %eq3A_75 = arith.cmpi eq, %eq3A_74, %iota3A : vector<32x1024xi32>
      %convert_element_type3A_76 = arith.extui %eq3A_75 : vector<32x1024xi1> to vector<32x1024xi32>
      %convert_element_type3A_77 = arith.sitofp %convert_element_type3A_76 : vector<32x1024xi32> to vector<32x1024xf32>
      %get3A_78 = arith.constant 0 : index
      %get3A_79 = arith.constant 0 : index
      %get3A_80 = vector.load %arg4[%get3A_78, %get3A_79] : memref<32x128xf32, #tpu.memory_space<vmem>>, vector<32x128xf32>
      %dot_general3A = arith.constant dense<0.000000e+00> : vector<1024x128xf32>
      %dot_general3A_81 = tpu.matmul %convert_element_type3A_77, %get3A_80, %dot_general3A {dimension_numbers = #tpu.dot_dimension_numbers<[0], [0], [1], [1], [0, 1, 1, 1], [], []>, transpose_lhs_hint = false} : vector<32x1024xf32>, vector<32x128xf32>, vector<1024x128xf32> -> vector<1024x128xf32>
      %get3A_82 = arith.constant 0 : index
      %get3A_83 = arith.constant 0 : index
      %get3A_84 = arith.constant 0 : index
      %get3A_85 = vector.load %arg25[%get3A_82, %get3A_83, %get3A_84] : memref<2x1024x128xf32, #tpu.memory_space<vmem>>, vector<1x1024x128xf32>
      %get3A_86 = vector.shape_cast %get3A_85 : vector<1x1024x128xf32> to vector<1024x128xf32>
      %get3A_87 = arith.constant 0 : index
      %get3A_88 = arith.constant 0 : index
      %get3A_89 = vector.load %arg4[%get3A_87, %get3A_88] : memref<32x128xf32, #tpu.memory_space<vmem>>, vector<1x128xf32>
      %sub3A = vector.broadcast %get3A_89 : vector<1x128xf32> to vector<1024x128xf32>
      %sub3A_90 = arith.subf %dot_general3A_81, %sub3A : vector<1024x128xf32>
      %add3A_91 = arith.addf %get3A_86, %sub3A_90 : vector<1024x128xf32>
      %swap3A_92 = arith.constant 0 : index
      %swap3A_93 = arith.constant 0 : index
      %swap3A_94 = arith.constant 0 : index
      %swap3A_95 = vector.load %arg25[%swap3A_92, %swap3A_93, %swap3A_94] : memref<2x1024x128xf32, #tpu.memory_space<vmem>>, vector<1x1024x128xf32>
      %swap3A_96 = vector.shape_cast %swap3A_95 : vector<1x1024x128xf32> to vector<1024x128xf32>
      %swap3A_97 = vector.shape_cast %add3A_91 : vector<1024x128xf32> to vector<1x1024x128xf32>
      tpu.vector_store %arg25[%swap3A_92, %swap3A_93, %swap3A_94], %swap3A_97 {strides = array<i32>} : memref<2x1024x128xf32, #tpu.memory_space<vmem>>, vector<1x1024x128xf32>,
      %convert_element_type3A_98 = arith.fptosi %add3A_15 : vector<1x1024xf32> to vector<1x1024xi32>
      %min3A_99 = arith.constant 31 : i32
      %min3A_100 = vector.broadcast %min3A_99 : i32 to vector<1x1024xi32>
      %min3A_101 = arith.minsi %convert_element_type3A_98, %min3A_100 : vector<1x1024xi32>
      %iota3A_102 = tpu.iota {dimensions = array<i32: 0>} : vector<32x1024xi32>
      %eq3A_103 = vector.broadcast %min3A_101 : vector<1x1024xi32> to vector<32x1024xi32>
      %eq3A_104 = arith.cmpi eq, %eq3A_103, %iota3A_102 : vector<32x1024xi32>
      %convert_element_type3A_105 = arith.extui %eq3A_104 : vector<32x1024xi1> to vector<32x1024xi32>
      %convert_element_type3A_106 = arith.sitofp %convert_element_type3A_105 : vector<32x1024xi32> to vector<32x1024xf32>
      %get3A_107 = arith.constant 0 : index
      %get3A_108 = arith.constant 0 : index
      %get3A_109 = vector.load %arg4[%get3A_107, %get3A_108] : memref<32x128xf32, #tpu.memory_space<vmem>>, vector<32x128xf32>
      %dot_general3A_110 = arith.constant dense<0.000000e+00> : vector<1024x128xf32>
      %dot_general3A_111 = tpu.matmul %convert_element_type3A_106, %get3A_109, %dot_general3A_110 {dimension_numbers = #tpu.dot_dimension_numbers<[0], [0], [1], [1], [0, 1, 1, 1], [], []>, transpose_lhs_hint = false} : vector<32x1024xf32>, vector<32x128xf32>, vector<1024x128xf32> -> vector<1024x128xf32>
      %get3A_112 = arith.constant 1 : index
      %get3A_113 = arith.constant 0 : index
      %get3A_114 = arith.constant 0 : index
      %get3A_115 = vector.load %arg25[%get3A_112, %get3A_113, %get3A_114] : memref<2x1024x128xf32, #tpu.memory_space<vmem>>, vector<1x1024x128xf32>
      %get3A_116 = vector.shape_cast %get3A_115 : vector<1x1024x128xf32> to vector<1024x128xf32>
      %get3A_117 = arith.constant 0 : index
      %get3A_118 = arith.constant 0 : index
      %get3A_119 = vector.load %arg4[%get3A_117, %get3A_118] : memref<32x128xf32, #tpu.memory_space<vmem>>, vector<1x128xf32>
      %sub3A_120 = vector.broadcast %get3A_119 : vector<1x128xf32> to vector<1024x128xf32>
      %sub3A_121 = arith.subf %dot_general3A_111, %sub3A_120 : vector<1024x128xf32>
      %add3A_122 = arith.addf %get3A_116, %sub3A_121 : vector<1024x128xf32>
      %swap3A_123 = arith.constant 1 : index
      %swap3A_124 = arith.constant 0 : index
      %swap3A_125 = arith.constant 0 : index
      %swap3A_126 = vector.load %arg25[%swap3A_123, %swap3A_124, %swap3A_125] : memref<2x1024x128xf32, #tpu.memory_space<vmem>>, vector<1x1024x128xf32>
      %swap3A_127 = vector.shape_cast %swap3A_126 : vector<1x1024x128xf32> to vector<1024x128xf32>
      %swap3A_128 = vector.shape_cast %add3A_122 : vector<1024x128xf32> to vector<1x1024x128xf32>
      tpu.vector_store %arg25[%swap3A_123, %swap3A_124, %swap3A_125], %swap3A_128 {strides = array<i32>} : memref<2x1024x128xf32, #tpu.memory_space<vmem>>, vector<1x1024x128xf32>,
    } else {
    }
    %and3A = arith.constant 2 : i32
    %and3A_59 = arith.andi %reduce_max3A_55, %and3A : i32
    %ne3A = arith.constant 0 : i32
    %ne3A_60 = arith.cmpi ne, %and3A_59, %ne3A : i32
    %convert_element_type3A_61 = arith.extui %ne3A_60 : i1 to i32
    %cond3A_62 = arith.constant 0 : i32
    %cond3A_63 = arith.cmpi ne, %convert_element_type3A_61, %cond3A_62 : i32
    scf.if %cond3A_63 {
      %slice3A_71 = vector.extract_strided_slice %get3A_5 {offsets = [0, 0], sizes = [1, 1024], strides = [1, 1]} : vector<2x1024xi32> to vector<1x1024xi32>
      %lt3A_72 = arith.constant 7 : i32
      %lt3A_73 = vector.broadcast %lt3A_72 : i32 to vector<1x1024xi32>
      %lt3A_74 = arith.cmpi slt, %slice3A_71, %lt3A_73 : vector<1x1024xi32>
      %reduce_or3A = arith.constant 1.000000e+00 : f32
      %reduce_or3A_75 = arith.constant 0.000000e+00 : f32
      %reduce_or3A_76 = vector.broadcast %reduce_or3A : f32 to vector<1x1024xf32>
      %reduce_or3A_77 = vector.broadcast %reduce_or3A_75 : f32 to vector<1x1024xf32>
      %reduce_or3A_78 = arith.select %lt3A_74, %reduce_or3A_76, %reduce_or3A_77 : vector<1x1024xi1>, vector<1x1024xf32>
      %reduce_or3A_79 = vector.shape_cast %reduce_or3A_78 : vector<1x1024xf32> to vector<1x1x1024xf32>
      %reduce_or3A_80 = arith.constant dense<0xFF800000> : vector<1xf32>
      %reduce_or3A_81 = vector.multi_reduction <maximumf>, %reduce_or3A_79, %reduce_or3A_80 [1, 2] : vector<1x1x1024xf32> to vector<1xf32>
      %reduce_or3A_82 = vector.shape_cast %reduce_or3A_81 : vector<1xf32> to vector<1x1x1xf32>
      %reduce_or3A_83 = vector.extract %reduce_or3A_82[0, 0, 0] : f32 from vector<1x1x1xf32>
      %reduce_or3A_84 = arith.constant 0.000000e+00 : f32
      %reduce_or3A_85 = arith.cmpf ogt, %reduce_or3A_83, %reduce_or3A_84 : f32
      %convert_element_type3A_86 = arith.extui %reduce_or3A_85 : i1 to i32
      %cond3A_87 = arith.constant 0 : i32
      %cond3A_88 = arith.cmpi ne, %convert_element_type3A_86, %cond3A_87 : i32
      scf.if %cond3A_88 {
        %eq3A_108 = arith.constant 1 : i32
        %eq3A_109 = vector.broadcast %eq3A_108 : i32 to vector<1x1024xi32>
        %eq3A_110 = arith.cmpi eq, %slice3A_71, %eq3A_109 : vector<1x1024xi32>
        %broadcast_in_dim3A_111 = arith.constant 0 : i32
        %broadcast_in_dim3A_112 = vector.broadcast %broadcast_in_dim3A_111 : i32 to vector<1x1024xi32>
        %jit3A_113 = arith.constant 1 : i32
        %broadcast_in_dim3A_114 = vector.broadcast %jit3A_113 : i32 to vector<1x1024xi32>
        %select_n3A_115 = arith.select %eq3A_110, %broadcast_in_dim3A_114, %broadcast_in_dim3A_112 : vector<1x1024xi1>, vector<1x1024xi32>
        %eq3A_116 = arith.constant 2 : i32
        %eq3A_117 = vector.broadcast %eq3A_116 : i32 to vector<1x1024xi32>
        %eq3A_118 = arith.cmpi eq, %slice3A_71, %eq3A_117 : vector<1x1024xi32>
        %jit3A_119 = arith.constant 2 : i32
        %broadcast_in_dim3A_120 = vector.broadcast %jit3A_119 : i32 to vector<1x1024xi32>
        %select_n3A_121 = arith.select %eq3A_118, %broadcast_in_dim3A_120, %select_n3A_115 : vector<1x1024xi1>, vector<1x1024xi32>
        %eq3A_122 = arith.constant 3 : i32
        %eq3A_123 = vector.broadcast %eq3A_122 : i32 to vector<1x1024xi32>
        %eq3A_124 = arith.cmpi eq, %slice3A_71, %eq3A_123 : vector<1x1024xi32>
        %jit3A_125 = arith.constant 3 : i32
        %broadcast_in_dim3A_126 = vector.broadcast %jit3A_125 : i32 to vector<1x1024xi32>
        %select_n3A_127 = arith.select %eq3A_124, %broadcast_in_dim3A_126, %select_n3A_121 : vector<1x1024xi1>, vector<1x1024xi32>
        %eq3A_128 = arith.constant 4 : i32
        %eq3A_129 = vector.broadcast %eq3A_128 : i32 to vector<1x1024xi32>
        %eq3A_130 = arith.cmpi eq, %slice3A_71, %eq3A_129 : vector<1x1024xi32>
        %eq3A_131 = arith.constant 5 : i32
        %eq3A_132 = vector.broadcast %eq3A_131 : i32 to vector<1x1024xi32>
        %eq3A_133 = arith.cmpi eq, %slice3A_71, %eq3A_132 : vector<1x1024xi32>
        %or3A = arith.ori %eq3A_130, %eq3A_133 : vector<1x1024xi1>
        %jit3A_134 = arith.constant 4 : i32
        %broadcast_in_dim3A_135 = vector.broadcast %jit3A_134 : i32 to vector<1x1024xi32>
        %select_n3A_136 = arith.select %or3A, %broadcast_in_dim3A_135, %select_n3A_127 : vector<1x1024xi1>, vector<1x1024xi32>
        %eq3A_137 = arith.constant 6 : i32
        %eq3A_138 = vector.broadcast %eq3A_137 : i32 to vector<1x1024xi32>
        %eq3A_139 = arith.cmpi eq, %slice3A_71, %eq3A_138 : vector<1x1024xi32>
        %jit3A_140 = arith.constant 5 : i32
        %broadcast_in_dim3A_141 = vector.broadcast %jit3A_140 : i32 to vector<1x1024xi32>
        %select_n3A_142 = arith.select %eq3A_139, %broadcast_in_dim3A_141, %select_n3A_136 : vector<1x1024xi1>, vector<1x1024xi32>
        %ge3A = arith.constant 7 : i32
        %ge3A_143 = vector.broadcast %ge3A : i32 to vector<1x1024xi32>
        %ge3A_144 = arith.cmpi sge, %slice3A_71, %ge3A_143 : vector<1x1024xi32>
        %jit3A_145 = arith.constant 6 : i32
        %broadcast_in_dim3A_146 = vector.broadcast %jit3A_145 : i32 to vector<1x1024xi32>
        %select_n3A_147 = arith.select %ge3A_144, %broadcast_in_dim3A_146, %select_n3A_142 : vector<1x1024xi1>, vector<1x1024xi32>
        %iota3A = tpu.iota {dimensions = array<i32: 0>} : vector<8x1024xi32>
        %eq3A_148 = vector.broadcast %select_n3A_147 : vector<1x1024xi32> to vector<8x1024xi32>
        %eq3A_149 = arith.cmpi eq, %eq3A_148, %iota3A : vector<8x1024xi32>
        %convert_element_type3A_150 = arith.extui %eq3A_149 : vector<8x1024xi1> to vector<8x1024xi32>
        %convert_element_type3A_151 = arith.sitofp %convert_element_type3A_150 : vector<8x1024xi32> to vector<8x1024xf32>
        %get3A_152 = arith.constant 0 : index
        %get3A_153 = arith.constant 0 : index
        %get3A_154 = vector.load %arg3[%get3A_152, %get3A_153] : memref<8x128xf32, #tpu.memory_space<vmem>>, vector<8x128xf32>
        %dot_general3A = arith.constant dense<0.000000e+00> : vector<1024x128xf32>
        %dot_general3A_155 = tpu.matmul %convert_element_type3A_151, %get3A_154, %dot_general3A {dimension_numbers = #tpu.dot_dimension_numbers<[0], [0], [1], [1], [0, 1, 1, 1], [], []>, transpose_lhs_hint = false} : vector<8x1024xf32>, vector<8x128xf32>, vector<1024x128xf32> -> vector<1024x128xf32>
        %get3A_156 = arith.constant 0 : index
        %get3A_157 = arith.constant 0 : index
        %get3A_158 = arith.constant 0 : index
        %get3A_159 = vector.load %arg25[%get3A_156, %get3A_157, %get3A_158] : memref<2x1024x128xf32, #tpu.memory_space<vmem>>, vector<1x1024x128xf32>
        %get3A_160 = vector.shape_cast %get3A_159 : vector<1x1024x128xf32> to vector<1024x128xf32>
        %get3A_161 = arith.constant 6 : index
        %get3A_162 = arith.constant 0 : index
        %get3A_163 = vector.load %arg3[%get3A_161, %get3A_162] : memref<8x128xf32, #tpu.memory_space<vmem>>, vector<1x128xf32>
        %sub3A = vector.broadcast %get3A_163 : vector<1x128xf32> to vector<1024x128xf32>
        %sub3A_164 = arith.subf %dot_general3A_155, %sub3A : vector<1024x128xf32>
        %add3A_165 = arith.addf %get3A_160, %sub3A_164 : vector<1024x128xf32>
        %swap3A_166 = arith.constant 0 : index
        %swap3A_167 = arith.constant 0 : index
        %swap3A_168 = arith.constant 0 : index
        %swap3A_169 = vector.load %arg25[%swap3A_166, %swap3A_167, %swap3A_168] : memref<2x1024x128xf32, #tpu.memory_space<vmem>>, vector<1x1024x128xf32>
        %swap3A_170 = vector.shape_cast %swap3A_169 : vector<1x1024x128xf32> to vector<1024x128xf32>
        %swap3A_171 = vector.shape_cast %add3A_165 : vector<1024x128xf32> to vector<1x1024x128xf32>
        tpu.vector_store %arg25[%swap3A_166, %swap3A_167, %swap3A_168], %swap3A_171 {strides = array<i32>} : memref<2x1024x128xf32, #tpu.memory_space<vmem>>, vector<1x1024x128xf32>,
      } else {
      }
      %slice3A_89 = vector.extract_strided_slice %get3A_5 {offsets = [1, 0], sizes = [1, 1024], strides = [1, 1]} : vector<2x1024xi32> to vector<1x1024xi32>
      %lt3A_90 = arith.constant 7 : i32
      %lt3A_91 = vector.broadcast %lt3A_90 : i32 to vector<1x1024xi32>
      %lt3A_92 = arith.cmpi slt, %slice3A_89, %lt3A_91 : vector<1x1024xi32>
      %reduce_or3A_93 = arith.constant 1.000000e+00 : f32
      %reduce_or3A_94 = arith.constant 0.000000e+00 : f32
      %reduce_or3A_95 = vector.broadcast %reduce_or3A_93 : f32 to vector<1x1024xf32>
      %reduce_or3A_96 = vector.broadcast %reduce_or3A_94 : f32 to vector<1x1024xf32>
      %reduce_or3A_97 = arith.select %lt3A_92, %reduce_or3A_95, %reduce_or3A_96 : vector<1x1024xi1>, vector<1x1024xf32>
      %reduce_or3A_98 = vector.shape_cast %reduce_or3A_97 : vector<1x1024xf32> to vector<1x1x1024xf32>
      %reduce_or3A_99 = arith.constant dense<0xFF800000> : vector<1xf32>
      %reduce_or3A_100 = vector.multi_reduction <maximumf>, %reduce_or3A_98, %reduce_or3A_99 [1, 2] : vector<1x1x1024xf32> to vector<1xf32>
      %reduce_or3A_101 = vector.shape_cast %reduce_or3A_100 : vector<1xf32> to vector<1x1x1xf32>
      %reduce_or3A_102 = vector.extract %reduce_or3A_101[0, 0, 0] : f32 from vector<1x1x1xf32>
      %reduce_or3A_103 = arith.constant 0.000000e+00 : f32
      %reduce_or3A_104 = arith.cmpf ogt, %reduce_or3A_102, %reduce_or3A_103 : f32
      %convert_element_type3A_105 = arith.extui %reduce_or3A_104 : i1 to i32
      %cond3A_106 = arith.constant 0 : i32
      %cond3A_107 = arith.cmpi ne, %convert_element_type3A_105, %cond3A_106 : i32
      scf.if %cond3A_107 {
        %eq3A_108 = arith.constant 1 : i32
        %eq3A_109 = vector.broadcast %eq3A_108 : i32 to vector<1x1024xi32>
        %eq3A_110 = arith.cmpi eq, %slice3A_89, %eq3A_109 : vector<1x1024xi32>
        %broadcast_in_dim3A_111 = arith.constant 0 : i32
        %broadcast_in_dim3A_112 = vector.broadcast %broadcast_in_dim3A_111 : i32 to vector<1x1024xi32>
        %jit3A_113 = arith.constant 1 : i32
        %broadcast_in_dim3A_114 = vector.broadcast %jit3A_113 : i32 to vector<1x1024xi32>
        %select_n3A_115 = arith.select %eq3A_110, %broadcast_in_dim3A_114, %broadcast_in_dim3A_112 : vector<1x1024xi1>, vector<1x1024xi32>
        %eq3A_116 = arith.constant 2 : i32
        %eq3A_117 = vector.broadcast %eq3A_116 : i32 to vector<1x1024xi32>
        %eq3A_118 = arith.cmpi eq, %slice3A_89, %eq3A_117 : vector<1x1024xi32>
        %jit3A_119 = arith.constant 2 : i32
        %broadcast_in_dim3A_120 = vector.broadcast %jit3A_119 : i32 to vector<1x1024xi32>
        %select_n3A_121 = arith.select %eq3A_118, %broadcast_in_dim3A_120, %select_n3A_115 : vector<1x1024xi1>, vector<1x1024xi32>
        %eq3A_122 = arith.constant 3 : i32
        %eq3A_123 = vector.broadcast %eq3A_122 : i32 to vector<1x1024xi32>
        %eq3A_124 = arith.cmpi eq, %slice3A_89, %eq3A_123 : vector<1x1024xi32>
        %jit3A_125 = arith.constant 3 : i32
        %broadcast_in_dim3A_126 = vector.broadcast %jit3A_125 : i32 to vector<1x1024xi32>
        %select_n3A_127 = arith.select %eq3A_124, %broadcast_in_dim3A_126, %select_n3A_121 : vector<1x1024xi1>, vector<1x1024xi32>
        %eq3A_128 = arith.constant 4 : i32
        %eq3A_129 = vector.broadcast %eq3A_128 : i32 to vector<1x1024xi32>
        %eq3A_130 = arith.cmpi eq, %slice3A_89, %eq3A_129 : vector<1x1024xi32>
        %eq3A_131 = arith.constant 5 : i32
        %eq3A_132 = vector.broadcast %eq3A_131 : i32 to vector<1x1024xi32>
        %eq3A_133 = arith.cmpi eq, %slice3A_89, %eq3A_132 : vector<1x1024xi32>
        %or3A = arith.ori %eq3A_130, %eq3A_133 : vector<1x1024xi1>
        %jit3A_134 = arith.constant 4 : i32
        %broadcast_in_dim3A_135 = vector.broadcast %jit3A_134 : i32 to vector<1x1024xi32>
        %select_n3A_136 = arith.select %or3A, %broadcast_in_dim3A_135, %select_n3A_127 : vector<1x1024xi1>, vector<1x1024xi32>
        %eq3A_137 = arith.constant 6 : i32
        %eq3A_138 = vector.broadcast %eq3A_137 : i32 to vector<1x1024xi32>
        %eq3A_139 = arith.cmpi eq, %slice3A_89, %eq3A_138 : vector<1x1024xi32>
        %jit3A_140 = arith.constant 5 : i32
        %broadcast_in_dim3A_141 = vector.broadcast %jit3A_140 : i32 to vector<1x1024xi32>
        %select_n3A_142 = arith.select %eq3A_139, %broadcast_in_dim3A_141, %select_n3A_136 : vector<1x1024xi1>, vector<1x1024xi32>
        %ge3A = arith.constant 7 : i32
        %ge3A_143 = vector.broadcast %ge3A : i32 to vector<1x1024xi32>
        %ge3A_144 = arith.cmpi sge, %slice3A_89, %ge3A_143 : vector<1x1024xi32>
        %jit3A_145 = arith.constant 6 : i32
        %broadcast_in_dim3A_146 = vector.broadcast %jit3A_145 : i32 to vector<1x1024xi32>
        %select_n3A_147 = arith.select %ge3A_144, %broadcast_in_dim3A_146, %select_n3A_142 : vector<1x1024xi1>, vector<1x1024xi32>
        %iota3A = tpu.iota {dimensions = array<i32: 0>} : vector<8x1024xi32>
        %eq3A_148 = vector.broadcast %select_n3A_147 : vector<1x1024xi32> to vector<8x1024xi32>
        %eq3A_149 = arith.cmpi eq, %eq3A_148, %iota3A : vector<8x1024xi32>
        %convert_element_type3A_150 = arith.extui %eq3A_149 : vector<8x1024xi1> to vector<8x1024xi32>
        %convert_element_type3A_151 = arith.sitofp %convert_element_type3A_150 : vector<8x1024xi32> to vector<8x1024xf32>
        %get3A_152 = arith.constant 0 : index
        %get3A_153 = arith.constant 0 : index
        %get3A_154 = vector.load %arg3[%get3A_152, %get3A_153] : memref<8x128xf32, #tpu.memory_space<vmem>>, vector<8x128xf32>
        %dot_general3A = arith.constant dense<0.000000e+00> : vector<1024x128xf32>
        %dot_general3A_155 = tpu.matmul %convert_element_type3A_151, %get3A_154, %dot_general3A {dimension_numbers = #tpu.dot_dimension_numbers<[0], [0], [1], [1], [0, 1, 1, 1], [], []>, transpose_lhs_hint = false} : vector<8x1024xf32>, vector<8x128xf32>, vector<1024x128xf32> -> vector<1024x128xf32>
        %get3A_156 = arith.constant 1 : index
        %get3A_157 = arith.constant 0 : index
        %get3A_158 = arith.constant 0 : index
        %get3A_159 = vector.load %arg25[%get3A_156, %get3A_157, %get3A_158] : memref<2x1024x128xf32, #tpu.memory_space<vmem>>, vector<1x1024x128xf32>
        %get3A_160 = vector.shape_cast %get3A_159 : vector<1x1024x128xf32> to vector<1024x128xf32>
        %get3A_161 = arith.constant 6 : index
        %get3A_162 = arith.constant 0 : index
        %get3A_163 = vector.load %arg3[%get3A_161, %get3A_162] : memref<8x128xf32, #tpu.memory_space<vmem>>, vector<1x128xf32>
        %sub3A = vector.broadcast %get3A_163 : vector<1x128xf32> to vector<1024x128xf32>
        %sub3A_164 = arith.subf %dot_general3A_155, %sub3A : vector<1024x128xf32>
        %add3A_165 = arith.addf %get3A_160, %sub3A_164 : vector<1024x128xf32>
        %swap3A_166 = arith.constant 1 : index
        %swap3A_167 = arith.constant 0 : index
        %swap3A_168 = arith.constant 0 : index
        %swap3A_169 = vector.load %arg25[%swap3A_166, %swap3A_167, %swap3A_168] : memref<2x1024x128xf32, #tpu.memory_space<vmem>>, vector<1x1024x128xf32>
        %swap3A_170 = vector.shape_cast %swap3A_169 : vector<1x1024x128xf32> to vector<1024x128xf32>
        %swap3A_171 = vector.shape_cast %add3A_165 : vector<1024x128xf32> to vector<1x1024x128xf32>
        tpu.vector_store %arg25[%swap3A_166, %swap3A_167, %swap3A_168], %swap3A_171 {strides = array<i32>} : memref<2x1024x128xf32, #tpu.memory_space<vmem>>, vector<1x1024x128xf32>,
      } else {
      }
    } else {
    }
    %and3A_64 = arith.constant 4 : i32
    %and3A_65 = arith.andi %reduce_max3A_55, %and3A_64 : i32
    %ne3A_66 = arith.constant 0 : i32
    %ne3A_67 = arith.cmpi ne, %and3A_65, %ne3A_66 : i32
    %convert_element_type3A_68 = arith.extui %ne3A_67 : i1 to i32
    %cond3A_69 = arith.constant 0 : i32
    %cond3A_70 = arith.cmpi ne, %convert_element_type3A_68, %cond3A_69 : i32
    scf.if %cond3A_70 {
      %mul3A = arith.constant 2 : i32
      %mul3A_71 = arith.muli %arg0, %mul3A : i32
      %mul3A_72 = arith.constant 2 : i32
      %mul3A_73 = arith.muli %arg0, %mul3A_72 : i32
      %mul3A_74 = arith.constant 2 : i32
      %mul3A_75 = arith.muli %arg0, %mul3A_74 : i32
      %dma_start3A = arith.constant 0 : i32
      %dma_start3A_76 = arith.constant 0 : i32
      %dma_start3A_77 = tpu.memref_slice %arg5[%mul3A_71, %dma_start3A, %dma_start3A_76] : memref<50x4x1024xi32, #tpu.memory_space<hbm>> -> memref<2x4x1024xi32, #tpu.memory_space<hbm>>
      tpu.enqueue_dma source(%dma_start3A_77 : memref<2x4x1024xi32, #tpu.memory_space<hbm>>) target(%arg29 : memref<2x4x1024xi32, #tpu.memory_space<vmem>>) target_semaphore(%arg32 : memref<!tpu.dma_semaphore, #tpu.memory_space<semaphore_mem>>)
      %dma_start3A_78 = arith.constant 0 : i32
      %dma_start3A_79 = arith.constant 0 : i32
      %dma_start3A_80 = tpu.memref_slice %arg6[%mul3A_73, %dma_start3A_78, %dma_start3A_79] : memref<50x16x1024xf32, #tpu.memory_space<hbm>> -> memref<2x16x1024xf32, #tpu.memory_space<hbm>>
      tpu.enqueue_dma source(%dma_start3A_80 : memref<2x16x1024xf32, #tpu.memory_space<hbm>>) target(%arg30 : memref<2x16x1024xf32, #tpu.memory_space<vmem>>) target_semaphore(%arg33 : memref<!tpu.dma_semaphore, #tpu.memory_space<semaphore_mem>>)
      %dma_start3A_81 = arith.constant 0 : i32
      %dma_start3A_82 = arith.constant 0 : i32
      %dma_start3A_83 = tpu.memref_slice %arg7[%mul3A_75, %dma_start3A_81, %dma_start3A_82] : memref<50x8x1024xf32, #tpu.memory_space<hbm>> -> memref<2x8x1024xf32, #tpu.memory_space<hbm>>
      tpu.enqueue_dma source(%dma_start3A_83 : memref<2x8x1024xf32, #tpu.memory_space<hbm>>) target(%arg31 : memref<2x8x1024xf32, #tpu.memory_space<vmem>>) target_semaphore(%arg34 : memref<!tpu.dma_semaphore, #tpu.memory_space<semaphore_mem>>)
      %dma_wait3A = arith.constant 0 : i32
      %dma_wait3A_84 = arith.constant 0 : i32
      %dma_wait3A_85 = tpu.memref_slice %arg5[%mul3A_71, %dma_wait3A, %dma_wait3A_84] : memref<50x4x1024xi32, #tpu.memory_space<hbm>> -> memref<2x4x1024xi32, #tpu.memory_space<hbm>>
      tpu.wait_dma2 semaphore(%arg32 : memref<!tpu.dma_semaphore, #tpu.memory_space<semaphore_mem>>) src(%dma_wait3A_85 : memref<2x4x1024xi32, #tpu.memory_space<hbm>>) dst(%arg29 : memref<2x4x1024xi32, #tpu.memory_space<vmem>>)
      %dma_wait3A_86 = arith.constant 0 : i32
      %dma_wait3A_87 = arith.constant 0 : i32
      %dma_wait3A_88 = tpu.memref_slice %arg6[%mul3A_73, %dma_wait3A_86, %dma_wait3A_87] : memref<50x16x1024xf32, #tpu.memory_space<hbm>> -> memref<2x16x1024xf32, #tpu.memory_space<hbm>>
      tpu.wait_dma2 semaphore(%arg33 : memref<!tpu.dma_semaphore, #tpu.memory_space<semaphore_mem>>) src(%dma_wait3A_88 : memref<2x16x1024xf32, #tpu.memory_space<hbm>>) dst(%arg30 : memref<2x16x1024xf32, #tpu.memory_space<vmem>>)
      %dma_wait3A_89 = arith.constant 0 : i32
      %dma_wait3A_90 = arith.constant 0 : i32
      %dma_wait3A_91 = tpu.memref_slice %arg7[%mul3A_75, %dma_wait3A_89, %dma_wait3A_90] : memref<50x8x1024xf32, #tpu.memory_space<hbm>> -> memref<2x8x1024xf32, #tpu.memory_space<hbm>>
      tpu.wait_dma2 semaphore(%arg34 : memref<!tpu.dma_semaphore, #tpu.memory_space<semaphore_mem>>) src(%dma_wait3A_91 : memref<2x8x1024xf32, #tpu.memory_space<hbm>>) dst(%arg31 : memref<2x8x1024xf32, #tpu.memory_space<vmem>>)
      %slice3A_92 = vector.extract_strided_slice %get3A_5 {offsets = [0, 0], sizes = [1, 1024], strides = [1, 1]} : vector<2x1024xi32> to vector<1x1024xi32>
      %eq3A_93 = arith.constant 1 : i32
      %eq3A_94 = vector.broadcast %eq3A_93 : i32 to vector<1x1024xi32>
      %eq3A_95 = arith.cmpi eq, %slice3A_92, %eq3A_94 : vector<1x1024xi32>
      %reduce_or3A = arith.constant 1.000000e+00 : f32
      %reduce_or3A_96 = arith.constant 0.000000e+00 : f32
      %reduce_or3A_97 = vector.broadcast %reduce_or3A : f32 to vector<1x1024xf32>
      %reduce_or3A_98 = vector.broadcast %reduce_or3A_96 : f32 to vector<1x1024xf32>
      %reduce_or3A_99 = arith.select %eq3A_95, %reduce_or3A_97, %reduce_or3A_98 : vector<1x1024xi1>, vector<1x1024xf32>
      %reduce_or3A_100 = vector.shape_cast %reduce_or3A_99 : vector<1x1024xf32> to vector<1x1x1024xf32>
      %reduce_or3A_101 = arith.constant dense<0xFF800000> : vector<1xf32>
      %reduce_or3A_102 = vector.multi_reduction <maximumf>, %reduce_or3A_100, %reduce_or3A_101 [1, 2] : vector<1x1x1024xf32> to vector<1xf32>
      %reduce_or3A_103 = vector.shape_cast %reduce_or3A_102 : vector<1xf32> to vector<1x1x1xf32>
      %reduce_or3A_104 = vector.extract %reduce_or3A_103[0, 0, 0] : f32 from vector<1x1x1xf32>
      %reduce_or3A_105 = arith.constant 0.000000e+00 : f32
      %reduce_or3A_106 = arith.cmpf ogt, %reduce_or3A_104, %reduce_or3A_105 : f32
      %convert_element_type3A_107 = arith.extui %reduce_or3A_106 : i1 to i32
      %cond3A_108 = arith.constant 0 : i32
      %cond3A_109 = arith.cmpi ne, %convert_element_type3A_107, %cond3A_108 : i32
      scf.if %cond3A_109 {
        %get3A_129 = arith.constant 0 : index
        %get3A_130 = arith.constant 0 : index
        %get3A_131 = arith.constant 0 : index
        %get3A_132 = vector.load %arg30[%get3A_129, %get3A_130, %get3A_131] : memref<2x16x1024xf32, #tpu.memory_space<vmem>>, vector<1x16x1024xf32>
        %get3A_133 = vector.shape_cast %get3A_132 : vector<1x16x1024xf32> to vector<16x1024xf32>
        %get3A_134 = arith.constant 0 : index
        %get3A_135 = arith.constant 0 : index
        %get3A_136 = vector.load %arg14[%get3A_134, %get3A_135] : memref<16x1xf32, #tpu.memory_space<vmem>>, vector<16x1xf32>
        %get3A_137 = arith.constant 0 : index
        %get3A_138 = arith.constant 0 : index
        %get3A_139 = vector.load %arg15[%get3A_137, %get3A_138] : memref<16x1xf32, #tpu.memory_space<vmem>>, vector<16x1xf32>
        %get3A_140 = arith.constant 0 : index
        %get3A_141 = arith.constant 0 : index
        %get3A_142 = vector.load %arg10[%get3A_140, %get3A_141] : memref<16x64xf32, #tpu.memory_space<vmem>>, vector<16x64xf32>
        %get3A_143 = arith.constant 0 : index
        %get3A_144 = arith.constant 0 : index
        %get3A_145 = vector.load %arg11[%get3A_143, %get3A_144] : memref<1x64xf32, #tpu.memory_space<vmem>>, vector<1x64xf32>
        %get3A_146 = arith.constant 0 : index
        %get3A_147 = arith.constant 0 : index
        %get3A_148 = vector.load %arg12[%get3A_146, %get3A_147] : memref<64x64xf32, #tpu.memory_space<vmem>>, vector<64x64xf32>
        %get3A_149 = arith.constant 0 : index
        %get3A_150 = arith.constant 0 : index
        %get3A_151 = vector.load %arg13[%get3A_149, %get3A_150] : memref<1x64xf32, #tpu.memory_space<vmem>>, vector<1x64xf32>
        %reduce_sum3A = arith.constant dense<0.000000e+00> : vector<1024xf32>
        %reduce_sum3A_152 = vector.multi_reduction <add>, %get3A_133, %reduce_sum3A [0] : vector<16x1024xf32> to vector<1024xf32>
        %broadcast_in_dim3A_153 = vector.shape_cast %reduce_sum3A_152 : vector<1024xf32> to vector<1x1024xf32>
        %div3A = arith.constant 1.600000e+01 : f32
        %div3A_154 = vector.broadcast %div3A : f32 to vector<1x1024xf32>
        %div3A_155 = arith.divf %broadcast_in_dim3A_153, %div3A_154 : vector<1x1024xf32>
        %sub3A = vector.broadcast %div3A_155 : vector<1x1024xf32> to vector<16x1024xf32>
        %sub3A_156 = arith.subf %get3A_133, %sub3A : vector<16x1024xf32>
        %integer_pow3A = arith.mulf %sub3A_156, %sub3A_156 : vector<16x1024xf32>
        %reduce_sum3A_157 = arith.constant dense<0.000000e+00> : vector<1024xf32>
        %reduce_sum3A_158 = vector.multi_reduction <add>, %integer_pow3A, %reduce_sum3A_157 [0] : vector<16x1024xf32> to vector<1024xf32>
        %broadcast_in_dim3A_159 = vector.shape_cast %reduce_sum3A_158 : vector<1024xf32> to vector<1x1024xf32>
        %div3A_160 = arith.constant 1.600000e+01 : f32
        %div3A_161 = vector.broadcast %div3A_160 : f32 to vector<1x1024xf32>
        %div3A_162 = arith.divf %broadcast_in_dim3A_159, %div3A_161 : vector<1x1024xf32>
        %sub3A_163 = vector.broadcast %div3A_155 : vector<1x1024xf32> to vector<16x1024xf32>
        %sub3A_164 = arith.subf %get3A_133, %sub3A_163 : vector<16x1024xf32>
        %add3A_165 = arith.constant 9.99999974E-6 : f32
        %add3A_166 = vector.broadcast %add3A_165 : f32 to vector<1x1024xf32>
        %add3A_167 = arith.addf %div3A_162, %add3A_166 : vector<1x1024xf32>
        %sqrt3A = math.sqrt %add3A_167 : vector<1x1024xf32>
        %div3A_168 = vector.broadcast %sqrt3A : vector<1x1024xf32> to vector<16x1024xf32>
        %div3A_169 = arith.divf %sub3A_164, %div3A_168 : vector<16x1024xf32>
        %mul3A_170 = vector.broadcast %get3A_136 : vector<16x1xf32> to vector<16x1024xf32>
        %mul3A_171 = arith.mulf %div3A_169, %mul3A_170 : vector<16x1024xf32>
        %add3A_172 = vector.broadcast %get3A_139 : vector<16x1xf32> to vector<16x1024xf32>
        %add3A_173 = arith.addf %mul3A_171, %add3A_172 : vector<16x1024xf32>
        %dot_general3A = arith.constant dense<0.000000e+00> : vector<1024x64xf32>
        %dot_general3A_174 = tpu.matmul %add3A_173, %get3A_142, %dot_general3A {dimension_numbers = #tpu.dot_dimension_numbers<[0], [0], [1], [1], [0, 1, 1, 1], [], []>, transpose_lhs_hint = false} : vector<16x1024xf32>, vector<16x64xf32>, vector<1024x64xf32> -> vector<1024x64xf32>
        %add3A_175 = vector.broadcast %get3A_145 : vector<1x64xf32> to vector<1024x64xf32>
        %add3A_176 = arith.addf %dot_general3A_174, %add3A_175 : vector<1024x64xf32>
        %mul3A_177 = arith.constant 5.000000e-01 : f32
        %mul3A_178 = vector.broadcast %mul3A_177 : f32 to vector<1024x64xf32>
        %mul3A_179 = arith.mulf %mul3A_178, %add3A_176 : vector<1024x64xf32>
        %mul3A_180 = arith.constant 0.707106769 : f32
        %mul3A_181 = vector.broadcast %mul3A_180 : f32 to vector<1024x64xf32>
        %mul3A_182 = arith.mulf %add3A_176, %mul3A_181 : vector<1024x64xf32>
        %erf3A = math.erf %mul3A_182 : vector<1024x64xf32>
        %add3A_183 = arith.constant 1.000000e+00 : f32
        %add3A_184 = vector.broadcast %add3A_183 : f32 to vector<1024x64xf32>
        %add3A_185 = arith.addf %add3A_184, %erf3A : vector<1024x64xf32>
        %mul3A_186 = arith.mulf %mul3A_179, %add3A_185 : vector<1024x64xf32>
        %dot_general3A_187 = arith.constant dense<0.000000e+00> : vector<1024x64xf32>
        %dot_general3A_188 = tpu.matmul %mul3A_186, %get3A_148, %dot_general3A_187 {dimension_numbers = #tpu.dot_dimension_numbers<[1], [0], [0], [1], [0, 0, 1, 1], [], []>, transpose_lhs_hint = false} : vector<1024x64xf32>, vector<64x64xf32>, vector<1024x64xf32> -> vector<1024x64xf32>
        %add3A_189 = vector.broadcast %get3A_151 : vector<1x64xf32> to vector<1024x64xf32>
        %add3A_190 = arith.addf %dot_general3A_188, %add3A_189 : vector<1024x64xf32>
        %get3A_191 = arith.constant 0 : index
        %get3A_192 = arith.constant 0 : index
        %get3A_193 = arith.constant 0 : index
        %get3A_194 = vector.load %arg31[%get3A_191, %get3A_192, %get3A_193] : memref<2x8x1024xf32, #tpu.memory_space<vmem>>, vector<1x8x1024xf32>
        %get3A_195 = vector.shape_cast %get3A_194 : vector<1x8x1024xf32> to vector<8x1024xf32>
        %get3A_196 = arith.constant 0 : index
        %get3A_197 = arith.constant 0 : index
        %get3A_198 = vector.load %arg20[%get3A_196, %get3A_197] : memref<8x1xf32, #tpu.memory_space<vmem>>, vector<8x1xf32>
        %get3A_199 = arith.constant 0 : index
        %get3A_200 = arith.constant 0 : index
        %get3A_201 = vector.load %arg21[%get3A_199, %get3A_200] : memref<8x1xf32, #tpu.memory_space<vmem>>, vector<8x1xf32>
        %get3A_202 = arith.constant 0 : index
        %get3A_203 = arith.constant 0 : index
        %get3A_204 = vector.load %arg16[%get3A_202, %get3A_203] : memref<8x64xf32, #tpu.memory_space<vmem>>, vector<8x64xf32>
        %get3A_205 = arith.constant 0 : index
        %get3A_206 = arith.constant 0 : index
        %get3A_207 = vector.load %arg17[%get3A_205, %get3A_206] : memref<1x64xf32, #tpu.memory_space<vmem>>, vector<1x64xf32>
        %get3A_208 = arith.constant 0 : index
        %get3A_209 = arith.constant 0 : index
        %get3A_210 = vector.load %arg18[%get3A_208, %get3A_209] : memref<64x64xf32, #tpu.memory_space<vmem>>, vector<64x64xf32>
        %get3A_211 = arith.constant 0 : index
        %get3A_212 = arith.constant 0 : index
        %get3A_213 = vector.load %arg19[%get3A_211, %get3A_212] : memref<1x64xf32, #tpu.memory_space<vmem>>, vector<1x64xf32>
        %reduce_sum3A_214 = arith.constant dense<0.000000e+00> : vector<1024xf32>
        %reduce_sum3A_215 = vector.multi_reduction <add>, %get3A_195, %reduce_sum3A_214 [0] : vector<8x1024xf32> to vector<1024xf32>
        %broadcast_in_dim3A_216 = vector.shape_cast %reduce_sum3A_215 : vector<1024xf32> to vector<1x1024xf32>
        %div3A_217 = arith.constant 8.000000e+00 : f32
        %div3A_218 = vector.broadcast %div3A_217 : f32 to vector<1x1024xf32>
        %div3A_219 = arith.divf %broadcast_in_dim3A_216, %div3A_218 : vector<1x1024xf32>
        %sub3A_220 = vector.broadcast %div3A_219 : vector<1x1024xf32> to vector<8x1024xf32>
        %sub3A_221 = arith.subf %get3A_195, %sub3A_220 : vector<8x1024xf32>
        %integer_pow3A_222 = arith.mulf %sub3A_221, %sub3A_221 : vector<8x1024xf32>
        %reduce_sum3A_223 = arith.constant dense<0.000000e+00> : vector<1024xf32>
        %reduce_sum3A_224 = vector.multi_reduction <add>, %integer_pow3A_222, %reduce_sum3A_223 [0] : vector<8x1024xf32> to vector<1024xf32>
        %broadcast_in_dim3A_225 = vector.shape_cast %reduce_sum3A_224 : vector<1024xf32> to vector<1x1024xf32>
        %div3A_226 = arith.constant 8.000000e+00 : f32
        %div3A_227 = vector.broadcast %div3A_226 : f32 to vector<1x1024xf32>
        %div3A_228 = arith.divf %broadcast_in_dim3A_225, %div3A_227 : vector<1x1024xf32>
        %sub3A_229 = vector.broadcast %div3A_219 : vector<1x1024xf32> to vector<8x1024xf32>
        %sub3A_230 = arith.subf %get3A_195, %sub3A_229 : vector<8x1024xf32>
        %add3A_231 = arith.constant 9.99999974E-6 : f32
        %add3A_232 = vector.broadcast %add3A_231 : f32 to vector<1x1024xf32>
        %add3A_233 = arith.addf %div3A_228, %add3A_232 : vector<1x1024xf32>
        %sqrt3A_234 = math.sqrt %add3A_233 : vector<1x1024xf32>
        %div3A_235 = vector.broadcast %sqrt3A_234 : vector<1x1024xf32> to vector<8x1024xf32>
        %div3A_236 = arith.divf %sub3A_230, %div3A_235 : vector<8x1024xf32>
        %mul3A_237 = vector.broadcast %get3A_198 : vector<8x1xf32> to vector<8x1024xf32>
        %mul3A_238 = arith.mulf %div3A_236, %mul3A_237 : vector<8x1024xf32>
        %add3A_239 = vector.broadcast %get3A_201 : vector<8x1xf32> to vector<8x1024xf32>
        %add3A_240 = arith.addf %mul3A_238, %add3A_239 : vector<8x1024xf32>
        %dot_general3A_241 = arith.constant dense<0.000000e+00> : vector<1024x64xf32>
        %dot_general3A_242 = tpu.matmul %add3A_240, %get3A_204, %dot_general3A_241 {dimension_numbers = #tpu.dot_dimension_numbers<[0], [0], [1], [1], [0, 1, 1, 1], [], []>, transpose_lhs_hint = false} : vector<8x1024xf32>, vector<8x64xf32>, vector<1024x64xf32> -> vector<1024x64xf32>
        %add3A_243 = vector.broadcast %get3A_207 : vector<1x64xf32> to vector<1024x64xf32>
        %add3A_244 = arith.addf %dot_general3A_242, %add3A_243 : vector<1024x64xf32>
        %mul3A_245 = arith.constant 5.000000e-01 : f32
        %mul3A_246 = vector.broadcast %mul3A_245 : f32 to vector<1024x64xf32>
        %mul3A_247 = arith.mulf %mul3A_246, %add3A_244 : vector<1024x64xf32>
        %mul3A_248 = arith.constant 0.707106769 : f32
        %mul3A_249 = vector.broadcast %mul3A_248 : f32 to vector<1024x64xf32>
        %mul3A_250 = arith.mulf %add3A_244, %mul3A_249 : vector<1024x64xf32>
        %erf3A_251 = math.erf %mul3A_250 : vector<1024x64xf32>
        %add3A_252 = arith.constant 1.000000e+00 : f32
        %add3A_253 = vector.broadcast %add3A_252 : f32 to vector<1024x64xf32>
        %add3A_254 = arith.addf %add3A_253, %erf3A_251 : vector<1024x64xf32>
        %mul3A_255 = arith.mulf %mul3A_247, %add3A_254 : vector<1024x64xf32>
        %dot_general3A_256 = arith.constant dense<0.000000e+00> : vector<1024x64xf32>
        %dot_general3A_257 = tpu.matmul %mul3A_255, %get3A_210, %dot_general3A_256 {dimension_numbers = #tpu.dot_dimension_numbers<[1], [0], [0], [1], [0, 0, 1, 1], [], []>, transpose_lhs_hint = false} : vector<1024x64xf32>, vector<64x64xf32>, vector<1024x64xf32> -> vector<1024x64xf32>
        %add3A_258 = vector.broadcast %get3A_213 : vector<1x64xf32> to vector<1024x64xf32>
        %add3A_259 = arith.addf %dot_general3A_257, %add3A_258 : vector<1024x64xf32>
        %get3A_260 = arith.constant 0 : index
        %get3A_261 = arith.constant 0 : index
        %get3A_262 = vector.load %arg22[%get3A_260, %get3A_261] : memref<1x128xf32, #tpu.memory_space<vmem>>, vector<1x128xf32>
        %get3A_263 = arith.constant 256 : index
        %get3A_264 = arith.constant 0 : index
        %get3A_265 = vector.load %arg28[%get3A_263, %get3A_264] : memref<384x128xf32, #tpu.memory_space<vmem>>, vector<64x128xf32>
        %dot_general3A_266 = arith.constant dense<0.000000e+00> : vector<1024x128xf32>
        %dot_general3A_267 = tpu.matmul %add3A_190, %get3A_265, %dot_general3A_266 {dimension_numbers = #tpu.dot_dimension_numbers<[1], [0], [0], [1], [0, 0, 1, 1], [], []>, transpose_lhs_hint = false} : vector<1024x64xf32>, vector<64x128xf32>, vector<1024x128xf32> -> vector<1024x128xf32>
        %add3A_268 = vector.broadcast %get3A_262 : vector<1x128xf32> to vector<1024x128xf32>
        %add3A_269 = arith.addf %add3A_268, %dot_general3A_267 : vector<1024x128xf32>
        %get3A_270 = arith.constant 320 : index
        %get3A_271 = arith.constant 0 : index
        %get3A_272 = vector.load %arg28[%get3A_270, %get3A_271] : memref<384x128xf32, #tpu.memory_space<vmem>>, vector<64x128xf32>
        %dot_general3A_273 = arith.constant dense<0.000000e+00> : vector<1024x128xf32>
        %dot_general3A_274 = tpu.matmul %add3A_259, %get3A_272, %dot_general3A_273 {dimension_numbers = #tpu.dot_dimension_numbers<[1], [0], [0], [1], [0, 0, 1, 1], [], []>, transpose_lhs_hint = false} : vector<1024x64xf32>, vector<64x128xf32>, vector<1024x128xf32> -> vector<1024x128xf32>
        %add3A_275 = arith.addf %add3A_269, %dot_general3A_274 : vector<1024x128xf32>
        %get3A_276 = arith.constant 0 : index
        %get3A_277 = arith.constant 0 : index
        %get3A_278 = arith.constant 0 : index
        %get3A_279 = vector.load %arg29[%get3A_276, %get3A_277, %get3A_278] : memref<2x4x1024xi32, #tpu.memory_space<vmem>>, vector<1x4x1024xi32>
        %get3A_280 = vector.shape_cast %get3A_279 : vector<1x4x1024xi32> to vector<4x1024xi32>
        %iota3A = tpu.iota {dimensions = array<i32: 0>} : vector<128x1024xi32>
        %slice3A_281 = vector.extract_strided_slice %get3A_280 {offsets = [0, 0], sizes = [1, 1024], strides = [1, 1]} : vector<4x1024xi32> to vector<1x1024xi32>
        %broadcast_in_dim3A_282 = arith.constant 0.000000e+00 : f32
        %broadcast_in_dim3A_283 = vector.broadcast %broadcast_in_dim3A_282 : f32 to vector<1024x64xf32>
        %add3A_284 = arith.constant 0 : i32
        %add3A_285 = vector.broadcast %add3A_284 : i32 to vector<128x1024xi32>
        %add3A_286 = arith.addi %iota3A, %add3A_285 : vector<128x1024xi32>
        %eq3A_287 = vector.broadcast %slice3A_281 : vector<1x1024xi32> to vector<128x1024xi32>
        %eq3A_288 = arith.cmpi eq, %eq3A_287, %add3A_286 : vector<128x1024xi32>
        %convert_element_type3A_289 = arith.extui %eq3A_288 : vector<128x1024xi1> to vector<128x1024xi32>
        %convert_element_type3A_290 = arith.sitofp %convert_element_type3A_289 : vector<128x1024xi32> to vector<128x1024xf32>
        %get3A_291 = arith.constant 0 : index
        %get3A_292 = arith.constant 0 : index
        %get3A_293 = arith.constant 0 : index
        %get3A_294 = vector.load %arg27[%get3A_291, %get3A_292, %get3A_293] : memref<4x1024x64xf32, #tpu.memory_space<vmem>>, vector<1x128x64xf32>
        %get3A_295 = vector.shape_cast %get3A_294 : vector<1x128x64xf32> to vector<128x64xf32>
        %dot_general3A_296 = arith.constant dense<0.000000e+00> : vector<1024x64xf32>
        %dot_general3A_297 = tpu.matmul %convert_element_type3A_290, %get3A_295, %dot_general3A_296 {dimension_numbers = #tpu.dot_dimension_numbers<[0], [0], [1], [1], [0, 1, 1, 1], [], []>, transpose_lhs_hint = false} : vector<128x1024xf32>, vector<128x64xf32>, vector<1024x64xf32> -> vector<1024x64xf32>
        %add3A_298 = arith.addf %broadcast_in_dim3A_283, %dot_general3A_297 : vector<1024x64xf32>
        %add3A_299 = arith.constant 128 : i32
        %add3A_300 = vector.broadcast %add3A_299 : i32 to vector<128x1024xi32>
        %add3A_301 = arith.addi %iota3A, %add3A_300 : vector<128x1024xi32>
        %eq3A_302 = vector.broadcast %slice3A_281 : vector<1x1024xi32> to vector<128x1024xi32>
        %eq3A_303 = arith.cmpi eq, %eq3A_302, %add3A_301 : vector<128x1024xi32>
        %convert_element_type3A_304 = arith.extui %eq3A_303 : vector<128x1024xi1> to vector<128x1024xi32>
        %convert_element_type3A_305 = arith.sitofp %convert_element_type3A_304 : vector<128x1024xi32> to vector<128x1024xf32>
        %get3A_306 = arith.constant 0 : index
        %get3A_307 = arith.constant 128 : index
        %get3A_308 = arith.constant 0 : index
        %get3A_309 = vector.load %arg27[%get3A_306, %get3A_307, %get3A_308] : memref<4x1024x64xf32, #tpu.memory_space<vmem>>, vector<1x128x64xf32>
        %get3A_310 = vector.shape_cast %get3A_309 : vector<1x128x64xf32> to vector<128x64xf32>
        %dot_general3A_311 = arith.constant dense<0.000000e+00> : vector<1024x64xf32>
        %dot_general3A_312 = tpu.matmul %convert_element_type3A_305, %get3A_310, %dot_general3A_311 {dimension_numbers = #tpu.dot_dimension_numbers<[0], [0], [1], [1], [0, 1, 1, 1], [], []>, transpose_lhs_hint = false} : vector<128x1024xf32>, vector<128x64xf32>, vector<1024x64xf32> -> vector<1024x64xf32>
        %add3A_313 = arith.addf %add3A_298, %dot_general3A_312 : vector<1024x64xf32>
        %add3A_314 = arith.constant 256 : i32
        %add3A_315 = vector.broadcast %add3A_314 : i32 to vector<128x1024xi32>
        %add3A_316 = arith.addi %iota3A, %add3A_315 : vector<128x1024xi32>
        %eq3A_317 = vector.broadcast %slice3A_281 : vector<1x1024xi32> to vector<128x1024xi32>
        %eq3A_318 = arith.cmpi eq, %eq3A_317, %add3A_316 : vector<128x1024xi32>
        %convert_element_type3A_319 = arith.extui %eq3A_318 : vector<128x1024xi1> to vector<128x1024xi32>
        %convert_element_type3A_320 = arith.sitofp %convert_element_type3A_319 : vector<128x1024xi32> to vector<128x1024xf32>
        %get3A_321 = arith.constant 0 : index
        %get3A_322 = arith.constant 256 : index
        %get3A_323 = arith.constant 0 : index
        %get3A_324 = vector.load %arg27[%get3A_321, %get3A_322, %get3A_323] : memref<4x1024x64xf32, #tpu.memory_space<vmem>>, vector<1x128x64xf32>
        %get3A_325 = vector.shape_cast %get3A_324 : vector<1x128x64xf32> to vector<128x64xf32>
        %dot_general3A_326 = arith.constant dense<0.000000e+00> : vector<1024x64xf32>
        %dot_general3A_327 = tpu.matmul %convert_element_type3A_320, %get3A_325, %dot_general3A_326 {dimension_numbers = #tpu.dot_dimension_numbers<[0], [0], [1], [1], [0, 1, 1, 1], [], []>, transpose_lhs_hint = false} : vector<128x1024xf32>, vector<128x64xf32>, vector<1024x64xf32> -> vector<1024x64xf32>
        %add3A_328 = arith.addf %add3A_313, %dot_general3A_327 : vector<1024x64xf32>
        %add3A_329 = arith.constant 384 : i32
        %add3A_330 = vector.broadcast %add3A_329 : i32 to vector<128x1024xi32>
        %add3A_331 = arith.addi %iota3A, %add3A_330 : vector<128x1024xi32>
        %eq3A_332 = vector.broadcast %slice3A_281 : vector<1x1024xi32> to vector<128x1024xi32>
        %eq3A_333 = arith.cmpi eq, %eq3A_332, %add3A_331 : vector<128x1024xi32>
        %convert_element_type3A_334 = arith.extui %eq3A_333 : vector<128x1024xi1> to vector<128x1024xi32>
        %convert_element_type3A_335 = arith.sitofp %convert_element_type3A_334 : vector<128x1024xi32> to vector<128x1024xf32>
        %get3A_336 = arith.constant 0 : index
        %get3A_337 = arith.constant 384 : index
        %get3A_338 = arith.constant 0 : index
        %get3A_339 = vector.load %arg27[%get3A_336, %get3A_337, %get3A_338] : memref<4x1024x64xf32, #tpu.memory_space<vmem>>, vector<1x128x64xf32>
        %get3A_340 = vector.shape_cast %get3A_339 : vector<1x128x64xf32> to vector<128x64xf32>
        %dot_general3A_341 = arith.constant dense<0.000000e+00> : vector<1024x64xf32>
        %dot_general3A_342 = tpu.matmul %convert_element_type3A_335, %get3A_340, %dot_general3A_341 {dimension_numbers = #tpu.dot_dimension_numbers<[0], [0], [1], [1], [0, 1, 1, 1], [], []>, transpose_lhs_hint = false} : vector<128x1024xf32>, vector<128x64xf32>, vector<1024x64xf32> -> vector<1024x64xf32>
        %add3A_343 = arith.addf %add3A_328, %dot_general3A_342 : vector<1024x64xf32>
        %add3A_344 = arith.constant 512 : i32
        %add3A_345 = vector.broadcast %add3A_344 : i32 to vector<128x1024xi32>
        %add3A_346 = arith.addi %iota3A, %add3A_345 : vector<128x1024xi32>
        %eq3A_347 = vector.broadcast %slice3A_281 : vector<1x1024xi32> to vector<128x1024xi32>
        %eq3A_348 = arith.cmpi eq, %eq3A_347, %add3A_346 : vector<128x1024xi32>
        %convert_element_type3A_349 = arith.extui %eq3A_348 : vector<128x1024xi1> to vector<128x1024xi32>
        %convert_element_type3A_350 = arith.sitofp %convert_element_type3A_349 : vector<128x1024xi32> to vector<128x1024xf32>
        %get3A_351 = arith.constant 0 : index
        %get3A_352 = arith.constant 512 : index
        %get3A_353 = arith.constant 0 : index
        %get3A_354 = vector.load %arg27[%get3A_351, %get3A_352, %get3A_353] : memref<4x1024x64xf32, #tpu.memory_space<vmem>>, vector<1x128x64xf32>
        %get3A_355 = vector.shape_cast %get3A_354 : vector<1x128x64xf32> to vector<128x64xf32>
        %dot_general3A_356 = arith.constant dense<0.000000e+00> : vector<1024x64xf32>
        %dot_general3A_357 = tpu.matmul %convert_element_type3A_350, %get3A_355, %dot_general3A_356 {dimension_numbers = #tpu.dot_dimension_numbers<[0], [0], [1], [1], [0, 1, 1, 1], [], []>, transpose_lhs_hint = false} : vector<128x1024xf32>, vector<128x64xf32>, vector<1024x64xf32> -> vector<1024x64xf32>
        %add3A_358 = arith.addf %add3A_343, %dot_general3A_357 : vector<1024x64xf32>
        %add3A_359 = arith.constant 640 : i32
        %add3A_360 = vector.broadcast %add3A_359 : i32 to vector<128x1024xi32>
        %add3A_361 = arith.addi %iota3A, %add3A_360 : vector<128x1024xi32>
        %eq3A_362 = vector.broadcast %slice3A_281 : vector<1x1024xi32> to vector<128x1024xi32>
        %eq3A_363 = arith.cmpi eq, %eq3A_362, %add3A_361 : vector<128x1024xi32>
        %convert_element_type3A_364 = arith.extui %eq3A_363 : vector<128x1024xi1> to vector<128x1024xi32>
        %convert_element_type3A_365 = arith.sitofp %convert_element_type3A_364 : vector<128x1024xi32> to vector<128x1024xf32>
        %get3A_366 = arith.constant 0 : index
        %get3A_367 = arith.constant 640 : index
        %get3A_368 = arith.constant 0 : index
        %get3A_369 = vector.load %arg27[%get3A_366, %get3A_367, %get3A_368] : memref<4x1024x64xf32, #tpu.memory_space<vmem>>, vector<1x128x64xf32>
        %get3A_370 = vector.shape_cast %get3A_369 : vector<1x128x64xf32> to vector<128x64xf32>
        %dot_general3A_371 = arith.constant dense<0.000000e+00> : vector<1024x64xf32>
        %dot_general3A_372 = tpu.matmul %convert_element_type3A_365, %get3A_370, %dot_general3A_371 {dimension_numbers = #tpu.dot_dimension_numbers<[0], [0], [1], [1], [0, 1, 1, 1], [], []>, transpose_lhs_hint = false} : vector<128x1024xf32>, vector<128x64xf32>, vector<1024x64xf32> -> vector<1024x64xf32>
        %add3A_373 = arith.addf %add3A_358, %dot_general3A_372 : vector<1024x64xf32>
        %add3A_374 = arith.constant 768 : i32
        %add3A_375 = vector.broadcast %add3A_374 : i32 to vector<128x1024xi32>
        %add3A_376 = arith.addi %iota3A, %add3A_375 : vector<128x1024xi32>
        %eq3A_377 = vector.broadcast %slice3A_281 : vector<1x1024xi32> to vector<128x1024xi32>
        %eq3A_378 = arith.cmpi eq, %eq3A_377, %add3A_376 : vector<128x1024xi32>
        %convert_element_type3A_379 = arith.extui %eq3A_378 : vector<128x1024xi1> to vector<128x1024xi32>
        %convert_element_type3A_380 = arith.sitofp %convert_element_type3A_379 : vector<128x1024xi32> to vector<128x1024xf32>
        %get3A_381 = arith.constant 0 : index
        %get3A_382 = arith.constant 768 : index
        %get3A_383 = arith.constant 0 : index
        %get3A_384 = vector.load %arg27[%get3A_381, %get3A_382, %get3A_383] : memref<4x1024x64xf32, #tpu.memory_space<vmem>>, vector<1x128x64xf32>
        %get3A_385 = vector.shape_cast %get3A_384 : vector<1x128x64xf32> to vector<128x64xf32>
        %dot_general3A_386 = arith.constant dense<0.000000e+00> : vector<1024x64xf32>
        %dot_general3A_387 = tpu.matmul %convert_element_type3A_380, %get3A_385, %dot_general3A_386 {dimension_numbers = #tpu.dot_dimension_numbers<[0], [0], [1], [1], [0, 1, 1, 1], [], []>, transpose_lhs_hint = false} : vector<128x1024xf32>, vector<128x64xf32>, vector<1024x64xf32> -> vector<1024x64xf32>
        %add3A_388 = arith.addf %add3A_373, %dot_general3A_387 : vector<1024x64xf32>
        %add3A_389 = arith.constant 896 : i32
        %add3A_390 = vector.broadcast %add3A_389 : i32 to vector<128x1024xi32>
        %add3A_391 = arith.addi %iota3A, %add3A_390 : vector<128x1024xi32>
        %eq3A_392 = vector.broadcast %slice3A_281 : vector<1x1024xi32> to vector<128x1024xi32>
        %eq3A_393 = arith.cmpi eq, %eq3A_392, %add3A_391 : vector<128x1024xi32>
        %convert_element_type3A_394 = arith.extui %eq3A_393 : vector<128x1024xi1> to vector<128x1024xi32>
        %convert_element_type3A_395 = arith.sitofp %convert_element_type3A_394 : vector<128x1024xi32> to vector<128x1024xf32>
        %get3A_396 = arith.constant 0 : index
        %get3A_397 = arith.constant 896 : index
        %get3A_398 = arith.constant 0 : index
        %get3A_399 = vector.load %arg27[%get3A_396, %get3A_397, %get3A_398] : memref<4x1024x64xf32, #tpu.memory_space<vmem>>, vector<1x128x64xf32>
        %get3A_400 = vector.shape_cast %get3A_399 : vector<1x128x64xf32> to vector<128x64xf32>
        %dot_general3A_401 = arith.constant dense<0.000000e+00> : vector<1024x64xf32>
        %dot_general3A_402 = tpu.matmul %convert_element_type3A_395, %get3A_400, %dot_general3A_401 {dimension_numbers = #tpu.dot_dimension_numbers<[0], [0], [1], [1], [0, 1, 1, 1], [], []>, transpose_lhs_hint = false} : vector<128x1024xf32>, vector<128x64xf32>, vector<1024x64xf32> -> vector<1024x64xf32>
        %add3A_403 = arith.addf %add3A_388, %dot_general3A_402 : vector<1024x64xf32>
        %get3A_404 = arith.constant 0 : index
        %get3A_405 = arith.constant 0 : index
        %get3A_406 = vector.load %arg28[%get3A_404, %get3A_405] : memref<384x128xf32, #tpu.memory_space<vmem>>, vector<64x128xf32>
        %dot_general3A_407 = arith.constant dense<0.000000e+00> : vector<1024x128xf32>
        %dot_general3A_408 = tpu.matmul %add3A_403, %get3A_406, %dot_general3A_407 {dimension_numbers = #tpu.dot_dimension_numbers<[1], [0], [0], [1], [0, 0, 1, 1], [], []>, transpose_lhs_hint = false} : vector<1024x64xf32>, vector<64x128xf32>, vector<1024x128xf32> -> vector<1024x128xf32>
        %add3A_409 = arith.addf %add3A_275, %dot_general3A_408 : vector<1024x128xf32>
        %slice3A_410 = vector.extract_strided_slice %get3A_280 {offsets = [1, 0], sizes = [1, 1024], strides = [1, 1]} : vector<4x1024xi32> to vector<1x1024xi32>
        %broadcast_in_dim3A_411 = arith.constant 0.000000e+00 : f32
        %broadcast_in_dim3A_412 = vector.broadcast %broadcast_in_dim3A_411 : f32 to vector<1024x64xf32>
        %add3A_413 = arith.constant 0 : i32
        %add3A_414 = vector.broadcast %add3A_413 : i32 to vector<128x1024xi32>
        %add3A_415 = arith.addi %iota3A, %add3A_414 : vector<128x1024xi32>
        %eq3A_416 = vector.broadcast %slice3A_410 : vector<1x1024xi32> to vector<128x1024xi32>
        %eq3A_417 = arith.cmpi eq, %eq3A_416, %add3A_415 : vector<128x1024xi32>
        %convert_element_type3A_418 = arith.extui %eq3A_417 : vector<128x1024xi1> to vector<128x1024xi32>
        %convert_element_type3A_419 = arith.sitofp %convert_element_type3A_418 : vector<128x1024xi32> to vector<128x1024xf32>
        %get3A_420 = arith.constant 1 : index
        %get3A_421 = arith.constant 0 : index
        %get3A_422 = arith.constant 0 : index
        %get3A_423 = vector.load %arg27[%get3A_420, %get3A_421, %get3A_422] : memref<4x1024x64xf32, #tpu.memory_space<vmem>>, vector<1x128x64xf32>
        %get3A_424 = vector.shape_cast %get3A_423 : vector<1x128x64xf32> to vector<128x64xf32>
        %dot_general3A_425 = arith.constant dense<0.000000e+00> : vector<1024x64xf32>
        %dot_general3A_426 = tpu.matmul %convert_element_type3A_419, %get3A_424, %dot_general3A_425 {dimension_numbers = #tpu.dot_dimension_numbers<[0], [0], [1], [1], [0, 1, 1, 1], [], []>, transpose_lhs_hint = false} : vector<128x1024xf32>, vector<128x64xf32>, vector<1024x64xf32> -> vector<1024x64xf32>
        %add3A_427 = arith.addf %broadcast_in_dim3A_412, %dot_general3A_426 : vector<1024x64xf32>
        %add3A_428 = arith.constant 128 : i32
        %add3A_429 = vector.broadcast %add3A_428 : i32 to vector<128x1024xi32>
        %add3A_430 = arith.addi %iota3A, %add3A_429 : vector<128x1024xi32>
        %eq3A_431 = vector.broadcast %slice3A_410 : vector<1x1024xi32> to vector<128x1024xi32>
        %eq3A_432 = arith.cmpi eq, %eq3A_431, %add3A_430 : vector<128x1024xi32>
        %convert_element_type3A_433 = arith.extui %eq3A_432 : vector<128x1024xi1> to vector<128x1024xi32>
        %convert_element_type3A_434 = arith.sitofp %convert_element_type3A_433 : vector<128x1024xi32> to vector<128x1024xf32>
        %get3A_435 = arith.constant 1 : index
        %get3A_436 = arith.constant 128 : index
        %get3A_437 = arith.constant 0 : index
        %get3A_438 = vector.load %arg27[%get3A_435, %get3A_436, %get3A_437] : memref<4x1024x64xf32, #tpu.memory_space<vmem>>, vector<1x128x64xf32>
        %get3A_439 = vector.shape_cast %get3A_438 : vector<1x128x64xf32> to vector<128x64xf32>
        %dot_general3A_440 = arith.constant dense<0.000000e+00> : vector<1024x64xf32>
        %dot_general3A_441 = tpu.matmul %convert_element_type3A_434, %get3A_439, %dot_general3A_440 {dimension_numbers = #tpu.dot_dimension_numbers<[0], [0], [1], [1], [0, 1, 1, 1], [], []>, transpose_lhs_hint = false} : vector<128x1024xf32>, vector<128x64xf32>, vector<1024x64xf32> -> vector<1024x64xf32>
        %add3A_442 = arith.addf %add3A_427, %dot_general3A_441 : vector<1024x64xf32>
        %add3A_443 = arith.constant 256 : i32
        %add3A_444 = vector.broadcast %add3A_443 : i32 to vector<128x1024xi32>
        %add3A_445 = arith.addi %iota3A, %add3A_444 : vector<128x1024xi32>
        %eq3A_446 = vector.broadcast %slice3A_410 : vector<1x1024xi32> to vector<128x1024xi32>
        %eq3A_447 = arith.cmpi eq, %eq3A_446, %add3A_445 : vector<128x1024xi32>
        %convert_element_type3A_448 = arith.extui %eq3A_447 : vector<128x1024xi1> to vector<128x1024xi32>
        %convert_element_type3A_449 = arith.sitofp %convert_element_type3A_448 : vector<128x1024xi32> to vector<128x1024xf32>
        %get3A_450 = arith.constant 1 : index
        %get3A_451 = arith.constant 256 : index
        %get3A_452 = arith.constant 0 : index
        %get3A_453 = vector.load %arg27[%get3A_450, %get3A_451, %get3A_452] : memref<4x1024x64xf32, #tpu.memory_space<vmem>>, vector<1x128x64xf32>
        %get3A_454 = vector.shape_cast %get3A_453 : vector<1x128x64xf32> to vector<128x64xf32>
        %dot_general3A_455 = arith.constant dense<0.000000e+00> : vector<1024x64xf32>
        %dot_general3A_456 = tpu.matmul %convert_element_type3A_449, %get3A_454, %dot_general3A_455 {dimension_numbers = #tpu.dot_dimension_numbers<[0], [0], [1], [1], [0, 1, 1, 1], [], []>, transpose_lhs_hint = false} : vector<128x1024xf32>, vector<128x64xf32>, vector<1024x64xf32> -> vector<1024x64xf32>
        %add3A_457 = arith.addf %add3A_442, %dot_general3A_456 : vector<1024x64xf32>
        %add3A_458 = arith.constant 384 : i32
        %add3A_459 = vector.broadcast %add3A_458 : i32 to vector<128x1024xi32>
        %add3A_460 = arith.addi %iota3A, %add3A_459 : vector<128x1024xi32>
        %eq3A_461 = vector.broadcast %slice3A_410 : vector<1x1024xi32> to vector<128x1024xi32>
        %eq3A_462 = arith.cmpi eq, %eq3A_461, %add3A_460 : vector<128x1024xi32>
        %convert_element_type3A_463 = arith.extui %eq3A_462 : vector<128x1024xi1> to vector<128x1024xi32>
        %convert_element_type3A_464 = arith.sitofp %convert_element_type3A_463 : vector<128x1024xi32> to vector<128x1024xf32>
        %get3A_465 = arith.constant 1 : index
        %get3A_466 = arith.constant 384 : index
        %get3A_467 = arith.constant 0 : index
        %get3A_468 = vector.load %arg27[%get3A_465, %get3A_466, %get3A_467] : memref<4x1024x64xf32, #tpu.memory_space<vmem>>, vector<1x128x64xf32>
        %get3A_469 = vector.shape_cast %get3A_468 : vector<1x128x64xf32> to vector<128x64xf32>
        %dot_general3A_470 = arith.constant dense<0.000000e+00> : vector<1024x64xf32>
        %dot_general3A_471 = tpu.matmul %convert_element_type3A_464, %get3A_469, %dot_general3A_470 {dimension_numbers = #tpu.dot_dimension_numbers<[0], [0], [1], [1], [0, 1, 1, 1], [], []>, transpose_lhs_hint = false} : vector<128x1024xf32>, vector<128x64xf32>, vector<1024x64xf32> -> vector<1024x64xf32>
        %add3A_472 = arith.addf %add3A_457, %dot_general3A_471 : vector<1024x64xf32>
        %add3A_473 = arith.constant 512 : i32
        %add3A_474 = vector.broadcast %add3A_473 : i32 to vector<128x1024xi32>
        %add3A_475 = arith.addi %iota3A, %add3A_474 : vector<128x1024xi32>
        %eq3A_476 = vector.broadcast %slice3A_410 : vector<1x1024xi32> to vector<128x1024xi32>
        %eq3A_477 = arith.cmpi eq, %eq3A_476, %add3A_475 : vector<128x1024xi32>
        %convert_element_type3A_478 = arith.extui %eq3A_477 : vector<128x1024xi1> to vector<128x1024xi32>
        %convert_element_type3A_479 = arith.sitofp %convert_element_type3A_478 : vector<128x1024xi32> to vector<128x1024xf32>
        %get3A_480 = arith.constant 1 : index
        %get3A_481 = arith.constant 512 : index
        %get3A_482 = arith.constant 0 : index
        %get3A_483 = vector.load %arg27[%get3A_480, %get3A_481, %get3A_482] : memref<4x1024x64xf32, #tpu.memory_space<vmem>>, vector<1x128x64xf32>
        %get3A_484 = vector.shape_cast %get3A_483 : vector<1x128x64xf32> to vector<128x64xf32>
        %dot_general3A_485 = arith.constant dense<0.000000e+00> : vector<1024x64xf32>
        %dot_general3A_486 = tpu.matmul %convert_element_type3A_479, %get3A_484, %dot_general3A_485 {dimension_numbers = #tpu.dot_dimension_numbers<[0], [0], [1], [1], [0, 1, 1, 1], [], []>, transpose_lhs_hint = false} : vector<128x1024xf32>, vector<128x64xf32>, vector<1024x64xf32> -> vector<1024x64xf32>
        %add3A_487 = arith.addf %add3A_472, %dot_general3A_486 : vector<1024x64xf32>
        %add3A_488 = arith.constant 640 : i32
        %add3A_489 = vector.broadcast %add3A_488 : i32 to vector<128x1024xi32>
        %add3A_490 = arith.addi %iota3A, %add3A_489 : vector<128x1024xi32>
        %eq3A_491 = vector.broadcast %slice3A_410 : vector<1x1024xi32> to vector<128x1024xi32>
        %eq3A_492 = arith.cmpi eq, %eq3A_491, %add3A_490 : vector<128x1024xi32>
        %convert_element_type3A_493 = arith.extui %eq3A_492 : vector<128x1024xi1> to vector<128x1024xi32>
        %convert_element_type3A_494 = arith.sitofp %convert_element_type3A_493 : vector<128x1024xi32> to vector<128x1024xf32>
        %get3A_495 = arith.constant 1 : index
        %get3A_496 = arith.constant 640 : index
        %get3A_497 = arith.constant 0 : index
        %get3A_498 = vector.load %arg27[%get3A_495, %get3A_496, %get3A_497] : memref<4x1024x64xf32, #tpu.memory_space<vmem>>, vector<1x128x64xf32>
        %get3A_499 = vector.shape_cast %get3A_498 : vector<1x128x64xf32> to vector<128x64xf32>
        %dot_general3A_500 = arith.constant dense<0.000000e+00> : vector<1024x64xf32>
        %dot_general3A_501 = tpu.matmul %convert_element_type3A_494, %get3A_499, %dot_general3A_500 {dimension_numbers = #tpu.dot_dimension_numbers<[0], [0], [1], [1], [0, 1, 1, 1], [], []>, transpose_lhs_hint = false} : vector<128x1024xf32>, vector<128x64xf32>, vector<1024x64xf32> -> vector<1024x64xf32>
        %add3A_502 = arith.addf %add3A_487, %dot_general3A_501 : vector<1024x64xf32>
        %add3A_503 = arith.constant 768 : i32
        %add3A_504 = vector.broadcast %add3A_503 : i32 to vector<128x1024xi32>
        %add3A_505 = arith.addi %iota3A, %add3A_504 : vector<128x1024xi32>
        %eq3A_506 = vector.broadcast %slice3A_410 : vector<1x1024xi32> to vector<128x1024xi32>
        %eq3A_507 = arith.cmpi eq, %eq3A_506, %add3A_505 : vector<128x1024xi32>
        %convert_element_type3A_508 = arith.extui %eq3A_507 : vector<128x1024xi1> to vector<128x1024xi32>
        %convert_element_type3A_509 = arith.sitofp %convert_element_type3A_508 : vector<128x1024xi32> to vector<128x1024xf32>
        %get3A_510 = arith.constant 1 : index
        %get3A_511 = arith.constant 768 : index
        %get3A_512 = arith.constant 0 : index
        %get3A_513 = vector.load %arg27[%get3A_510, %get3A_511, %get3A_512] : memref<4x1024x64xf32, #tpu.memory_space<vmem>>, vector<1x128x64xf32>
        %get3A_514 = vector.shape_cast %get3A_513 : vector<1x128x64xf32> to vector<128x64xf32>
        %dot_general3A_515 = arith.constant dense<0.000000e+00> : vector<1024x64xf32>
        %dot_general3A_516 = tpu.matmul %convert_element_type3A_509, %get3A_514, %dot_general3A_515 {dimension_numbers = #tpu.dot_dimension_numbers<[0], [0], [1], [1], [0, 1, 1, 1], [], []>, transpose_lhs_hint = false} : vector<128x1024xf32>, vector<128x64xf32>, vector<1024x64xf32> -> vector<1024x64xf32>
        %add3A_517 = arith.addf %add3A_502, %dot_general3A_516 : vector<1024x64xf32>
        %add3A_518 = arith.constant 896 : i32
        %add3A_519 = vector.broadcast %add3A_518 : i32 to vector<128x1024xi32>
        %add3A_520 = arith.addi %iota3A, %add3A_519 : vector<128x1024xi32>
        %eq3A_521 = vector.broadcast %slice3A_410 : vector<1x1024xi32> to vector<128x1024xi32>
        %eq3A_522 = arith.cmpi eq, %eq3A_521, %add3A_520 : vector<128x1024xi32>
        %convert_element_type3A_523 = arith.extui %eq3A_522 : vector<128x1024xi1> to vector<128x1024xi32>
        %convert_element_type3A_524 = arith.sitofp %convert_element_type3A_523 : vector<128x1024xi32> to vector<128x1024xf32>
        %get3A_525 = arith.constant 1 : index
        %get3A_526 = arith.constant 896 : index
        %get3A_527 = arith.constant 0 : index
        %get3A_528 = vector.load %arg27[%get3A_525, %get3A_526, %get3A_527] : memref<4x1024x64xf32, #tpu.memory_space<vmem>>, vector<1x128x64xf32>
        %get3A_529 = vector.shape_cast %get3A_528 : vector<1x128x64xf32> to vector<128x64xf32>
        %dot_general3A_530 = arith.constant dense<0.000000e+00> : vector<1024x64xf32>
        %dot_general3A_531 = tpu.matmul %convert_element_type3A_524, %get3A_529, %dot_general3A_530 {dimension_numbers = #tpu.dot_dimension_numbers<[0], [0], [1], [1], [0, 1, 1, 1], [], []>, transpose_lhs_hint = false} : vector<128x1024xf32>, vector<128x64xf32>, vector<1024x64xf32> -> vector<1024x64xf32>
        %add3A_532 = arith.addf %add3A_517, %dot_general3A_531 : vector<1024x64xf32>
        %get3A_533 = arith.constant 64 : index
        %get3A_534 = arith.constant 0 : index
        %get3A_535 = vector.load %arg28[%get3A_533, %get3A_534] : memref<384x128xf32, #tpu.memory_space<vmem>>, vector<64x128xf32>
        %dot_general3A_536 = arith.constant dense<0.000000e+00> : vector<1024x128xf32>
        %dot_general3A_537 = tpu.matmul %add3A_532, %get3A_535, %dot_general3A_536 {dimension_numbers = #tpu.dot_dimension_numbers<[1], [0], [0], [1], [0, 0, 1, 1], [], []>, transpose_lhs_hint = false} : vector<1024x64xf32>, vector<64x128xf32>, vector<1024x128xf32> -> vector<1024x128xf32>
        %add3A_538 = arith.addf %add3A_409, %dot_general3A_537 : vector<1024x128xf32>
        %slice3A_539 = vector.extract_strided_slice %get3A_280 {offsets = [2, 0], sizes = [1, 1024], strides = [1, 1]} : vector<4x1024xi32> to vector<1x1024xi32>
        %broadcast_in_dim3A_540 = arith.constant 0.000000e+00 : f32
        %broadcast_in_dim3A_541 = vector.broadcast %broadcast_in_dim3A_540 : f32 to vector<1024x64xf32>
        %add3A_542 = arith.constant 0 : i32
        %add3A_543 = vector.broadcast %add3A_542 : i32 to vector<128x1024xi32>
        %add3A_544 = arith.addi %iota3A, %add3A_543 : vector<128x1024xi32>
        %eq3A_545 = vector.broadcast %slice3A_539 : vector<1x1024xi32> to vector<128x1024xi32>
        %eq3A_546 = arith.cmpi eq, %eq3A_545, %add3A_544 : vector<128x1024xi32>
        %convert_element_type3A_547 = arith.extui %eq3A_546 : vector<128x1024xi1> to vector<128x1024xi32>
        %convert_element_type3A_548 = arith.sitofp %convert_element_type3A_547 : vector<128x1024xi32> to vector<128x1024xf32>
        %get3A_549 = arith.constant 2 : index
        %get3A_550 = arith.constant 0 : index
        %get3A_551 = arith.constant 0 : index
        %get3A_552 = vector.load %arg27[%get3A_549, %get3A_550, %get3A_551] : memref<4x1024x64xf32, #tpu.memory_space<vmem>>, vector<1x128x64xf32>
        %get3A_553 = vector.shape_cast %get3A_552 : vector<1x128x64xf32> to vector<128x64xf32>
        %dot_general3A_554 = arith.constant dense<0.000000e+00> : vector<1024x64xf32>
        %dot_general3A_555 = tpu.matmul %convert_element_type3A_548, %get3A_553, %dot_general3A_554 {dimension_numbers = #tpu.dot_dimension_numbers<[0], [0], [1], [1], [0, 1, 1, 1], [], []>, transpose_lhs_hint = false} : vector<128x1024xf32>, vector<128x64xf32>, vector<1024x64xf32> -> vector<1024x64xf32>
        %add3A_556 = arith.addf %broadcast_in_dim3A_541, %dot_general3A_555 : vector<1024x64xf32>
        %add3A_557 = arith.constant 128 : i32
        %add3A_558 = vector.broadcast %add3A_557 : i32 to vector<128x1024xi32>
        %add3A_559 = arith.addi %iota3A, %add3A_558 : vector<128x1024xi32>
        %eq3A_560 = vector.broadcast %slice3A_539 : vector<1x1024xi32> to vector<128x1024xi32>
        %eq3A_561 = arith.cmpi eq, %eq3A_560, %add3A_559 : vector<128x1024xi32>
        %convert_element_type3A_562 = arith.extui %eq3A_561 : vector<128x1024xi1> to vector<128x1024xi32>
        %convert_element_type3A_563 = arith.sitofp %convert_element_type3A_562 : vector<128x1024xi32> to vector<128x1024xf32>
        %get3A_564 = arith.constant 2 : index
        %get3A_565 = arith.constant 128 : index
        %get3A_566 = arith.constant 0 : index
        %get3A_567 = vector.load %arg27[%get3A_564, %get3A_565, %get3A_566] : memref<4x1024x64xf32, #tpu.memory_space<vmem>>, vector<1x128x64xf32>
        %get3A_568 = vector.shape_cast %get3A_567 : vector<1x128x64xf32> to vector<128x64xf32>
        %dot_general3A_569 = arith.constant dense<0.000000e+00> : vector<1024x64xf32>
        %dot_general3A_570 = tpu.matmul %convert_element_type3A_563, %get3A_568, %dot_general3A_569 {dimension_numbers = #tpu.dot_dimension_numbers<[0], [0], [1], [1], [0, 1, 1, 1], [], []>, transpose_lhs_hint = false} : vector<128x1024xf32>, vector<128x64xf32>, vector<1024x64xf32> -> vector<1024x64xf32>
        %add3A_571 = arith.addf %add3A_556, %dot_general3A_570 : vector<1024x64xf32>
        %add3A_572 = arith.constant 256 : i32
        %add3A_573 = vector.broadcast %add3A_572 : i32 to vector<128x1024xi32>
        %add3A_574 = arith.addi %iota3A, %add3A_573 : vector<128x1024xi32>
        %eq3A_575 = vector.broadcast %slice3A_539 : vector<1x1024xi32> to vector<128x1024xi32>
        %eq3A_576 = arith.cmpi eq, %eq3A_575, %add3A_574 : vector<128x1024xi32>
        %convert_element_type3A_577 = arith.extui %eq3A_576 : vector<128x1024xi1> to vector<128x1024xi32>
        %convert_element_type3A_578 = arith.sitofp %convert_element_type3A_577 : vector<128x1024xi32> to vector<128x1024xf32>
        %get3A_579 = arith.constant 2 : index
        %get3A_580 = arith.constant 256 : index
        %get3A_581 = arith.constant 0 : index
        %get3A_582 = vector.load %arg27[%get3A_579, %get3A_580, %get3A_581] : memref<4x1024x64xf32, #tpu.memory_space<vmem>>, vector<1x128x64xf32>
        %get3A_583 = vector.shape_cast %get3A_582 : vector<1x128x64xf32> to vector<128x64xf32>
        %dot_general3A_584 = arith.constant dense<0.000000e+00> : vector<1024x64xf32>
        %dot_general3A_585 = tpu.matmul %convert_element_type3A_578, %get3A_583, %dot_general3A_584 {dimension_numbers = #tpu.dot_dimension_numbers<[0], [0], [1], [1], [0, 1, 1, 1], [], []>, transpose_lhs_hint = false} : vector<128x1024xf32>, vector<128x64xf32>, vector<1024x64xf32> -> vector<1024x64xf32>
        %add3A_586 = arith.addf %add3A_571, %dot_general3A_585 : vector<1024x64xf32>
        %add3A_587 = arith.constant 384 : i32
        %add3A_588 = vector.broadcast %add3A_587 : i32 to vector<128x1024xi32>
        %add3A_589 = arith.addi %iota3A, %add3A_588 : vector<128x1024xi32>
        %eq3A_590 = vector.broadcast %slice3A_539 : vector<1x1024xi32> to vector<128x1024xi32>
        %eq3A_591 = arith.cmpi eq, %eq3A_590, %add3A_589 : vector<128x1024xi32>
        %convert_element_type3A_592 = arith.extui %eq3A_591 : vector<128x1024xi1> to vector<128x1024xi32>
        %convert_element_type3A_593 = arith.sitofp %convert_element_type3A_592 : vector<128x1024xi32> to vector<128x1024xf32>
        %get3A_594 = arith.constant 2 : index
        %get3A_595 = arith.constant 384 : index
        %get3A_596 = arith.constant 0 : index
        %get3A_597 = vector.load %arg27[%get3A_594, %get3A_595, %get3A_596] : memref<4x1024x64xf32, #tpu.memory_space<vmem>>, vector<1x128x64xf32>
        %get3A_598 = vector.shape_cast %get3A_597 : vector<1x128x64xf32> to vector<128x64xf32>
        %dot_general3A_599 = arith.constant dense<0.000000e+00> : vector<1024x64xf32>
        %dot_general3A_600 = tpu.matmul %convert_element_type3A_593, %get3A_598, %dot_general3A_599 {dimension_numbers = #tpu.dot_dimension_numbers<[0], [0], [1], [1], [0, 1, 1, 1], [], []>, transpose_lhs_hint = false} : vector<128x1024xf32>, vector<128x64xf32>, vector<1024x64xf32> -> vector<1024x64xf32>
        %add3A_601 = arith.addf %add3A_586, %dot_general3A_600 : vector<1024x64xf32>
        %add3A_602 = arith.constant 512 : i32
        %add3A_603 = vector.broadcast %add3A_602 : i32 to vector<128x1024xi32>
        %add3A_604 = arith.addi %iota3A, %add3A_603 : vector<128x1024xi32>
        %eq3A_605 = vector.broadcast %slice3A_539 : vector<1x1024xi32> to vector<128x1024xi32>
        %eq3A_606 = arith.cmpi eq, %eq3A_605, %add3A_604 : vector<128x1024xi32>
        %convert_element_type3A_607 = arith.extui %eq3A_606 : vector<128x1024xi1> to vector<128x1024xi32>
        %convert_element_type3A_608 = arith.sitofp %convert_element_type3A_607 : vector<128x1024xi32> to vector<128x1024xf32>
        %get3A_609 = arith.constant 2 : index
        %get3A_610 = arith.constant 512 : index
        %get3A_611 = arith.constant 0 : index
        %get3A_612 = vector.load %arg27[%get3A_609, %get3A_610, %get3A_611] : memref<4x1024x64xf32, #tpu.memory_space<vmem>>, vector<1x128x64xf32>
        %get3A_613 = vector.shape_cast %get3A_612 : vector<1x128x64xf32> to vector<128x64xf32>
        %dot_general3A_614 = arith.constant dense<0.000000e+00> : vector<1024x64xf32>
        %dot_general3A_615 = tpu.matmul %convert_element_type3A_608, %get3A_613, %dot_general3A_614 {dimension_numbers = #tpu.dot_dimension_numbers<[0], [0], [1], [1], [0, 1, 1, 1], [], []>, transpose_lhs_hint = false} : vector<128x1024xf32>, vector<128x64xf32>, vector<1024x64xf32> -> vector<1024x64xf32>
        %add3A_616 = arith.addf %add3A_601, %dot_general3A_615 : vector<1024x64xf32>
        %add3A_617 = arith.constant 640 : i32
        %add3A_618 = vector.broadcast %add3A_617 : i32 to vector<128x1024xi32>
        %add3A_619 = arith.addi %iota3A, %add3A_618 : vector<128x1024xi32>
        %eq3A_620 = vector.broadcast %slice3A_539 : vector<1x1024xi32> to vector<128x1024xi32>
        %eq3A_621 = arith.cmpi eq, %eq3A_620, %add3A_619 : vector<128x1024xi32>
        %convert_element_type3A_622 = arith.extui %eq3A_621 : vector<128x1024xi1> to vector<128x1024xi32>
        %convert_element_type3A_623 = arith.sitofp %convert_element_type3A_622 : vector<128x1024xi32> to vector<128x1024xf32>
        %get3A_624 = arith.constant 2 : index
        %get3A_625 = arith.constant 640 : index
        %get3A_626 = arith.constant 0 : index
        %get3A_627 = vector.load %arg27[%get3A_624, %get3A_625, %get3A_626] : memref<4x1024x64xf32, #tpu.memory_space<vmem>>, vector<1x128x64xf32>
        %get3A_628 = vector.shape_cast %get3A_627 : vector<1x128x64xf32> to vector<128x64xf32>
        %dot_general3A_629 = arith.constant dense<0.000000e+00> : vector<1024x64xf32>
        %dot_general3A_630 = tpu.matmul %convert_element_type3A_623, %get3A_628, %dot_general3A_629 {dimension_numbers = #tpu.dot_dimension_numbers<[0], [0], [1], [1], [0, 1, 1, 1], [], []>, transpose_lhs_hint = false} : vector<128x1024xf32>, vector<128x64xf32>, vector<1024x64xf32> -> vector<1024x64xf32>
        %add3A_631 = arith.addf %add3A_616, %dot_general3A_630 : vector<1024x64xf32>
        %add3A_632 = arith.constant 768 : i32
        %add3A_633 = vector.broadcast %add3A_632 : i32 to vector<128x1024xi32>
        %add3A_634 = arith.addi %iota3A, %add3A_633 : vector<128x1024xi32>
        %eq3A_635 = vector.broadcast %slice3A_539 : vector<1x1024xi32> to vector<128x1024xi32>
        %eq3A_636 = arith.cmpi eq, %eq3A_635, %add3A_634 : vector<128x1024xi32>
        %convert_element_type3A_637 = arith.extui %eq3A_636 : vector<128x1024xi1> to vector<128x1024xi32>
        %convert_element_type3A_638 = arith.sitofp %convert_element_type3A_637 : vector<128x1024xi32> to vector<128x1024xf32>
        %get3A_639 = arith.constant 2 : index
        %get3A_640 = arith.constant 768 : index
        %get3A_641 = arith.constant 0 : index
        %get3A_642 = vector.load %arg27[%get3A_639, %get3A_640, %get3A_641] : memref<4x1024x64xf32, #tpu.memory_space<vmem>>, vector<1x128x64xf32>
        %get3A_643 = vector.shape_cast %get3A_642 : vector<1x128x64xf32> to vector<128x64xf32>
        %dot_general3A_644 = arith.constant dense<0.000000e+00> : vector<1024x64xf32>
        %dot_general3A_645 = tpu.matmul %convert_element_type3A_638, %get3A_643, %dot_general3A_644 {dimension_numbers = #tpu.dot_dimension_numbers<[0], [0], [1], [1], [0, 1, 1, 1], [], []>, transpose_lhs_hint = false} : vector<128x1024xf32>, vector<128x64xf32>, vector<1024x64xf32> -> vector<1024x64xf32>
        %add3A_646 = arith.addf %add3A_631, %dot_general3A_645 : vector<1024x64xf32>
        %add3A_647 = arith.constant 896 : i32
        %add3A_648 = vector.broadcast %add3A_647 : i32 to vector<128x1024xi32>
        %add3A_649 = arith.addi %iota3A, %add3A_648 : vector<128x1024xi32>
        %eq3A_650 = vector.broadcast %slice3A_539 : vector<1x1024xi32> to vector<128x1024xi32>
        %eq3A_651 = arith.cmpi eq, %eq3A_650, %add3A_649 : vector<128x1024xi32>
        %convert_element_type3A_652 = arith.extui %eq3A_651 : vector<128x1024xi1> to vector<128x1024xi32>
        %convert_element_type3A_653 = arith.sitofp %convert_element_type3A_652 : vector<128x1024xi32> to vector<128x1024xf32>
        %get3A_654 = arith.constant 2 : index
        %get3A_655 = arith.constant 896 : index
        %get3A_656 = arith.constant 0 : index
        %get3A_657 = vector.load %arg27[%get3A_654, %get3A_655, %get3A_656] : memref<4x1024x64xf32, #tpu.memory_space<vmem>>, vector<1x128x64xf32>
        %get3A_658 = vector.shape_cast %get3A_657 : vector<1x128x64xf32> to vector<128x64xf32>
        %dot_general3A_659 = arith.constant dense<0.000000e+00> : vector<1024x64xf32>
        %dot_general3A_660 = tpu.matmul %convert_element_type3A_653, %get3A_658, %dot_general3A_659 {dimension_numbers = #tpu.dot_dimension_numbers<[0], [0], [1], [1], [0, 1, 1, 1], [], []>, transpose_lhs_hint = false} : vector<128x1024xf32>, vector<128x64xf32>, vector<1024x64xf32> -> vector<1024x64xf32>
        %add3A_661 = arith.addf %add3A_646, %dot_general3A_660 : vector<1024x64xf32>
        %get3A_662 = arith.constant 128 : index
        %get3A_663 = arith.constant 0 : index
        %get3A_664 = vector.load %arg28[%get3A_662, %get3A_663] : memref<384x128xf32, #tpu.memory_space<vmem>>, vector<64x128xf32>
        %dot_general3A_665 = arith.constant dense<0.000000e+00> : vector<1024x128xf32>
        %dot_general3A_666 = tpu.matmul %add3A_661, %get3A_664, %dot_general3A_665 {dimension_numbers = #tpu.dot_dimension_numbers<[1], [0], [0], [1], [0, 0, 1, 1], [], []>, transpose_lhs_hint = false} : vector<1024x64xf32>, vector<64x128xf32>, vector<1024x128xf32> -> vector<1024x128xf32>
        %add3A_667 = arith.addf %add3A_538, %dot_general3A_666 : vector<1024x128xf32>
        %slice3A_668 = vector.extract_strided_slice %get3A_280 {offsets = [3, 0], sizes = [1, 1024], strides = [1, 1]} : vector<4x1024xi32> to vector<1x1024xi32>
        %broadcast_in_dim3A_669 = arith.constant 0.000000e+00 : f32
        %broadcast_in_dim3A_670 = vector.broadcast %broadcast_in_dim3A_669 : f32 to vector<1024x64xf32>
        %add3A_671 = arith.constant 0 : i32
        %add3A_672 = vector.broadcast %add3A_671 : i32 to vector<128x1024xi32>
        %add3A_673 = arith.addi %iota3A, %add3A_672 : vector<128x1024xi32>
        %eq3A_674 = vector.broadcast %slice3A_668 : vector<1x1024xi32> to vector<128x1024xi32>
        %eq3A_675 = arith.cmpi eq, %eq3A_674, %add3A_673 : vector<128x1024xi32>
        %convert_element_type3A_676 = arith.extui %eq3A_675 : vector<128x1024xi1> to vector<128x1024xi32>
        %convert_element_type3A_677 = arith.sitofp %convert_element_type3A_676 : vector<128x1024xi32> to vector<128x1024xf32>
        %get3A_678 = arith.constant 3 : index
        %get3A_679 = arith.constant 0 : index
        %get3A_680 = arith.constant 0 : index
        %get3A_681 = vector.load %arg27[%get3A_678, %get3A_679, %get3A_680] : memref<4x1024x64xf32, #tpu.memory_space<vmem>>, vector<1x128x64xf32>
        %get3A_682 = vector.shape_cast %get3A_681 : vector<1x128x64xf32> to vector<128x64xf32>
        %dot_general3A_683 = arith.constant dense<0.000000e+00> : vector<1024x64xf32>
        %dot_general3A_684 = tpu.matmul %convert_element_type3A_677, %get3A_682, %dot_general3A_683 {dimension_numbers = #tpu.dot_dimension_numbers<[0], [0], [1], [1], [0, 1, 1, 1], [], []>, transpose_lhs_hint = false} : vector<128x1024xf32>, vector<128x64xf32>, vector<1024x64xf32> -> vector<1024x64xf32>
        %add3A_685 = arith.addf %broadcast_in_dim3A_670, %dot_general3A_684 : vector<1024x64xf32>
        %add3A_686 = arith.constant 128 : i32
        %add3A_687 = vector.broadcast %add3A_686 : i32 to vector<128x1024xi32>
        %add3A_688 = arith.addi %iota3A, %add3A_687 : vector<128x1024xi32>
        %eq3A_689 = vector.broadcast %slice3A_668 : vector<1x1024xi32> to vector<128x1024xi32>
        %eq3A_690 = arith.cmpi eq, %eq3A_689, %add3A_688 : vector<128x1024xi32>
        %convert_element_type3A_691 = arith.extui %eq3A_690 : vector<128x1024xi1> to vector<128x1024xi32>
        %convert_element_type3A_692 = arith.sitofp %convert_element_type3A_691 : vector<128x1024xi32> to vector<128x1024xf32>
        %get3A_693 = arith.constant 3 : index
        %get3A_694 = arith.constant 128 : index
        %get3A_695 = arith.constant 0 : index
        %get3A_696 = vector.load %arg27[%get3A_693, %get3A_694, %get3A_695] : memref<4x1024x64xf32, #tpu.memory_space<vmem>>, vector<1x128x64xf32>
        %get3A_697 = vector.shape_cast %get3A_696 : vector<1x128x64xf32> to vector<128x64xf32>
        %dot_general3A_698 = arith.constant dense<0.000000e+00> : vector<1024x64xf32>
        %dot_general3A_699 = tpu.matmul %convert_element_type3A_692, %get3A_697, %dot_general3A_698 {dimension_numbers = #tpu.dot_dimension_numbers<[0], [0], [1], [1], [0, 1, 1, 1], [], []>, transpose_lhs_hint = false} : vector<128x1024xf32>, vector<128x64xf32>, vector<1024x64xf32> -> vector<1024x64xf32>
        %add3A_700 = arith.addf %add3A_685, %dot_general3A_699 : vector<1024x64xf32>
        %add3A_701 = arith.constant 256 : i32
        %add3A_702 = vector.broadcast %add3A_701 : i32 to vector<128x1024xi32>
        %add3A_703 = arith.addi %iota3A, %add3A_702 : vector<128x1024xi32>
        %eq3A_704 = vector.broadcast %slice3A_668 : vector<1x1024xi32> to vector<128x1024xi32>
        %eq3A_705 = arith.cmpi eq, %eq3A_704, %add3A_703 : vector<128x1024xi32>
        %convert_element_type3A_706 = arith.extui %eq3A_705 : vector<128x1024xi1> to vector<128x1024xi32>
        %convert_element_type3A_707 = arith.sitofp %convert_element_type3A_706 : vector<128x1024xi32> to vector<128x1024xf32>
        %get3A_708 = arith.constant 3 : index
        %get3A_709 = arith.constant 256 : index
        %get3A_710 = arith.constant 0 : index
        %get3A_711 = vector.load %arg27[%get3A_708, %get3A_709, %get3A_710] : memref<4x1024x64xf32, #tpu.memory_space<vmem>>, vector<1x128x64xf32>
        %get3A_712 = vector.shape_cast %get3A_711 : vector<1x128x64xf32> to vector<128x64xf32>
        %dot_general3A_713 = arith.constant dense<0.000000e+00> : vector<1024x64xf32>
        %dot_general3A_714 = tpu.matmul %convert_element_type3A_707, %get3A_712, %dot_general3A_713 {dimension_numbers = #tpu.dot_dimension_numbers<[0], [0], [1], [1], [0, 1, 1, 1], [], []>, transpose_lhs_hint = false} : vector<128x1024xf32>, vector<128x64xf32>, vector<1024x64xf32> -> vector<1024x64xf32>
        %add3A_715 = arith.addf %add3A_700, %dot_general3A_714 : vector<1024x64xf32>
        %add3A_716 = arith.constant 384 : i32
        %add3A_717 = vector.broadcast %add3A_716 : i32 to vector<128x1024xi32>
        %add3A_718 = arith.addi %iota3A, %add3A_717 : vector<128x1024xi32>
        %eq3A_719 = vector.broadcast %slice3A_668 : vector<1x1024xi32> to vector<128x1024xi32>
        %eq3A_720 = arith.cmpi eq, %eq3A_719, %add3A_718 : vector<128x1024xi32>
        %convert_element_type3A_721 = arith.extui %eq3A_720 : vector<128x1024xi1> to vector<128x1024xi32>
        %convert_element_type3A_722 = arith.sitofp %convert_element_type3A_721 : vector<128x1024xi32> to vector<128x1024xf32>
        %get3A_723 = arith.constant 3 : index
        %get3A_724 = arith.constant 384 : index
        %get3A_725 = arith.constant 0 : index
        %get3A_726 = vector.load %arg27[%get3A_723, %get3A_724, %get3A_725] : memref<4x1024x64xf32, #tpu.memory_space<vmem>>, vector<1x128x64xf32>
        %get3A_727 = vector.shape_cast %get3A_726 : vector<1x128x64xf32> to vector<128x64xf32>
        %dot_general3A_728 = arith.constant dense<0.000000e+00> : vector<1024x64xf32>
        %dot_general3A_729 = tpu.matmul %convert_element_type3A_722, %get3A_727, %dot_general3A_728 {dimension_numbers = #tpu.dot_dimension_numbers<[0], [0], [1], [1], [0, 1, 1, 1], [], []>, transpose_lhs_hint = false} : vector<128x1024xf32>, vector<128x64xf32>, vector<1024x64xf32> -> vector<1024x64xf32>
        %add3A_730 = arith.addf %add3A_715, %dot_general3A_729 : vector<1024x64xf32>
        %add3A_731 = arith.constant 512 : i32
        %add3A_732 = vector.broadcast %add3A_731 : i32 to vector<128x1024xi32>
        %add3A_733 = arith.addi %iota3A, %add3A_732 : vector<128x1024xi32>
        %eq3A_734 = vector.broadcast %slice3A_668 : vector<1x1024xi32> to vector<128x1024xi32>
        %eq3A_735 = arith.cmpi eq, %eq3A_734, %add3A_733 : vector<128x1024xi32>
        %convert_element_type3A_736 = arith.extui %eq3A_735 : vector<128x1024xi1> to vector<128x1024xi32>
        %convert_element_type3A_737 = arith.sitofp %convert_element_type3A_736 : vector<128x1024xi32> to vector<128x1024xf32>
        %get3A_738 = arith.constant 3 : index
        %get3A_739 = arith.constant 512 : index
        %get3A_740 = arith.constant 0 : index
        %get3A_741 = vector.load %arg27[%get3A_738, %get3A_739, %get3A_740] : memref<4x1024x64xf32, #tpu.memory_space<vmem>>, vector<1x128x64xf32>
        %get3A_742 = vector.shape_cast %get3A_741 : vector<1x128x64xf32> to vector<128x64xf32>
        %dot_general3A_743 = arith.constant dense<0.000000e+00> : vector<1024x64xf32>
        %dot_general3A_744 = tpu.matmul %convert_element_type3A_737, %get3A_742, %dot_general3A_743 {dimension_numbers = #tpu.dot_dimension_numbers<[0], [0], [1], [1], [0, 1, 1, 1], [], []>, transpose_lhs_hint = false} : vector<128x1024xf32>, vector<128x64xf32>, vector<1024x64xf32> -> vector<1024x64xf32>
        %add3A_745 = arith.addf %add3A_730, %dot_general3A_744 : vector<1024x64xf32>
        %add3A_746 = arith.constant 640 : i32
        %add3A_747 = vector.broadcast %add3A_746 : i32 to vector<128x1024xi32>
        %add3A_748 = arith.addi %iota3A, %add3A_747 : vector<128x1024xi32>
        %eq3A_749 = vector.broadcast %slice3A_668 : vector<1x1024xi32> to vector<128x1024xi32>
        %eq3A_750 = arith.cmpi eq, %eq3A_749, %add3A_748 : vector<128x1024xi32>
        %convert_element_type3A_751 = arith.extui %eq3A_750 : vector<128x1024xi1> to vector<128x1024xi32>
        %convert_element_type3A_752 = arith.sitofp %convert_element_type3A_751 : vector<128x1024xi32> to vector<128x1024xf32>
        %get3A_753 = arith.constant 3 : index
        %get3A_754 = arith.constant 640 : index
        %get3A_755 = arith.constant 0 : index
        %get3A_756 = vector.load %arg27[%get3A_753, %get3A_754, %get3A_755] : memref<4x1024x64xf32, #tpu.memory_space<vmem>>, vector<1x128x64xf32>
        %get3A_757 = vector.shape_cast %get3A_756 : vector<1x128x64xf32> to vector<128x64xf32>
        %dot_general3A_758 = arith.constant dense<0.000000e+00> : vector<1024x64xf32>
        %dot_general3A_759 = tpu.matmul %convert_element_type3A_752, %get3A_757, %dot_general3A_758 {dimension_numbers = #tpu.dot_dimension_numbers<[0], [0], [1], [1], [0, 1, 1, 1], [], []>, transpose_lhs_hint = false} : vector<128x1024xf32>, vector<128x64xf32>, vector<1024x64xf32> -> vector<1024x64xf32>
        %add3A_760 = arith.addf %add3A_745, %dot_general3A_759 : vector<1024x64xf32>
        %add3A_761 = arith.constant 768 : i32
        %add3A_762 = vector.broadcast %add3A_761 : i32 to vector<128x1024xi32>
        %add3A_763 = arith.addi %iota3A, %add3A_762 : vector<128x1024xi32>
        %eq3A_764 = vector.broadcast %slice3A_668 : vector<1x1024xi32> to vector<128x1024xi32>
        %eq3A_765 = arith.cmpi eq, %eq3A_764, %add3A_763 : vector<128x1024xi32>
        %convert_element_type3A_766 = arith.extui %eq3A_765 : vector<128x1024xi1> to vector<128x1024xi32>
        %convert_element_type3A_767 = arith.sitofp %convert_element_type3A_766 : vector<128x1024xi32> to vector<128x1024xf32>
        %get3A_768 = arith.constant 3 : index
        %get3A_769 = arith.constant 768 : index
        %get3A_770 = arith.constant 0 : index
        %get3A_771 = vector.load %arg27[%get3A_768, %get3A_769, %get3A_770] : memref<4x1024x64xf32, #tpu.memory_space<vmem>>, vector<1x128x64xf32>
        %get3A_772 = vector.shape_cast %get3A_771 : vector<1x128x64xf32> to vector<128x64xf32>
        %dot_general3A_773 = arith.constant dense<0.000000e+00> : vector<1024x64xf32>
        %dot_general3A_774 = tpu.matmul %convert_element_type3A_767, %get3A_772, %dot_general3A_773 {dimension_numbers = #tpu.dot_dimension_numbers<[0], [0], [1], [1], [0, 1, 1, 1], [], []>, transpose_lhs_hint = false} : vector<128x1024xf32>, vector<128x64xf32>, vector<1024x64xf32> -> vector<1024x64xf32>
        %add3A_775 = arith.addf %add3A_760, %dot_general3A_774 : vector<1024x64xf32>
        %add3A_776 = arith.constant 896 : i32
        %add3A_777 = vector.broadcast %add3A_776 : i32 to vector<128x1024xi32>
        %add3A_778 = arith.addi %iota3A, %add3A_777 : vector<128x1024xi32>
        %eq3A_779 = vector.broadcast %slice3A_668 : vector<1x1024xi32> to vector<128x1024xi32>
        %eq3A_780 = arith.cmpi eq, %eq3A_779, %add3A_778 : vector<128x1024xi32>
        %convert_element_type3A_781 = arith.extui %eq3A_780 : vector<128x1024xi1> to vector<128x1024xi32>
        %convert_element_type3A_782 = arith.sitofp %convert_element_type3A_781 : vector<128x1024xi32> to vector<128x1024xf32>
        %get3A_783 = arith.constant 3 : index
        %get3A_784 = arith.constant 896 : index
        %get3A_785 = arith.constant 0 : index
        %get3A_786 = vector.load %arg27[%get3A_783, %get3A_784, %get3A_785] : memref<4x1024x64xf32, #tpu.memory_space<vmem>>, vector<1x128x64xf32>
        %get3A_787 = vector.shape_cast %get3A_786 : vector<1x128x64xf32> to vector<128x64xf32>
        %dot_general3A_788 = arith.constant dense<0.000000e+00> : vector<1024x64xf32>
        %dot_general3A_789 = tpu.matmul %convert_element_type3A_782, %get3A_787, %dot_general3A_788 {dimension_numbers = #tpu.dot_dimension_numbers<[0], [0], [1], [1], [0, 1, 1, 1], [], []>, transpose_lhs_hint = false} : vector<128x1024xf32>, vector<128x64xf32>, vector<1024x64xf32> -> vector<1024x64xf32>
        %add3A_790 = arith.addf %add3A_775, %dot_general3A_789 : vector<1024x64xf32>
        %get3A_791 = arith.constant 192 : index
        %get3A_792 = arith.constant 0 : index
        %get3A_793 = vector.load %arg28[%get3A_791, %get3A_792] : memref<384x128xf32, #tpu.memory_space<vmem>>, vector<64x128xf32>
        %dot_general3A_794 = arith.constant dense<0.000000e+00> : vector<1024x128xf32>
        %dot_general3A_795 = tpu.matmul %add3A_790, %get3A_793, %dot_general3A_794 {dimension_numbers = #tpu.dot_dimension_numbers<[1], [0], [0], [1], [0, 0, 1, 1], [], []>, transpose_lhs_hint = false} : vector<1024x64xf32>, vector<64x128xf32>, vector<1024x128xf32> -> vector<1024x128xf32>
        %add3A_796 = arith.addf %add3A_667, %dot_general3A_795 : vector<1024x128xf32>
        %mul3A_797 = arith.constant 5.000000e-01 : f32
        %mul3A_798 = vector.broadcast %mul3A_797 : f32 to vector<1024x128xf32>
        %mul3A_799 = arith.mulf %mul3A_798, %add3A_796 : vector<1024x128xf32>
        %mul3A_800 = arith.constant 0.707106769 : f32
        %mul3A_801 = vector.broadcast %mul3A_800 : f32 to vector<1024x128xf32>
        %mul3A_802 = arith.mulf %add3A_796, %mul3A_801 : vector<1024x128xf32>
        %erf3A_803 = math.erf %mul3A_802 : vector<1024x128xf32>
        %add3A_804 = arith.constant 1.000000e+00 : f32
        %add3A_805 = vector.broadcast %add3A_804 : f32 to vector<1024x128xf32>
        %add3A_806 = arith.addf %add3A_805, %erf3A_803 : vector<1024x128xf32>
        %mul3A_807 = arith.mulf %mul3A_799, %add3A_806 : vector<1024x128xf32>
        %reduce_sum3A_808 = arith.constant dense<0.000000e+00> : vector<1024xf32>
        %reduce_sum3A_809 = vector.multi_reduction <add>, %mul3A_807, %reduce_sum3A_808 [1] : vector<1024x128xf32> to vector<1024xf32>
        %broadcast_in_dim3A_810 = vector.shape_cast %reduce_sum3A_809 : vector<1024xf32> to vector<1024x1xf32>
        %div3A_811 = arith.constant 1.280000e+02 : f32
        %div3A_812 = vector.broadcast %div3A_811 : f32 to vector<1024x1xf32>
        %div3A_813 = arith.divf %broadcast_in_dim3A_810, %div3A_812 : vector<1024x1xf32>
        %sub3A_814 = vector.broadcast %div3A_813 : vector<1024x1xf32> to vector<1024x128xf32>
        %sub3A_815 = arith.subf %mul3A_807, %sub3A_814 : vector<1024x128xf32>
        %integer_pow3A_816 = arith.mulf %sub3A_815, %sub3A_815 : vector<1024x128xf32>
        %reduce_sum3A_817 = arith.constant dense<0.000000e+00> : vector<1024xf32>
        %reduce_sum3A_818 = vector.multi_reduction <add>, %integer_pow3A_816, %reduce_sum3A_817 [1] : vector<1024x128xf32> to vector<1024xf32>
        %broadcast_in_dim3A_819 = vector.shape_cast %reduce_sum3A_818 : vector<1024xf32> to vector<1024x1xf32>
        %div3A_820 = arith.constant 1.280000e+02 : f32
        %div3A_821 = vector.broadcast %div3A_820 : f32 to vector<1024x1xf32>
        %div3A_822 = arith.divf %broadcast_in_dim3A_819, %div3A_821 : vector<1024x1xf32>
        %sub3A_823 = vector.broadcast %div3A_813 : vector<1024x1xf32> to vector<1024x128xf32>
        %sub3A_824 = arith.subf %mul3A_807, %sub3A_823 : vector<1024x128xf32>
        %add3A_825 = arith.constant 9.99999974E-6 : f32
        %add3A_826 = vector.broadcast %add3A_825 : f32 to vector<1024x1xf32>
        %add3A_827 = arith.addf %div3A_822, %add3A_826 : vector<1024x1xf32>
        %sqrt3A_828 = math.sqrt %add3A_827 : vector<1024x1xf32>
        %div3A_829 = vector.broadcast %sqrt3A_828 : vector<1024x1xf32> to vector<1024x128xf32>
        %div3A_830 = arith.divf %sub3A_824, %div3A_829 : vector<1024x128xf32>
        %get3A_831 = arith.constant 0 : index
        %get3A_832 = arith.constant 0 : index
        %get3A_833 = vector.load %arg23[%get3A_831, %get3A_832] : memref<1x128xf32, #tpu.memory_space<vmem>>, vector<1x128xf32>
        %mul3A_834 = vector.broadcast %get3A_833 : vector<1x128xf32> to vector<1024x128xf32>
        %mul3A_835 = arith.mulf %div3A_830, %mul3A_834 : vector<1024x128xf32>
        %get3A_836 = arith.constant 0 : index
        %get3A_837 = arith.constant 0 : index
        %get3A_838 = vector.load %arg24[%get3A_836, %get3A_837] : memref<1x128xf32, #tpu.memory_space<vmem>>, vector<1x128xf32>
        %add3A_839 = vector.broadcast %get3A_838 : vector<1x128xf32> to vector<1024x128xf32>
        %add3A_840 = arith.addf %mul3A_835, %add3A_839 : vector<1024x128xf32>
        %eq3A_841 = arith.constant 1 : i32
        %eq3A_842 = vector.broadcast %eq3A_841 : i32 to vector<1x1024xi32>
        %eq3A_843 = arith.cmpi eq, %slice3A_92, %eq3A_842 : vector<1x1024xi32>
        %convert_element_type3A_844 = arith.extui %eq3A_843 : vector<1x1024xi1> to vector<1x1024xi32>
        %convert_element_type3A_845 = arith.sitofp %convert_element_type3A_844 : vector<1x1024xi32> to vector<1x1024xf32>
        %broadcast_in_dim3A_846 = arith.constant 1.000000e+00 : f32
        %broadcast_in_dim3A_847 = vector.broadcast %broadcast_in_dim3A_846 : f32 to vector<1x1xf32>
        %dot_general3A_848 = arith.constant dense<0.000000e+00> : vector<1024x1xf32>
        %dot_general3A_849 = tpu.matmul %convert_element_type3A_845, %broadcast_in_dim3A_847, %dot_general3A_848 {dimension_numbers = #tpu.dot_dimension_numbers<[0], [0], [1], [1], [0, 1, 1, 1], [], []>, transpose_lhs_hint = false} : vector<1x1024xf32>, vector<1x1xf32>, vector<1024x1xf32> -> vector<1024x1xf32>
        %get3A_850 = arith.constant 0 : index
        %get3A_851 = arith.constant 0 : index
        %get3A_852 = arith.constant 0 : index
        %get3A_853 = vector.load %arg25[%get3A_850, %get3A_851, %get3A_852] : memref<2x1024x128xf32, #tpu.memory_space<vmem>>, vector<1x1024x128xf32>
        %get3A_854 = vector.shape_cast %get3A_853 : vector<1x1024x128xf32> to vector<1024x128xf32>
        %mul3A_855 = vector.broadcast %dot_general3A_849 : vector<1024x1xf32> to vector<1024x128xf32>
        %mul3A_856 = arith.mulf %mul3A_855, %add3A_840 : vector<1024x128xf32>
        %add3A_857 = arith.addf %get3A_854, %mul3A_856 : vector<1024x128xf32>
        %swap3A_858 = arith.constant 0 : index
        %swap3A_859 = arith.constant 0 : index
        %swap3A_860 = arith.constant 0 : index
        %swap3A_861 = vector.load %arg25[%swap3A_858, %swap3A_859, %swap3A_860] : memref<2x1024x128xf32, #tpu.memory_space<vmem>>, vector<1x1024x128xf32>
        %swap3A_862 = vector.shape_cast %swap3A_861 : vector<1x1024x128xf32> to vector<1024x128xf32>
        %swap3A_863 = vector.shape_cast %add3A_857 : vector<1024x128xf32> to vector<1x1024x128xf32>
        tpu.vector_store %arg25[%swap3A_858, %swap3A_859, %swap3A_860], %swap3A_863 {strides = array<i32>} : memref<2x1024x128xf32, #tpu.memory_space<vmem>>, vector<1x1024x128xf32>,
      } else {
      }
      %slice3A_110 = vector.extract_strided_slice %get3A_5 {offsets = [1, 0], sizes = [1, 1024], strides = [1, 1]} : vector<2x1024xi32> to vector<1x1024xi32>
      %eq3A_111 = arith.constant 1 : i32
      %eq3A_112 = vector.broadcast %eq3A_111 : i32 to vector<1x1024xi32>
      %eq3A_113 = arith.cmpi eq, %slice3A_110, %eq3A_112 : vector<1x1024xi32>
      %reduce_or3A_114 = arith.constant 1.000000e+00 : f32
      %reduce_or3A_115 = arith.constant 0.000000e+00 : f32
      %reduce_or3A_116 = vector.broadcast %reduce_or3A_114 : f32 to vector<1x1024xf32>
      %reduce_or3A_117 = vector.broadcast %reduce_or3A_115 : f32 to vector<1x1024xf32>
      %reduce_or3A_118 = arith.select %eq3A_113, %reduce_or3A_116, %reduce_or3A_117 : vector<1x1024xi1>, vector<1x1024xf32>
      %reduce_or3A_119 = vector.shape_cast %reduce_or3A_118 : vector<1x1024xf32> to vector<1x1x1024xf32>
      %reduce_or3A_120 = arith.constant dense<0xFF800000> : vector<1xf32>
      %reduce_or3A_121 = vector.multi_reduction <maximumf>, %reduce_or3A_119, %reduce_or3A_120 [1, 2] : vector<1x1x1024xf32> to vector<1xf32>
      %reduce_or3A_122 = vector.shape_cast %reduce_or3A_121 : vector<1xf32> to vector<1x1x1xf32>
      %reduce_or3A_123 = vector.extract %reduce_or3A_122[0, 0, 0] : f32 from vector<1x1x1xf32>
      %reduce_or3A_124 = arith.constant 0.000000e+00 : f32
      %reduce_or3A_125 = arith.cmpf ogt, %reduce_or3A_123, %reduce_or3A_124 : f32
      %convert_element_type3A_126 = arith.extui %reduce_or3A_125 : i1 to i32
      %cond3A_127 = arith.constant 0 : i32
      %cond3A_128 = arith.cmpi ne, %convert_element_type3A_126, %cond3A_127 : i32
      scf.if %cond3A_128 {
        %get3A_129 = arith.constant 1 : index
        %get3A_130 = arith.constant 0 : index
        %get3A_131 = arith.constant 0 : index
        %get3A_132 = vector.load %arg30[%get3A_129, %get3A_130, %get3A_131] : memref<2x16x1024xf32, #tpu.memory_space<vmem>>, vector<1x16x1024xf32>
        %get3A_133 = vector.shape_cast %get3A_132 : vector<1x16x1024xf32> to vector<16x1024xf32>
        %get3A_134 = arith.constant 0 : index
        %get3A_135 = arith.constant 0 : index
        %get3A_136 = vector.load %arg14[%get3A_134, %get3A_135] : memref<16x1xf32, #tpu.memory_space<vmem>>, vector<16x1xf32>
        %get3A_137 = arith.constant 0 : index
        %get3A_138 = arith.constant 0 : index
        %get3A_139 = vector.load %arg15[%get3A_137, %get3A_138] : memref<16x1xf32, #tpu.memory_space<vmem>>, vector<16x1xf32>
        %get3A_140 = arith.constant 0 : index
        %get3A_141 = arith.constant 0 : index
        %get3A_142 = vector.load %arg10[%get3A_140, %get3A_141] : memref<16x64xf32, #tpu.memory_space<vmem>>, vector<16x64xf32>
        %get3A_143 = arith.constant 0 : index
        %get3A_144 = arith.constant 0 : index
        %get3A_145 = vector.load %arg11[%get3A_143, %get3A_144] : memref<1x64xf32, #tpu.memory_space<vmem>>, vector<1x64xf32>
        %get3A_146 = arith.constant 0 : index
        %get3A_147 = arith.constant 0 : index
        %get3A_148 = vector.load %arg12[%get3A_146, %get3A_147] : memref<64x64xf32, #tpu.memory_space<vmem>>, vector<64x64xf32>
        %get3A_149 = arith.constant 0 : index
        %get3A_150 = arith.constant 0 : index
        %get3A_151 = vector.load %arg13[%get3A_149, %get3A_150] : memref<1x64xf32, #tpu.memory_space<vmem>>, vector<1x64xf32>
        %reduce_sum3A = arith.constant dense<0.000000e+00> : vector<1024xf32>
        %reduce_sum3A_152 = vector.multi_reduction <add>, %get3A_133, %reduce_sum3A [0] : vector<16x1024xf32> to vector<1024xf32>
        %broadcast_in_dim3A_153 = vector.shape_cast %reduce_sum3A_152 : vector<1024xf32> to vector<1x1024xf32>
        %div3A = arith.constant 1.600000e+01 : f32
        %div3A_154 = vector.broadcast %div3A : f32 to vector<1x1024xf32>
        %div3A_155 = arith.divf %broadcast_in_dim3A_153, %div3A_154 : vector<1x1024xf32>
        %sub3A = vector.broadcast %div3A_155 : vector<1x1024xf32> to vector<16x1024xf32>
        %sub3A_156 = arith.subf %get3A_133, %sub3A : vector<16x1024xf32>
        %integer_pow3A = arith.mulf %sub3A_156, %sub3A_156 : vector<16x1024xf32>
        %reduce_sum3A_157 = arith.constant dense<0.000000e+00> : vector<1024xf32>
        %reduce_sum3A_158 = vector.multi_reduction <add>, %integer_pow3A, %reduce_sum3A_157 [0] : vector<16x1024xf32> to vector<1024xf32>
        %broadcast_in_dim3A_159 = vector.shape_cast %reduce_sum3A_158 : vector<1024xf32> to vector<1x1024xf32>
        %div3A_160 = arith.constant 1.600000e+01 : f32
        %div3A_161 = vector.broadcast %div3A_160 : f32 to vector<1x1024xf32>
        %div3A_162 = arith.divf %broadcast_in_dim3A_159, %div3A_161 : vector<1x1024xf32>
        %sub3A_163 = vector.broadcast %div3A_155 : vector<1x1024xf32> to vector<16x1024xf32>
        %sub3A_164 = arith.subf %get3A_133, %sub3A_163 : vector<16x1024xf32>
        %add3A_165 = arith.constant 9.99999974E-6 : f32
        %add3A_166 = vector.broadcast %add3A_165 : f32 to vector<1x1024xf32>
        %add3A_167 = arith.addf %div3A_162, %add3A_166 : vector<1x1024xf32>
        %sqrt3A = math.sqrt %add3A_167 : vector<1x1024xf32>
        %div3A_168 = vector.broadcast %sqrt3A : vector<1x1024xf32> to vector<16x1024xf32>
        %div3A_169 = arith.divf %sub3A_164, %div3A_168 : vector<16x1024xf32>
        %mul3A_170 = vector.broadcast %get3A_136 : vector<16x1xf32> to vector<16x1024xf32>
        %mul3A_171 = arith.mulf %div3A_169, %mul3A_170 : vector<16x1024xf32>
        %add3A_172 = vector.broadcast %get3A_139 : vector<16x1xf32> to vector<16x1024xf32>
        %add3A_173 = arith.addf %mul3A_171, %add3A_172 : vector<16x1024xf32>
        %dot_general3A = arith.constant dense<0.000000e+00> : vector<1024x64xf32>
        %dot_general3A_174 = tpu.matmul %add3A_173, %get3A_142, %dot_general3A {dimension_numbers = #tpu.dot_dimension_numbers<[0], [0], [1], [1], [0, 1, 1, 1], [], []>, transpose_lhs_hint = false} : vector<16x1024xf32>, vector<16x64xf32>, vector<1024x64xf32> -> vector<1024x64xf32>
        %add3A_175 = vector.broadcast %get3A_145 : vector<1x64xf32> to vector<1024x64xf32>
        %add3A_176 = arith.addf %dot_general3A_174, %add3A_175 : vector<1024x64xf32>
        %mul3A_177 = arith.constant 5.000000e-01 : f32
        %mul3A_178 = vector.broadcast %mul3A_177 : f32 to vector<1024x64xf32>
        %mul3A_179 = arith.mulf %mul3A_178, %add3A_176 : vector<1024x64xf32>
        %mul3A_180 = arith.constant 0.707106769 : f32
        %mul3A_181 = vector.broadcast %mul3A_180 : f32 to vector<1024x64xf32>
        %mul3A_182 = arith.mulf %add3A_176, %mul3A_181 : vector<1024x64xf32>
        %erf3A = math.erf %mul3A_182 : vector<1024x64xf32>
        %add3A_183 = arith.constant 1.000000e+00 : f32
        %add3A_184 = vector.broadcast %add3A_183 : f32 to vector<1024x64xf32>
        %add3A_185 = arith.addf %add3A_184, %erf3A : vector<1024x64xf32>
        %mul3A_186 = arith.mulf %mul3A_179, %add3A_185 : vector<1024x64xf32>
        %dot_general3A_187 = arith.constant dense<0.000000e+00> : vector<1024x64xf32>
        %dot_general3A_188 = tpu.matmul %mul3A_186, %get3A_148, %dot_general3A_187 {dimension_numbers = #tpu.dot_dimension_numbers<[1], [0], [0], [1], [0, 0, 1, 1], [], []>, transpose_lhs_hint = false} : vector<1024x64xf32>, vector<64x64xf32>, vector<1024x64xf32> -> vector<1024x64xf32>
        %add3A_189 = vector.broadcast %get3A_151 : vector<1x64xf32> to vector<1024x64xf32>
        %add3A_190 = arith.addf %dot_general3A_188, %add3A_189 : vector<1024x64xf32>
        %get3A_191 = arith.constant 1 : index
        %get3A_192 = arith.constant 0 : index
        %get3A_193 = arith.constant 0 : index
        %get3A_194 = vector.load %arg31[%get3A_191, %get3A_192, %get3A_193] : memref<2x8x1024xf32, #tpu.memory_space<vmem>>, vector<1x8x1024xf32>
        %get3A_195 = vector.shape_cast %get3A_194 : vector<1x8x1024xf32> to vector<8x1024xf32>
        %get3A_196 = arith.constant 0 : index
        %get3A_197 = arith.constant 0 : index
        %get3A_198 = vector.load %arg20[%get3A_196, %get3A_197] : memref<8x1xf32, #tpu.memory_space<vmem>>, vector<8x1xf32>
        %get3A_199 = arith.constant 0 : index
        %get3A_200 = arith.constant 0 : index
        %get3A_201 = vector.load %arg21[%get3A_199, %get3A_200] : memref<8x1xf32, #tpu.memory_space<vmem>>, vector<8x1xf32>
        %get3A_202 = arith.constant 0 : index
        %get3A_203 = arith.constant 0 : index
        %get3A_204 = vector.load %arg16[%get3A_202, %get3A_203] : memref<8x64xf32, #tpu.memory_space<vmem>>, vector<8x64xf32>
        %get3A_205 = arith.constant 0 : index
        %get3A_206 = arith.constant 0 : index
        %get3A_207 = vector.load %arg17[%get3A_205, %get3A_206] : memref<1x64xf32, #tpu.memory_space<vmem>>, vector<1x64xf32>
        %get3A_208 = arith.constant 0 : index
        %get3A_209 = arith.constant 0 : index
        %get3A_210 = vector.load %arg18[%get3A_208, %get3A_209] : memref<64x64xf32, #tpu.memory_space<vmem>>, vector<64x64xf32>
        %get3A_211 = arith.constant 0 : index
        %get3A_212 = arith.constant 0 : index
        %get3A_213 = vector.load %arg19[%get3A_211, %get3A_212] : memref<1x64xf32, #tpu.memory_space<vmem>>, vector<1x64xf32>
        %reduce_sum3A_214 = arith.constant dense<0.000000e+00> : vector<1024xf32>
        %reduce_sum3A_215 = vector.multi_reduction <add>, %get3A_195, %reduce_sum3A_214 [0] : vector<8x1024xf32> to vector<1024xf32>
        %broadcast_in_dim3A_216 = vector.shape_cast %reduce_sum3A_215 : vector<1024xf32> to vector<1x1024xf32>
        %div3A_217 = arith.constant 8.000000e+00 : f32
        %div3A_218 = vector.broadcast %div3A_217 : f32 to vector<1x1024xf32>
        %div3A_219 = arith.divf %broadcast_in_dim3A_216, %div3A_218 : vector<1x1024xf32>
        %sub3A_220 = vector.broadcast %div3A_219 : vector<1x1024xf32> to vector<8x1024xf32>
        %sub3A_221 = arith.subf %get3A_195, %sub3A_220 : vector<8x1024xf32>
        %integer_pow3A_222 = arith.mulf %sub3A_221, %sub3A_221 : vector<8x1024xf32>
        %reduce_sum3A_223 = arith.constant dense<0.000000e+00> : vector<1024xf32>
        %reduce_sum3A_224 = vector.multi_reduction <add>, %integer_pow3A_222, %reduce_sum3A_223 [0] : vector<8x1024xf32> to vector<1024xf32>
        %broadcast_in_dim3A_225 = vector.shape_cast %reduce_sum3A_224 : vector<1024xf32> to vector<1x1024xf32>
        %div3A_226 = arith.constant 8.000000e+00 : f32
        %div3A_227 = vector.broadcast %div3A_226 : f32 to vector<1x1024xf32>
        %div3A_228 = arith.divf %broadcast_in_dim3A_225, %div3A_227 : vector<1x1024xf32>
        %sub3A_229 = vector.broadcast %div3A_219 : vector<1x1024xf32> to vector<8x1024xf32>
        %sub3A_230 = arith.subf %get3A_195, %sub3A_229 : vector<8x1024xf32>
        %add3A_231 = arith.constant 9.99999974E-6 : f32
        %add3A_232 = vector.broadcast %add3A_231 : f32 to vector<1x1024xf32>
        %add3A_233 = arith.addf %div3A_228, %add3A_232 : vector<1x1024xf32>
        %sqrt3A_234 = math.sqrt %add3A_233 : vector<1x1024xf32>
        %div3A_235 = vector.broadcast %sqrt3A_234 : vector<1x1024xf32> to vector<8x1024xf32>
        %div3A_236 = arith.divf %sub3A_230, %div3A_235 : vector<8x1024xf32>
        %mul3A_237 = vector.broadcast %get3A_198 : vector<8x1xf32> to vector<8x1024xf32>
        %mul3A_238 = arith.mulf %div3A_236, %mul3A_237 : vector<8x1024xf32>
        %add3A_239 = vector.broadcast %get3A_201 : vector<8x1xf32> to vector<8x1024xf32>
        %add3A_240 = arith.addf %mul3A_238, %add3A_239 : vector<8x1024xf32>
        %dot_general3A_241 = arith.constant dense<0.000000e+00> : vector<1024x64xf32>
        %dot_general3A_242 = tpu.matmul %add3A_240, %get3A_204, %dot_general3A_241 {dimension_numbers = #tpu.dot_dimension_numbers<[0], [0], [1], [1], [0, 1, 1, 1], [], []>, transpose_lhs_hint = false} : vector<8x1024xf32>, vector<8x64xf32>, vector<1024x64xf32> -> vector<1024x64xf32>
        %add3A_243 = vector.broadcast %get3A_207 : vector<1x64xf32> to vector<1024x64xf32>
        %add3A_244 = arith.addf %dot_general3A_242, %add3A_243 : vector<1024x64xf32>
        %mul3A_245 = arith.constant 5.000000e-01 : f32
        %mul3A_246 = vector.broadcast %mul3A_245 : f32 to vector<1024x64xf32>
        %mul3A_247 = arith.mulf %mul3A_246, %add3A_244 : vector<1024x64xf32>
        %mul3A_248 = arith.constant 0.707106769 : f32
        %mul3A_249 = vector.broadcast %mul3A_248 : f32 to vector<1024x64xf32>
        %mul3A_250 = arith.mulf %add3A_244, %mul3A_249 : vector<1024x64xf32>
        %erf3A_251 = math.erf %mul3A_250 : vector<1024x64xf32>
        %add3A_252 = arith.constant 1.000000e+00 : f32
        %add3A_253 = vector.broadcast %add3A_252 : f32 to vector<1024x64xf32>
        %add3A_254 = arith.addf %add3A_253, %erf3A_251 : vector<1024x64xf32>
        %mul3A_255 = arith.mulf %mul3A_247, %add3A_254 : vector<1024x64xf32>
        %dot_general3A_256 = arith.constant dense<0.000000e+00> : vector<1024x64xf32>
        %dot_general3A_257 = tpu.matmul %mul3A_255, %get3A_210, %dot_general3A_256 {dimension_numbers = #tpu.dot_dimension_numbers<[1], [0], [0], [1], [0, 0, 1, 1], [], []>, transpose_lhs_hint = false} : vector<1024x64xf32>, vector<64x64xf32>, vector<1024x64xf32> -> vector<1024x64xf32>
        %add3A_258 = vector.broadcast %get3A_213 : vector<1x64xf32> to vector<1024x64xf32>
        %add3A_259 = arith.addf %dot_general3A_257, %add3A_258 : vector<1024x64xf32>
        %get3A_260 = arith.constant 0 : index
        %get3A_261 = arith.constant 0 : index
        %get3A_262 = vector.load %arg22[%get3A_260, %get3A_261] : memref<1x128xf32, #tpu.memory_space<vmem>>, vector<1x128xf32>
        %get3A_263 = arith.constant 256 : index
        %get3A_264 = arith.constant 0 : index
        %get3A_265 = vector.load %arg28[%get3A_263, %get3A_264] : memref<384x128xf32, #tpu.memory_space<vmem>>, vector<64x128xf32>
        %dot_general3A_266 = arith.constant dense<0.000000e+00> : vector<1024x128xf32>
        %dot_general3A_267 = tpu.matmul %add3A_190, %get3A_265, %dot_general3A_266 {dimension_numbers = #tpu.dot_dimension_numbers<[1], [0], [0], [1], [0, 0, 1, 1], [], []>, transpose_lhs_hint = false} : vector<1024x64xf32>, vector<64x128xf32>, vector<1024x128xf32> -> vector<1024x128xf32>
        %add3A_268 = vector.broadcast %get3A_262 : vector<1x128xf32> to vector<1024x128xf32>
        %add3A_269 = arith.addf %add3A_268, %dot_general3A_267 : vector<1024x128xf32>
        %get3A_270 = arith.constant 320 : index
        %get3A_271 = arith.constant 0 : index
        %get3A_272 = vector.load %arg28[%get3A_270, %get3A_271] : memref<384x128xf32, #tpu.memory_space<vmem>>, vector<64x128xf32>
        %dot_general3A_273 = arith.constant dense<0.000000e+00> : vector<1024x128xf32>
        %dot_general3A_274 = tpu.matmul %add3A_259, %get3A_272, %dot_general3A_273 {dimension_numbers = #tpu.dot_dimension_numbers<[1], [0], [0], [1], [0, 0, 1, 1], [], []>, transpose_lhs_hint = false} : vector<1024x64xf32>, vector<64x128xf32>, vector<1024x128xf32> -> vector<1024x128xf32>
        %add3A_275 = arith.addf %add3A_269, %dot_general3A_274 : vector<1024x128xf32>
        %get3A_276 = arith.constant 1 : index
        %get3A_277 = arith.constant 0 : index
        %get3A_278 = arith.constant 0 : index
        %get3A_279 = vector.load %arg29[%get3A_276, %get3A_277, %get3A_278] : memref<2x4x1024xi32, #tpu.memory_space<vmem>>, vector<1x4x1024xi32>
        %get3A_280 = vector.shape_cast %get3A_279 : vector<1x4x1024xi32> to vector<4x1024xi32>
        %iota3A = tpu.iota {dimensions = array<i32: 0>} : vector<128x1024xi32>
        %slice3A_281 = vector.extract_strided_slice %get3A_280 {offsets = [0, 0], sizes = [1, 1024], strides = [1, 1]} : vector<4x1024xi32> to vector<1x1024xi32>
        %broadcast_in_dim3A_282 = arith.constant 0.000000e+00 : f32
        %broadcast_in_dim3A_283 = vector.broadcast %broadcast_in_dim3A_282 : f32 to vector<1024x64xf32>
        %add3A_284 = arith.constant 0 : i32
        %add3A_285 = vector.broadcast %add3A_284 : i32 to vector<128x1024xi32>
        %add3A_286 = arith.addi %iota3A, %add3A_285 : vector<128x1024xi32>
        %eq3A_287 = vector.broadcast %slice3A_281 : vector<1x1024xi32> to vector<128x1024xi32>
        %eq3A_288 = arith.cmpi eq, %eq3A_287, %add3A_286 : vector<128x1024xi32>
        %convert_element_type3A_289 = arith.extui %eq3A_288 : vector<128x1024xi1> to vector<128x1024xi32>
        %convert_element_type3A_290 = arith.sitofp %convert_element_type3A_289 : vector<128x1024xi32> to vector<128x1024xf32>
        %get3A_291 = arith.constant 0 : index
        %get3A_292 = arith.constant 0 : index
        %get3A_293 = arith.constant 0 : index
        %get3A_294 = vector.load %arg27[%get3A_291, %get3A_292, %get3A_293] : memref<4x1024x64xf32, #tpu.memory_space<vmem>>, vector<1x128x64xf32>
        %get3A_295 = vector.shape_cast %get3A_294 : vector<1x128x64xf32> to vector<128x64xf32>
        %dot_general3A_296 = arith.constant dense<0.000000e+00> : vector<1024x64xf32>
        %dot_general3A_297 = tpu.matmul %convert_element_type3A_290, %get3A_295, %dot_general3A_296 {dimension_numbers = #tpu.dot_dimension_numbers<[0], [0], [1], [1], [0, 1, 1, 1], [], []>, transpose_lhs_hint = false} : vector<128x1024xf32>, vector<128x64xf32>, vector<1024x64xf32> -> vector<1024x64xf32>
        %add3A_298 = arith.addf %broadcast_in_dim3A_283, %dot_general3A_297 : vector<1024x64xf32>
        %add3A_299 = arith.constant 128 : i32
        %add3A_300 = vector.broadcast %add3A_299 : i32 to vector<128x1024xi32>
        %add3A_301 = arith.addi %iota3A, %add3A_300 : vector<128x1024xi32>
        %eq3A_302 = vector.broadcast %slice3A_281 : vector<1x1024xi32> to vector<128x1024xi32>
        %eq3A_303 = arith.cmpi eq, %eq3A_302, %add3A_301 : vector<128x1024xi32>
        %convert_element_type3A_304 = arith.extui %eq3A_303 : vector<128x1024xi1> to vector<128x1024xi32>
        %convert_element_type3A_305 = arith.sitofp %convert_element_type3A_304 : vector<128x1024xi32> to vector<128x1024xf32>
        %get3A_306 = arith.constant 0 : index
        %get3A_307 = arith.constant 128 : index
        %get3A_308 = arith.constant 0 : index
        %get3A_309 = vector.load %arg27[%get3A_306, %get3A_307, %get3A_308] : memref<4x1024x64xf32, #tpu.memory_space<vmem>>, vector<1x128x64xf32>
        %get3A_310 = vector.shape_cast %get3A_309 : vector<1x128x64xf32> to vector<128x64xf32>
        %dot_general3A_311 = arith.constant dense<0.000000e+00> : vector<1024x64xf32>
        %dot_general3A_312 = tpu.matmul %convert_element_type3A_305, %get3A_310, %dot_general3A_311 {dimension_numbers = #tpu.dot_dimension_numbers<[0], [0], [1], [1], [0, 1, 1, 1], [], []>, transpose_lhs_hint = false} : vector<128x1024xf32>, vector<128x64xf32>, vector<1024x64xf32> -> vector<1024x64xf32>
        %add3A_313 = arith.addf %add3A_298, %dot_general3A_312 : vector<1024x64xf32>
        %add3A_314 = arith.constant 256 : i32
        %add3A_315 = vector.broadcast %add3A_314 : i32 to vector<128x1024xi32>
        %add3A_316 = arith.addi %iota3A, %add3A_315 : vector<128x1024xi32>
        %eq3A_317 = vector.broadcast %slice3A_281 : vector<1x1024xi32> to vector<128x1024xi32>
        %eq3A_318 = arith.cmpi eq, %eq3A_317, %add3A_316 : vector<128x1024xi32>
        %convert_element_type3A_319 = arith.extui %eq3A_318 : vector<128x1024xi1> to vector<128x1024xi32>
        %convert_element_type3A_320 = arith.sitofp %convert_element_type3A_319 : vector<128x1024xi32> to vector<128x1024xf32>
        %get3A_321 = arith.constant 0 : index
        %get3A_322 = arith.constant 256 : index
        %get3A_323 = arith.constant 0 : index
        %get3A_324 = vector.load %arg27[%get3A_321, %get3A_322, %get3A_323] : memref<4x1024x64xf32, #tpu.memory_space<vmem>>, vector<1x128x64xf32>
        %get3A_325 = vector.shape_cast %get3A_324 : vector<1x128x64xf32> to vector<128x64xf32>
        %dot_general3A_326 = arith.constant dense<0.000000e+00> : vector<1024x64xf32>
        %dot_general3A_327 = tpu.matmul %convert_element_type3A_320, %get3A_325, %dot_general3A_326 {dimension_numbers = #tpu.dot_dimension_numbers<[0], [0], [1], [1], [0, 1, 1, 1], [], []>, transpose_lhs_hint = false} : vector<128x1024xf32>, vector<128x64xf32>, vector<1024x64xf32> -> vector<1024x64xf32>
        %add3A_328 = arith.addf %add3A_313, %dot_general3A_327 : vector<1024x64xf32>
        %add3A_329 = arith.constant 384 : i32
        %add3A_330 = vector.broadcast %add3A_329 : i32 to vector<128x1024xi32>
        %add3A_331 = arith.addi %iota3A, %add3A_330 : vector<128x1024xi32>
        %eq3A_332 = vector.broadcast %slice3A_281 : vector<1x1024xi32> to vector<128x1024xi32>
        %eq3A_333 = arith.cmpi eq, %eq3A_332, %add3A_331 : vector<128x1024xi32>
        %convert_element_type3A_334 = arith.extui %eq3A_333 : vector<128x1024xi1> to vector<128x1024xi32>
        %convert_element_type3A_335 = arith.sitofp %convert_element_type3A_334 : vector<128x1024xi32> to vector<128x1024xf32>
        %get3A_336 = arith.constant 0 : index
        %get3A_337 = arith.constant 384 : index
        %get3A_338 = arith.constant 0 : index
        %get3A_339 = vector.load %arg27[%get3A_336, %get3A_337, %get3A_338] : memref<4x1024x64xf32, #tpu.memory_space<vmem>>, vector<1x128x64xf32>
        %get3A_340 = vector.shape_cast %get3A_339 : vector<1x128x64xf32> to vector<128x64xf32>
        %dot_general3A_341 = arith.constant dense<0.000000e+00> : vector<1024x64xf32>
        %dot_general3A_342 = tpu.matmul %convert_element_type3A_335, %get3A_340, %dot_general3A_341 {dimension_numbers = #tpu.dot_dimension_numbers<[0], [0], [1], [1], [0, 1, 1, 1], [], []>, transpose_lhs_hint = false} : vector<128x1024xf32>, vector<128x64xf32>, vector<1024x64xf32> -> vector<1024x64xf32>
        %add3A_343 = arith.addf %add3A_328, %dot_general3A_342 : vector<1024x64xf32>
        %add3A_344 = arith.constant 512 : i32
        %add3A_345 = vector.broadcast %add3A_344 : i32 to vector<128x1024xi32>
        %add3A_346 = arith.addi %iota3A, %add3A_345 : vector<128x1024xi32>
        %eq3A_347 = vector.broadcast %slice3A_281 : vector<1x1024xi32> to vector<128x1024xi32>
        %eq3A_348 = arith.cmpi eq, %eq3A_347, %add3A_346 : vector<128x1024xi32>
        %convert_element_type3A_349 = arith.extui %eq3A_348 : vector<128x1024xi1> to vector<128x1024xi32>
        %convert_element_type3A_350 = arith.sitofp %convert_element_type3A_349 : vector<128x1024xi32> to vector<128x1024xf32>
        %get3A_351 = arith.constant 0 : index
        %get3A_352 = arith.constant 512 : index
        %get3A_353 = arith.constant 0 : index
        %get3A_354 = vector.load %arg27[%get3A_351, %get3A_352, %get3A_353] : memref<4x1024x64xf32, #tpu.memory_space<vmem>>, vector<1x128x64xf32>
        %get3A_355 = vector.shape_cast %get3A_354 : vector<1x128x64xf32> to vector<128x64xf32>
        %dot_general3A_356 = arith.constant dense<0.000000e+00> : vector<1024x64xf32>
        %dot_general3A_357 = tpu.matmul %convert_element_type3A_350, %get3A_355, %dot_general3A_356 {dimension_numbers = #tpu.dot_dimension_numbers<[0], [0], [1], [1], [0, 1, 1, 1], [], []>, transpose_lhs_hint = false} : vector<128x1024xf32>, vector<128x64xf32>, vector<1024x64xf32> -> vector<1024x64xf32>
        %add3A_358 = arith.addf %add3A_343, %dot_general3A_357 : vector<1024x64xf32>
        %add3A_359 = arith.constant 640 : i32
        %add3A_360 = vector.broadcast %add3A_359 : i32 to vector<128x1024xi32>
        %add3A_361 = arith.addi %iota3A, %add3A_360 : vector<128x1024xi32>
        %eq3A_362 = vector.broadcast %slice3A_281 : vector<1x1024xi32> to vector<128x1024xi32>
        %eq3A_363 = arith.cmpi eq, %eq3A_362, %add3A_361 : vector<128x1024xi32>
        %convert_element_type3A_364 = arith.extui %eq3A_363 : vector<128x1024xi1> to vector<128x1024xi32>
        %convert_element_type3A_365 = arith.sitofp %convert_element_type3A_364 : vector<128x1024xi32> to vector<128x1024xf32>
        %get3A_366 = arith.constant 0 : index
        %get3A_367 = arith.constant 640 : index
        %get3A_368 = arith.constant 0 : index
        %get3A_369 = vector.load %arg27[%get3A_366, %get3A_367, %get3A_368] : memref<4x1024x64xf32, #tpu.memory_space<vmem>>, vector<1x128x64xf32>
        %get3A_370 = vector.shape_cast %get3A_369 : vector<1x128x64xf32> to vector<128x64xf32>
        %dot_general3A_371 = arith.constant dense<0.000000e+00> : vector<1024x64xf32>
        %dot_general3A_372 = tpu.matmul %convert_element_type3A_365, %get3A_370, %dot_general3A_371 {dimension_numbers = #tpu.dot_dimension_numbers<[0], [0], [1], [1], [0, 1, 1, 1], [], []>, transpose_lhs_hint = false} : vector<128x1024xf32>, vector<128x64xf32>, vector<1024x64xf32> -> vector<1024x64xf32>
        %add3A_373 = arith.addf %add3A_358, %dot_general3A_372 : vector<1024x64xf32>
        %add3A_374 = arith.constant 768 : i32
        %add3A_375 = vector.broadcast %add3A_374 : i32 to vector<128x1024xi32>
        %add3A_376 = arith.addi %iota3A, %add3A_375 : vector<128x1024xi32>
        %eq3A_377 = vector.broadcast %slice3A_281 : vector<1x1024xi32> to vector<128x1024xi32>
        %eq3A_378 = arith.cmpi eq, %eq3A_377, %add3A_376 : vector<128x1024xi32>
        %convert_element_type3A_379 = arith.extui %eq3A_378 : vector<128x1024xi1> to vector<128x1024xi32>
        %convert_element_type3A_380 = arith.sitofp %convert_element_type3A_379 : vector<128x1024xi32> to vector<128x1024xf32>
        %get3A_381 = arith.constant 0 : index
        %get3A_382 = arith.constant 768 : index
        %get3A_383 = arith.constant 0 : index
        %get3A_384 = vector.load %arg27[%get3A_381, %get3A_382, %get3A_383] : memref<4x1024x64xf32, #tpu.memory_space<vmem>>, vector<1x128x64xf32>
        %get3A_385 = vector.shape_cast %get3A_384 : vector<1x128x64xf32> to vector<128x64xf32>
        %dot_general3A_386 = arith.constant dense<0.000000e+00> : vector<1024x64xf32>
        %dot_general3A_387 = tpu.matmul %convert_element_type3A_380, %get3A_385, %dot_general3A_386 {dimension_numbers = #tpu.dot_dimension_numbers<[0], [0], [1], [1], [0, 1, 1, 1], [], []>, transpose_lhs_hint = false} : vector<128x1024xf32>, vector<128x64xf32>, vector<1024x64xf32> -> vector<1024x64xf32>
        %add3A_388 = arith.addf %add3A_373, %dot_general3A_387 : vector<1024x64xf32>
        %add3A_389 = arith.constant 896 : i32
        %add3A_390 = vector.broadcast %add3A_389 : i32 to vector<128x1024xi32>
        %add3A_391 = arith.addi %iota3A, %add3A_390 : vector<128x1024xi32>
        %eq3A_392 = vector.broadcast %slice3A_281 : vector<1x1024xi32> to vector<128x1024xi32>
        %eq3A_393 = arith.cmpi eq, %eq3A_392, %add3A_391 : vector<128x1024xi32>
        %convert_element_type3A_394 = arith.extui %eq3A_393 : vector<128x1024xi1> to vector<128x1024xi32>
        %convert_element_type3A_395 = arith.sitofp %convert_element_type3A_394 : vector<128x1024xi32> to vector<128x1024xf32>
        %get3A_396 = arith.constant 0 : index
        %get3A_397 = arith.constant 896 : index
        %get3A_398 = arith.constant 0 : index
        %get3A_399 = vector.load %arg27[%get3A_396, %get3A_397, %get3A_398] : memref<4x1024x64xf32, #tpu.memory_space<vmem>>, vector<1x128x64xf32>
        %get3A_400 = vector.shape_cast %get3A_399 : vector<1x128x64xf32> to vector<128x64xf32>
        %dot_general3A_401 = arith.constant dense<0.000000e+00> : vector<1024x64xf32>
        %dot_general3A_402 = tpu.matmul %convert_element_type3A_395, %get3A_400, %dot_general3A_401 {dimension_numbers = #tpu.dot_dimension_numbers<[0], [0], [1], [1], [0, 1, 1, 1], [], []>, transpose_lhs_hint = false} : vector<128x1024xf32>, vector<128x64xf32>, vector<1024x64xf32> -> vector<1024x64xf32>
        %add3A_403 = arith.addf %add3A_388, %dot_general3A_402 : vector<1024x64xf32>
        %get3A_404 = arith.constant 0 : index
        %get3A_405 = arith.constant 0 : index
        %get3A_406 = vector.load %arg28[%get3A_404, %get3A_405] : memref<384x128xf32, #tpu.memory_space<vmem>>, vector<64x128xf32>
        %dot_general3A_407 = arith.constant dense<0.000000e+00> : vector<1024x128xf32>
        %dot_general3A_408 = tpu.matmul %add3A_403, %get3A_406, %dot_general3A_407 {dimension_numbers = #tpu.dot_dimension_numbers<[1], [0], [0], [1], [0, 0, 1, 1], [], []>, transpose_lhs_hint = false} : vector<1024x64xf32>, vector<64x128xf32>, vector<1024x128xf32> -> vector<1024x128xf32>
        %add3A_409 = arith.addf %add3A_275, %dot_general3A_408 : vector<1024x128xf32>
        %slice3A_410 = vector.extract_strided_slice %get3A_280 {offsets = [1, 0], sizes = [1, 1024], strides = [1, 1]} : vector<4x1024xi32> to vector<1x1024xi32>
        %broadcast_in_dim3A_411 = arith.constant 0.000000e+00 : f32
        %broadcast_in_dim3A_412 = vector.broadcast %broadcast_in_dim3A_411 : f32 to vector<1024x64xf32>
        %add3A_413 = arith.constant 0 : i32
        %add3A_414 = vector.broadcast %add3A_413 : i32 to vector<128x1024xi32>
        %add3A_415 = arith.addi %iota3A, %add3A_414 : vector<128x1024xi32>
        %eq3A_416 = vector.broadcast %slice3A_410 : vector<1x1024xi32> to vector<128x1024xi32>
        %eq3A_417 = arith.cmpi eq, %eq3A_416, %add3A_415 : vector<128x1024xi32>
        %convert_element_type3A_418 = arith.extui %eq3A_417 : vector<128x1024xi1> to vector<128x1024xi32>
        %convert_element_type3A_419 = arith.sitofp %convert_element_type3A_418 : vector<128x1024xi32> to vector<128x1024xf32>
        %get3A_420 = arith.constant 1 : index
        %get3A_421 = arith.constant 0 : index
        %get3A_422 = arith.constant 0 : index
        %get3A_423 = vector.load %arg27[%get3A_420, %get3A_421, %get3A_422] : memref<4x1024x64xf32, #tpu.memory_space<vmem>>, vector<1x128x64xf32>
        %get3A_424 = vector.shape_cast %get3A_423 : vector<1x128x64xf32> to vector<128x64xf32>
        %dot_general3A_425 = arith.constant dense<0.000000e+00> : vector<1024x64xf32>
        %dot_general3A_426 = tpu.matmul %convert_element_type3A_419, %get3A_424, %dot_general3A_425 {dimension_numbers = #tpu.dot_dimension_numbers<[0], [0], [1], [1], [0, 1, 1, 1], [], []>, transpose_lhs_hint = false} : vector<128x1024xf32>, vector<128x64xf32>, vector<1024x64xf32> -> vector<1024x64xf32>
        %add3A_427 = arith.addf %broadcast_in_dim3A_412, %dot_general3A_426 : vector<1024x64xf32>
        %add3A_428 = arith.constant 128 : i32
        %add3A_429 = vector.broadcast %add3A_428 : i32 to vector<128x1024xi32>
        %add3A_430 = arith.addi %iota3A, %add3A_429 : vector<128x1024xi32>
        %eq3A_431 = vector.broadcast %slice3A_410 : vector<1x1024xi32> to vector<128x1024xi32>
        %eq3A_432 = arith.cmpi eq, %eq3A_431, %add3A_430 : vector<128x1024xi32>
        %convert_element_type3A_433 = arith.extui %eq3A_432 : vector<128x1024xi1> to vector<128x1024xi32>
        %convert_element_type3A_434 = arith.sitofp %convert_element_type3A_433 : vector<128x1024xi32> to vector<128x1024xf32>
        %get3A_435 = arith.constant 1 : index
        %get3A_436 = arith.constant 128 : index
        %get3A_437 = arith.constant 0 : index
        %get3A_438 = vector.load %arg27[%get3A_435, %get3A_436, %get3A_437] : memref<4x1024x64xf32, #tpu.memory_space<vmem>>, vector<1x128x64xf32>
        %get3A_439 = vector.shape_cast %get3A_438 : vector<1x128x64xf32> to vector<128x64xf32>
        %dot_general3A_440 = arith.constant dense<0.000000e+00> : vector<1024x64xf32>
        %dot_general3A_441 = tpu.matmul %convert_element_type3A_434, %get3A_439, %dot_general3A_440 {dimension_numbers = #tpu.dot_dimension_numbers<[0], [0], [1], [1], [0, 1, 1, 1], [], []>, transpose_lhs_hint = false} : vector<128x1024xf32>, vector<128x64xf32>, vector<1024x64xf32> -> vector<1024x64xf32>
        %add3A_442 = arith.addf %add3A_427, %dot_general3A_441 : vector<1024x64xf32>
        %add3A_443 = arith.constant 256 : i32
        %add3A_444 = vector.broadcast %add3A_443 : i32 to vector<128x1024xi32>
        %add3A_445 = arith.addi %iota3A, %add3A_444 : vector<128x1024xi32>
        %eq3A_446 = vector.broadcast %slice3A_410 : vector<1x1024xi32> to vector<128x1024xi32>
        %eq3A_447 = arith.cmpi eq, %eq3A_446, %add3A_445 : vector<128x1024xi32>
        %convert_element_type3A_448 = arith.extui %eq3A_447 : vector<128x1024xi1> to vector<128x1024xi32>
        %convert_element_type3A_449 = arith.sitofp %convert_element_type3A_448 : vector<128x1024xi32> to vector<128x1024xf32>
        %get3A_450 = arith.constant 1 : index
        %get3A_451 = arith.constant 256 : index
        %get3A_452 = arith.constant 0 : index
        %get3A_453 = vector.load %arg27[%get3A_450, %get3A_451, %get3A_452] : memref<4x1024x64xf32, #tpu.memory_space<vmem>>, vector<1x128x64xf32>
        %get3A_454 = vector.shape_cast %get3A_453 : vector<1x128x64xf32> to vector<128x64xf32>
        %dot_general3A_455 = arith.constant dense<0.000000e+00> : vector<1024x64xf32>
        %dot_general3A_456 = tpu.matmul %convert_element_type3A_449, %get3A_454, %dot_general3A_455 {dimension_numbers = #tpu.dot_dimension_numbers<[0], [0], [1], [1], [0, 1, 1, 1], [], []>, transpose_lhs_hint = false} : vector<128x1024xf32>, vector<128x64xf32>, vector<1024x64xf32> -> vector<1024x64xf32>
        %add3A_457 = arith.addf %add3A_442, %dot_general3A_456 : vector<1024x64xf32>
        %add3A_458 = arith.constant 384 : i32
        %add3A_459 = vector.broadcast %add3A_458 : i32 to vector<128x1024xi32>
        %add3A_460 = arith.addi %iota3A, %add3A_459 : vector<128x1024xi32>
        %eq3A_461 = vector.broadcast %slice3A_410 : vector<1x1024xi32> to vector<128x1024xi32>
        %eq3A_462 = arith.cmpi eq, %eq3A_461, %add3A_460 : vector<128x1024xi32>
        %convert_element_type3A_463 = arith.extui %eq3A_462 : vector<128x1024xi1> to vector<128x1024xi32>
        %convert_element_type3A_464 = arith.sitofp %convert_element_type3A_463 : vector<128x1024xi32> to vector<128x1024xf32>
        %get3A_465 = arith.constant 1 : index
        %get3A_466 = arith.constant 384 : index
        %get3A_467 = arith.constant 0 : index
        %get3A_468 = vector.load %arg27[%get3A_465, %get3A_466, %get3A_467] : memref<4x1024x64xf32, #tpu.memory_space<vmem>>, vector<1x128x64xf32>
        %get3A_469 = vector.shape_cast %get3A_468 : vector<1x128x64xf32> to vector<128x64xf32>
        %dot_general3A_470 = arith.constant dense<0.000000e+00> : vector<1024x64xf32>
        %dot_general3A_471 = tpu.matmul %convert_element_type3A_464, %get3A_469, %dot_general3A_470 {dimension_numbers = #tpu.dot_dimension_numbers<[0], [0], [1], [1], [0, 1, 1, 1], [], []>, transpose_lhs_hint = false} : vector<128x1024xf32>, vector<128x64xf32>, vector<1024x64xf32> -> vector<1024x64xf32>
        %add3A_472 = arith.addf %add3A_457, %dot_general3A_471 : vector<1024x64xf32>
        %add3A_473 = arith.constant 512 : i32
        %add3A_474 = vector.broadcast %add3A_473 : i32 to vector<128x1024xi32>
        %add3A_475 = arith.addi %iota3A, %add3A_474 : vector<128x1024xi32>
        %eq3A_476 = vector.broadcast %slice3A_410 : vector<1x1024xi32> to vector<128x1024xi32>
        %eq3A_477 = arith.cmpi eq, %eq3A_476, %add3A_475 : vector<128x1024xi32>
        %convert_element_type3A_478 = arith.extui %eq3A_477 : vector<128x1024xi1> to vector<128x1024xi32>
        %convert_element_type3A_479 = arith.sitofp %convert_element_type3A_478 : vector<128x1024xi32> to vector<128x1024xf32>
        %get3A_480 = arith.constant 1 : index
        %get3A_481 = arith.constant 512 : index
        %get3A_482 = arith.constant 0 : index
        %get3A_483 = vector.load %arg27[%get3A_480, %get3A_481, %get3A_482] : memref<4x1024x64xf32, #tpu.memory_space<vmem>>, vector<1x128x64xf32>
        %get3A_484 = vector.shape_cast %get3A_483 : vector<1x128x64xf32> to vector<128x64xf32>
        %dot_general3A_485 = arith.constant dense<0.000000e+00> : vector<1024x64xf32>
        %dot_general3A_486 = tpu.matmul %convert_element_type3A_479, %get3A_484, %dot_general3A_485 {dimension_numbers = #tpu.dot_dimension_numbers<[0], [0], [1], [1], [0, 1, 1, 1], [], []>, transpose_lhs_hint = false} : vector<128x1024xf32>, vector<128x64xf32>, vector<1024x64xf32> -> vector<1024x64xf32>
        %add3A_487 = arith.addf %add3A_472, %dot_general3A_486 : vector<1024x64xf32>
        %add3A_488 = arith.constant 640 : i32
        %add3A_489 = vector.broadcast %add3A_488 : i32 to vector<128x1024xi32>
        %add3A_490 = arith.addi %iota3A, %add3A_489 : vector<128x1024xi32>
        %eq3A_491 = vector.broadcast %slice3A_410 : vector<1x1024xi32> to vector<128x1024xi32>
        %eq3A_492 = arith.cmpi eq, %eq3A_491, %add3A_490 : vector<128x1024xi32>
        %convert_element_type3A_493 = arith.extui %eq3A_492 : vector<128x1024xi1> to vector<128x1024xi32>
        %convert_element_type3A_494 = arith.sitofp %convert_element_type3A_493 : vector<128x1024xi32> to vector<128x1024xf32>
        %get3A_495 = arith.constant 1 : index
        %get3A_496 = arith.constant 640 : index
        %get3A_497 = arith.constant 0 : index
        %get3A_498 = vector.load %arg27[%get3A_495, %get3A_496, %get3A_497] : memref<4x1024x64xf32, #tpu.memory_space<vmem>>, vector<1x128x64xf32>
        %get3A_499 = vector.shape_cast %get3A_498 : vector<1x128x64xf32> to vector<128x64xf32>
        %dot_general3A_500 = arith.constant dense<0.000000e+00> : vector<1024x64xf32>
        %dot_general3A_501 = tpu.matmul %convert_element_type3A_494, %get3A_499, %dot_general3A_500 {dimension_numbers = #tpu.dot_dimension_numbers<[0], [0], [1], [1], [0, 1, 1, 1], [], []>, transpose_lhs_hint = false} : vector<128x1024xf32>, vector<128x64xf32>, vector<1024x64xf32> -> vector<1024x64xf32>
        %add3A_502 = arith.addf %add3A_487, %dot_general3A_501 : vector<1024x64xf32>
        %add3A_503 = arith.constant 768 : i32
        %add3A_504 = vector.broadcast %add3A_503 : i32 to vector<128x1024xi32>
        %add3A_505 = arith.addi %iota3A, %add3A_504 : vector<128x1024xi32>
        %eq3A_506 = vector.broadcast %slice3A_410 : vector<1x1024xi32> to vector<128x1024xi32>
        %eq3A_507 = arith.cmpi eq, %eq3A_506, %add3A_505 : vector<128x1024xi32>
        %convert_element_type3A_508 = arith.extui %eq3A_507 : vector<128x1024xi1> to vector<128x1024xi32>
        %convert_element_type3A_509 = arith.sitofp %convert_element_type3A_508 : vector<128x1024xi32> to vector<128x1024xf32>
        %get3A_510 = arith.constant 1 : index
        %get3A_511 = arith.constant 768 : index
        %get3A_512 = arith.constant 0 : index
        %get3A_513 = vector.load %arg27[%get3A_510, %get3A_511, %get3A_512] : memref<4x1024x64xf32, #tpu.memory_space<vmem>>, vector<1x128x64xf32>
        %get3A_514 = vector.shape_cast %get3A_513 : vector<1x128x64xf32> to vector<128x64xf32>
        %dot_general3A_515 = arith.constant dense<0.000000e+00> : vector<1024x64xf32>
        %dot_general3A_516 = tpu.matmul %convert_element_type3A_509, %get3A_514, %dot_general3A_515 {dimension_numbers = #tpu.dot_dimension_numbers<[0], [0], [1], [1], [0, 1, 1, 1], [], []>, transpose_lhs_hint = false} : vector<128x1024xf32>, vector<128x64xf32>, vector<1024x64xf32> -> vector<1024x64xf32>
        %add3A_517 = arith.addf %add3A_502, %dot_general3A_516 : vector<1024x64xf32>
        %add3A_518 = arith.constant 896 : i32
        %add3A_519 = vector.broadcast %add3A_518 : i32 to vector<128x1024xi32>
        %add3A_520 = arith.addi %iota3A, %add3A_519 : vector<128x1024xi32>
        %eq3A_521 = vector.broadcast %slice3A_410 : vector<1x1024xi32> to vector<128x1024xi32>
        %eq3A_522 = arith.cmpi eq, %eq3A_521, %add3A_520 : vector<128x1024xi32>
        %convert_element_type3A_523 = arith.extui %eq3A_522 : vector<128x1024xi1> to vector<128x1024xi32>
        %convert_element_type3A_524 = arith.sitofp %convert_element_type3A_523 : vector<128x1024xi32> to vector<128x1024xf32>
        %get3A_525 = arith.constant 1 : index
        %get3A_526 = arith.constant 896 : index
        %get3A_527 = arith.constant 0 : index
        %get3A_528 = vector.load %arg27[%get3A_525, %get3A_526, %get3A_527] : memref<4x1024x64xf32, #tpu.memory_space<vmem>>, vector<1x128x64xf32>
        %get3A_529 = vector.shape_cast %get3A_528 : vector<1x128x64xf32> to vector<128x64xf32>
        %dot_general3A_530 = arith.constant dense<0.000000e+00> : vector<1024x64xf32>
        %dot_general3A_531 = tpu.matmul %convert_element_type3A_524, %get3A_529, %dot_general3A_530 {dimension_numbers = #tpu.dot_dimension_numbers<[0], [0], [1], [1], [0, 1, 1, 1], [], []>, transpose_lhs_hint = false} : vector<128x1024xf32>, vector<128x64xf32>, vector<1024x64xf32> -> vector<1024x64xf32>
        %add3A_532 = arith.addf %add3A_517, %dot_general3A_531 : vector<1024x64xf32>
        %get3A_533 = arith.constant 64 : index
        %get3A_534 = arith.constant 0 : index
        %get3A_535 = vector.load %arg28[%get3A_533, %get3A_534] : memref<384x128xf32, #tpu.memory_space<vmem>>, vector<64x128xf32>
        %dot_general3A_536 = arith.constant dense<0.000000e+00> : vector<1024x128xf32>
        %dot_general3A_537 = tpu.matmul %add3A_532, %get3A_535, %dot_general3A_536 {dimension_numbers = #tpu.dot_dimension_numbers<[1], [0], [0], [1], [0, 0, 1, 1], [], []>, transpose_lhs_hint = false} : vector<1024x64xf32>, vector<64x128xf32>, vector<1024x128xf32> -> vector<1024x128xf32>
        %add3A_538 = arith.addf %add3A_409, %dot_general3A_537 : vector<1024x128xf32>
        %slice3A_539 = vector.extract_strided_slice %get3A_280 {offsets = [2, 0], sizes = [1, 1024], strides = [1, 1]} : vector<4x1024xi32> to vector<1x1024xi32>
        %broadcast_in_dim3A_540 = arith.constant 0.000000e+00 : f32
        %broadcast_in_dim3A_541 = vector.broadcast %broadcast_in_dim3A_540 : f32 to vector<1024x64xf32>
        %add3A_542 = arith.constant 0 : i32
        %add3A_543 = vector.broadcast %add3A_542 : i32 to vector<128x1024xi32>
        %add3A_544 = arith.addi %iota3A, %add3A_543 : vector<128x1024xi32>
        %eq3A_545 = vector.broadcast %slice3A_539 : vector<1x1024xi32> to vector<128x1024xi32>
        %eq3A_546 = arith.cmpi eq, %eq3A_545, %add3A_544 : vector<128x1024xi32>
        %convert_element_type3A_547 = arith.extui %eq3A_546 : vector<128x1024xi1> to vector<128x1024xi32>
        %convert_element_type3A_548 = arith.sitofp %convert_element_type3A_547 : vector<128x1024xi32> to vector<128x1024xf32>
        %get3A_549 = arith.constant 2 : index
        %get3A_550 = arith.constant 0 : index
        %get3A_551 = arith.constant 0 : index
        %get3A_552 = vector.load %arg27[%get3A_549, %get3A_550, %get3A_551] : memref<4x1024x64xf32, #tpu.memory_space<vmem>>, vector<1x128x64xf32>
        %get3A_553 = vector.shape_cast %get3A_552 : vector<1x128x64xf32> to vector<128x64xf32>
        %dot_general3A_554 = arith.constant dense<0.000000e+00> : vector<1024x64xf32>
        %dot_general3A_555 = tpu.matmul %convert_element_type3A_548, %get3A_553, %dot_general3A_554 {dimension_numbers = #tpu.dot_dimension_numbers<[0], [0], [1], [1], [0, 1, 1, 1], [], []>, transpose_lhs_hint = false} : vector<128x1024xf32>, vector<128x64xf32>, vector<1024x64xf32> -> vector<1024x64xf32>
        %add3A_556 = arith.addf %broadcast_in_dim3A_541, %dot_general3A_555 : vector<1024x64xf32>
        %add3A_557 = arith.constant 128 : i32
        %add3A_558 = vector.broadcast %add3A_557 : i32 to vector<128x1024xi32>
        %add3A_559 = arith.addi %iota3A, %add3A_558 : vector<128x1024xi32>
        %eq3A_560 = vector.broadcast %slice3A_539 : vector<1x1024xi32> to vector<128x1024xi32>
        %eq3A_561 = arith.cmpi eq, %eq3A_560, %add3A_559 : vector<128x1024xi32>
        %convert_element_type3A_562 = arith.extui %eq3A_561 : vector<128x1024xi1> to vector<128x1024xi32>
        %convert_element_type3A_563 = arith.sitofp %convert_element_type3A_562 : vector<128x1024xi32> to vector<128x1024xf32>
        %get3A_564 = arith.constant 2 : index
        %get3A_565 = arith.constant 128 : index
        %get3A_566 = arith.constant 0 : index
        %get3A_567 = vector.load %arg27[%get3A_564, %get3A_565, %get3A_566] : memref<4x1024x64xf32, #tpu.memory_space<vmem>>, vector<1x128x64xf32>
        %get3A_568 = vector.shape_cast %get3A_567 : vector<1x128x64xf32> to vector<128x64xf32>
        %dot_general3A_569 = arith.constant dense<0.000000e+00> : vector<1024x64xf32>
        %dot_general3A_570 = tpu.matmul %convert_element_type3A_563, %get3A_568, %dot_general3A_569 {dimension_numbers = #tpu.dot_dimension_numbers<[0], [0], [1], [1], [0, 1, 1, 1], [], []>, transpose_lhs_hint = false} : vector<128x1024xf32>, vector<128x64xf32>, vector<1024x64xf32> -> vector<1024x64xf32>
        %add3A_571 = arith.addf %add3A_556, %dot_general3A_570 : vector<1024x64xf32>
        %add3A_572 = arith.constant 256 : i32
        %add3A_573 = vector.broadcast %add3A_572 : i32 to vector<128x1024xi32>
        %add3A_574 = arith.addi %iota3A, %add3A_573 : vector<128x1024xi32>
        %eq3A_575 = vector.broadcast %slice3A_539 : vector<1x1024xi32> to vector<128x1024xi32>
        %eq3A_576 = arith.cmpi eq, %eq3A_575, %add3A_574 : vector<128x1024xi32>
        %convert_element_type3A_577 = arith.extui %eq3A_576 : vector<128x1024xi1> to vector<128x1024xi32>
        %convert_element_type3A_578 = arith.sitofp %convert_element_type3A_577 : vector<128x1024xi32> to vector<128x1024xf32>
        %get3A_579 = arith.constant 2 : index
        %get3A_580 = arith.constant 256 : index
        %get3A_581 = arith.constant 0 : index
        %get3A_582 = vector.load %arg27[%get3A_579, %get3A_580, %get3A_581] : memref<4x1024x64xf32, #tpu.memory_space<vmem>>, vector<1x128x64xf32>
        %get3A_583 = vector.shape_cast %get3A_582 : vector<1x128x64xf32> to vector<128x64xf32>
        %dot_general3A_584 = arith.constant dense<0.000000e+00> : vector<1024x64xf32>
        %dot_general3A_585 = tpu.matmul %convert_element_type3A_578, %get3A_583, %dot_general3A_584 {dimension_numbers = #tpu.dot_dimension_numbers<[0], [0], [1], [1], [0, 1, 1, 1], [], []>, transpose_lhs_hint = false} : vector<128x1024xf32>, vector<128x64xf32>, vector<1024x64xf32> -> vector<1024x64xf32>
        %add3A_586 = arith.addf %add3A_571, %dot_general3A_585 : vector<1024x64xf32>
        %add3A_587 = arith.constant 384 : i32
        %add3A_588 = vector.broadcast %add3A_587 : i32 to vector<128x1024xi32>
        %add3A_589 = arith.addi %iota3A, %add3A_588 : vector<128x1024xi32>
        %eq3A_590 = vector.broadcast %slice3A_539 : vector<1x1024xi32> to vector<128x1024xi32>
        %eq3A_591 = arith.cmpi eq, %eq3A_590, %add3A_589 : vector<128x1024xi32>
        %convert_element_type3A_592 = arith.extui %eq3A_591 : vector<128x1024xi1> to vector<128x1024xi32>
        %convert_element_type3A_593 = arith.sitofp %convert_element_type3A_592 : vector<128x1024xi32> to vector<128x1024xf32>
        %get3A_594 = arith.constant 2 : index
        %get3A_595 = arith.constant 384 : index
        %get3A_596 = arith.constant 0 : index
        %get3A_597 = vector.load %arg27[%get3A_594, %get3A_595, %get3A_596] : memref<4x1024x64xf32, #tpu.memory_space<vmem>>, vector<1x128x64xf32>
        %get3A_598 = vector.shape_cast %get3A_597 : vector<1x128x64xf32> to vector<128x64xf32>
        %dot_general3A_599 = arith.constant dense<0.000000e+00> : vector<1024x64xf32>
        %dot_general3A_600 = tpu.matmul %convert_element_type3A_593, %get3A_598, %dot_general3A_599 {dimension_numbers = #tpu.dot_dimension_numbers<[0], [0], [1], [1], [0, 1, 1, 1], [], []>, transpose_lhs_hint = false} : vector<128x1024xf32>, vector<128x64xf32>, vector<1024x64xf32> -> vector<1024x64xf32>
        %add3A_601 = arith.addf %add3A_586, %dot_general3A_600 : vector<1024x64xf32>
        %add3A_602 = arith.constant 512 : i32
        %add3A_603 = vector.broadcast %add3A_602 : i32 to vector<128x1024xi32>
        %add3A_604 = arith.addi %iota3A, %add3A_603 : vector<128x1024xi32>
        %eq3A_605 = vector.broadcast %slice3A_539 : vector<1x1024xi32> to vector<128x1024xi32>
        %eq3A_606 = arith.cmpi eq, %eq3A_605, %add3A_604 : vector<128x1024xi32>
        %convert_element_type3A_607 = arith.extui %eq3A_606 : vector<128x1024xi1> to vector<128x1024xi32>
        %convert_element_type3A_608 = arith.sitofp %convert_element_type3A_607 : vector<128x1024xi32> to vector<128x1024xf32>
        %get3A_609 = arith.constant 2 : index
        %get3A_610 = arith.constant 512 : index
        %get3A_611 = arith.constant 0 : index
        %get3A_612 = vector.load %arg27[%get3A_609, %get3A_610, %get3A_611] : memref<4x1024x64xf32, #tpu.memory_space<vmem>>, vector<1x128x64xf32>
        %get3A_613 = vector.shape_cast %get3A_612 : vector<1x128x64xf32> to vector<128x64xf32>
        %dot_general3A_614 = arith.constant dense<0.000000e+00> : vector<1024x64xf32>
        %dot_general3A_615 = tpu.matmul %convert_element_type3A_608, %get3A_613, %dot_general3A_614 {dimension_numbers = #tpu.dot_dimension_numbers<[0], [0], [1], [1], [0, 1, 1, 1], [], []>, transpose_lhs_hint = false} : vector<128x1024xf32>, vector<128x64xf32>, vector<1024x64xf32> -> vector<1024x64xf32>
        %add3A_616 = arith.addf %add3A_601, %dot_general3A_615 : vector<1024x64xf32>
        %add3A_617 = arith.constant 640 : i32
        %add3A_618 = vector.broadcast %add3A_617 : i32 to vector<128x1024xi32>
        %add3A_619 = arith.addi %iota3A, %add3A_618 : vector<128x1024xi32>
        %eq3A_620 = vector.broadcast %slice3A_539 : vector<1x1024xi32> to vector<128x1024xi32>
        %eq3A_621 = arith.cmpi eq, %eq3A_620, %add3A_619 : vector<128x1024xi32>
        %convert_element_type3A_622 = arith.extui %eq3A_621 : vector<128x1024xi1> to vector<128x1024xi32>
        %convert_element_type3A_623 = arith.sitofp %convert_element_type3A_622 : vector<128x1024xi32> to vector<128x1024xf32>
        %get3A_624 = arith.constant 2 : index
        %get3A_625 = arith.constant 640 : index
        %get3A_626 = arith.constant 0 : index
        %get3A_627 = vector.load %arg27[%get3A_624, %get3A_625, %get3A_626] : memref<4x1024x64xf32, #tpu.memory_space<vmem>>, vector<1x128x64xf32>
        %get3A_628 = vector.shape_cast %get3A_627 : vector<1x128x64xf32> to vector<128x64xf32>
        %dot_general3A_629 = arith.constant dense<0.000000e+00> : vector<1024x64xf32>
        %dot_general3A_630 = tpu.matmul %convert_element_type3A_623, %get3A_628, %dot_general3A_629 {dimension_numbers = #tpu.dot_dimension_numbers<[0], [0], [1], [1], [0, 1, 1, 1], [], []>, transpose_lhs_hint = false} : vector<128x1024xf32>, vector<128x64xf32>, vector<1024x64xf32> -> vector<1024x64xf32>
        %add3A_631 = arith.addf %add3A_616, %dot_general3A_630 : vector<1024x64xf32>
        %add3A_632 = arith.constant 768 : i32
        %add3A_633 = vector.broadcast %add3A_632 : i32 to vector<128x1024xi32>
        %add3A_634 = arith.addi %iota3A, %add3A_633 : vector<128x1024xi32>
        %eq3A_635 = vector.broadcast %slice3A_539 : vector<1x1024xi32> to vector<128x1024xi32>
        %eq3A_636 = arith.cmpi eq, %eq3A_635, %add3A_634 : vector<128x1024xi32>
        %convert_element_type3A_637 = arith.extui %eq3A_636 : vector<128x1024xi1> to vector<128x1024xi32>
        %convert_element_type3A_638 = arith.sitofp %convert_element_type3A_637 : vector<128x1024xi32> to vector<128x1024xf32>
        %get3A_639 = arith.constant 2 : index
        %get3A_640 = arith.constant 768 : index
        %get3A_641 = arith.constant 0 : index
        %get3A_642 = vector.load %arg27[%get3A_639, %get3A_640, %get3A_641] : memref<4x1024x64xf32, #tpu.memory_space<vmem>>, vector<1x128x64xf32>
        %get3A_643 = vector.shape_cast %get3A_642 : vector<1x128x64xf32> to vector<128x64xf32>
        %dot_general3A_644 = arith.constant dense<0.000000e+00> : vector<1024x64xf32>
        %dot_general3A_645 = tpu.matmul %convert_element_type3A_638, %get3A_643, %dot_general3A_644 {dimension_numbers = #tpu.dot_dimension_numbers<[0], [0], [1], [1], [0, 1, 1, 1], [], []>, transpose_lhs_hint = false} : vector<128x1024xf32>, vector<128x64xf32>, vector<1024x64xf32> -> vector<1024x64xf32>
        %add3A_646 = arith.addf %add3A_631, %dot_general3A_645 : vector<1024x64xf32>
        %add3A_647 = arith.constant 896 : i32
        %add3A_648 = vector.broadcast %add3A_647 : i32 to vector<128x1024xi32>
        %add3A_649 = arith.addi %iota3A, %add3A_648 : vector<128x1024xi32>
        %eq3A_650 = vector.broadcast %slice3A_539 : vector<1x1024xi32> to vector<128x1024xi32>
        %eq3A_651 = arith.cmpi eq, %eq3A_650, %add3A_649 : vector<128x1024xi32>
        %convert_element_type3A_652 = arith.extui %eq3A_651 : vector<128x1024xi1> to vector<128x1024xi32>
        %convert_element_type3A_653 = arith.sitofp %convert_element_type3A_652 : vector<128x1024xi32> to vector<128x1024xf32>
        %get3A_654 = arith.constant 2 : index
        %get3A_655 = arith.constant 896 : index
        %get3A_656 = arith.constant 0 : index
        %get3A_657 = vector.load %arg27[%get3A_654, %get3A_655, %get3A_656] : memref<4x1024x64xf32, #tpu.memory_space<vmem>>, vector<1x128x64xf32>
        %get3A_658 = vector.shape_cast %get3A_657 : vector<1x128x64xf32> to vector<128x64xf32>
        %dot_general3A_659 = arith.constant dense<0.000000e+00> : vector<1024x64xf32>
        %dot_general3A_660 = tpu.matmul %convert_element_type3A_653, %get3A_658, %dot_general3A_659 {dimension_numbers = #tpu.dot_dimension_numbers<[0], [0], [1], [1], [0, 1, 1, 1], [], []>, transpose_lhs_hint = false} : vector<128x1024xf32>, vector<128x64xf32>, vector<1024x64xf32> -> vector<1024x64xf32>
        %add3A_661 = arith.addf %add3A_646, %dot_general3A_660 : vector<1024x64xf32>
        %get3A_662 = arith.constant 128 : index
        %get3A_663 = arith.constant 0 : index
        %get3A_664 = vector.load %arg28[%get3A_662, %get3A_663] : memref<384x128xf32, #tpu.memory_space<vmem>>, vector<64x128xf32>
        %dot_general3A_665 = arith.constant dense<0.000000e+00> : vector<1024x128xf32>
        %dot_general3A_666 = tpu.matmul %add3A_661, %get3A_664, %dot_general3A_665 {dimension_numbers = #tpu.dot_dimension_numbers<[1], [0], [0], [1], [0, 0, 1, 1], [], []>, transpose_lhs_hint = false} : vector<1024x64xf32>, vector<64x128xf32>, vector<1024x128xf32> -> vector<1024x128xf32>
        %add3A_667 = arith.addf %add3A_538, %dot_general3A_666 : vector<1024x128xf32>
        %slice3A_668 = vector.extract_strided_slice %get3A_280 {offsets = [3, 0], sizes = [1, 1024], strides = [1, 1]} : vector<4x1024xi32> to vector<1x1024xi32>
        %broadcast_in_dim3A_669 = arith.constant 0.000000e+00 : f32
        %broadcast_in_dim3A_670 = vector.broadcast %broadcast_in_dim3A_669 : f32 to vector<1024x64xf32>
        %add3A_671 = arith.constant 0 : i32
        %add3A_672 = vector.broadcast %add3A_671 : i32 to vector<128x1024xi32>
        %add3A_673 = arith.addi %iota3A, %add3A_672 : vector<128x1024xi32>
        %eq3A_674 = vector.broadcast %slice3A_668 : vector<1x1024xi32> to vector<128x1024xi32>
        %eq3A_675 = arith.cmpi eq, %eq3A_674, %add3A_673 : vector<128x1024xi32>
        %convert_element_type3A_676 = arith.extui %eq3A_675 : vector<128x1024xi1> to vector<128x1024xi32>
        %convert_element_type3A_677 = arith.sitofp %convert_element_type3A_676 : vector<128x1024xi32> to vector<128x1024xf32>
        %get3A_678 = arith.constant 3 : index
        %get3A_679 = arith.constant 0 : index
        %get3A_680 = arith.constant 0 : index
        %get3A_681 = vector.load %arg27[%get3A_678, %get3A_679, %get3A_680] : memref<4x1024x64xf32, #tpu.memory_space<vmem>>, vector<1x128x64xf32>
        %get3A_682 = vector.shape_cast %get3A_681 : vector<1x128x64xf32> to vector<128x64xf32>
        %dot_general3A_683 = arith.constant dense<0.000000e+00> : vector<1024x64xf32>
        %dot_general3A_684 = tpu.matmul %convert_element_type3A_677, %get3A_682, %dot_general3A_683 {dimension_numbers = #tpu.dot_dimension_numbers<[0], [0], [1], [1], [0, 1, 1, 1], [], []>, transpose_lhs_hint = false} : vector<128x1024xf32>, vector<128x64xf32>, vector<1024x64xf32> -> vector<1024x64xf32>
        %add3A_685 = arith.addf %broadcast_in_dim3A_670, %dot_general3A_684 : vector<1024x64xf32>
        %add3A_686 = arith.constant 128 : i32
        %add3A_687 = vector.broadcast %add3A_686 : i32 to vector<128x1024xi32>
        %add3A_688 = arith.addi %iota3A, %add3A_687 : vector<128x1024xi32>
        %eq3A_689 = vector.broadcast %slice3A_668 : vector<1x1024xi32> to vector<128x1024xi32>
        %eq3A_690 = arith.cmpi eq, %eq3A_689, %add3A_688 : vector<128x1024xi32>
        %convert_element_type3A_691 = arith.extui %eq3A_690 : vector<128x1024xi1> to vector<128x1024xi32>
        %convert_element_type3A_692 = arith.sitofp %convert_element_type3A_691 : vector<128x1024xi32> to vector<128x1024xf32>
        %get3A_693 = arith.constant 3 : index
        %get3A_694 = arith.constant 128 : index
        %get3A_695 = arith.constant 0 : index
        %get3A_696 = vector.load %arg27[%get3A_693, %get3A_694, %get3A_695] : memref<4x1024x64xf32, #tpu.memory_space<vmem>>, vector<1x128x64xf32>
        %get3A_697 = vector.shape_cast %get3A_696 : vector<1x128x64xf32> to vector<128x64xf32>
        %dot_general3A_698 = arith.constant dense<0.000000e+00> : vector<1024x64xf32>
        %dot_general3A_699 = tpu.matmul %convert_element_type3A_692, %get3A_697, %dot_general3A_698 {dimension_numbers = #tpu.dot_dimension_numbers<[0], [0], [1], [1], [0, 1, 1, 1], [], []>, transpose_lhs_hint = false} : vector<128x1024xf32>, vector<128x64xf32>, vector<1024x64xf32> -> vector<1024x64xf32>
        %add3A_700 = arith.addf %add3A_685, %dot_general3A_699 : vector<1024x64xf32>
        %add3A_701 = arith.constant 256 : i32
        %add3A_702 = vector.broadcast %add3A_701 : i32 to vector<128x1024xi32>
        %add3A_703 = arith.addi %iota3A, %add3A_702 : vector<128x1024xi32>
        %eq3A_704 = vector.broadcast %slice3A_668 : vector<1x1024xi32> to vector<128x1024xi32>
        %eq3A_705 = arith.cmpi eq, %eq3A_704, %add3A_703 : vector<128x1024xi32>
        %convert_element_type3A_706 = arith.extui %eq3A_705 : vector<128x1024xi1> to vector<128x1024xi32>
        %convert_element_type3A_707 = arith.sitofp %convert_element_type3A_706 : vector<128x1024xi32> to vector<128x1024xf32>
        %get3A_708 = arith.constant 3 : index
        %get3A_709 = arith.constant 256 : index
        %get3A_710 = arith.constant 0 : index
        %get3A_711 = vector.load %arg27[%get3A_708, %get3A_709, %get3A_710] : memref<4x1024x64xf32, #tpu.memory_space<vmem>>, vector<1x128x64xf32>
        %get3A_712 = vector.shape_cast %get3A_711 : vector<1x128x64xf32> to vector<128x64xf32>
        %dot_general3A_713 = arith.constant dense<0.000000e+00> : vector<1024x64xf32>
        %dot_general3A_714 = tpu.matmul %convert_element_type3A_707, %get3A_712, %dot_general3A_713 {dimension_numbers = #tpu.dot_dimension_numbers<[0], [0], [1], [1], [0, 1, 1, 1], [], []>, transpose_lhs_hint = false} : vector<128x1024xf32>, vector<128x64xf32>, vector<1024x64xf32> -> vector<1024x64xf32>
        %add3A_715 = arith.addf %add3A_700, %dot_general3A_714 : vector<1024x64xf32>
        %add3A_716 = arith.constant 384 : i32
        %add3A_717 = vector.broadcast %add3A_716 : i32 to vector<128x1024xi32>
        %add3A_718 = arith.addi %iota3A, %add3A_717 : vector<128x1024xi32>
        %eq3A_719 = vector.broadcast %slice3A_668 : vector<1x1024xi32> to vector<128x1024xi32>
        %eq3A_720 = arith.cmpi eq, %eq3A_719, %add3A_718 : vector<128x1024xi32>
        %convert_element_type3A_721 = arith.extui %eq3A_720 : vector<128x1024xi1> to vector<128x1024xi32>
        %convert_element_type3A_722 = arith.sitofp %convert_element_type3A_721 : vector<128x1024xi32> to vector<128x1024xf32>
        %get3A_723 = arith.constant 3 : index
        %get3A_724 = arith.constant 384 : index
        %get3A_725 = arith.constant 0 : index
        %get3A_726 = vector.load %arg27[%get3A_723, %get3A_724, %get3A_725] : memref<4x1024x64xf32, #tpu.memory_space<vmem>>, vector<1x128x64xf32>
        %get3A_727 = vector.shape_cast %get3A_726 : vector<1x128x64xf32> to vector<128x64xf32>
        %dot_general3A_728 = arith.constant dense<0.000000e+00> : vector<1024x64xf32>
        %dot_general3A_729 = tpu.matmul %convert_element_type3A_722, %get3A_727, %dot_general3A_728 {dimension_numbers = #tpu.dot_dimension_numbers<[0], [0], [1], [1], [0, 1, 1, 1], [], []>, transpose_lhs_hint = false} : vector<128x1024xf32>, vector<128x64xf32>, vector<1024x64xf32> -> vector<1024x64xf32>
        %add3A_730 = arith.addf %add3A_715, %dot_general3A_729 : vector<1024x64xf32>
        %add3A_731 = arith.constant 512 : i32
        %add3A_732 = vector.broadcast %add3A_731 : i32 to vector<128x1024xi32>
        %add3A_733 = arith.addi %iota3A, %add3A_732 : vector<128x1024xi32>
        %eq3A_734 = vector.broadcast %slice3A_668 : vector<1x1024xi32> to vector<128x1024xi32>
        %eq3A_735 = arith.cmpi eq, %eq3A_734, %add3A_733 : vector<128x1024xi32>
        %convert_element_type3A_736 = arith.extui %eq3A_735 : vector<128x1024xi1> to vector<128x1024xi32>
        %convert_element_type3A_737 = arith.sitofp %convert_element_type3A_736 : vector<128x1024xi32> to vector<128x1024xf32>
        %get3A_738 = arith.constant 3 : index
        %get3A_739 = arith.constant 512 : index
        %get3A_740 = arith.constant 0 : index
        %get3A_741 = vector.load %arg27[%get3A_738, %get3A_739, %get3A_740] : memref<4x1024x64xf32, #tpu.memory_space<vmem>>, vector<1x128x64xf32>
        %get3A_742 = vector.shape_cast %get3A_741 : vector<1x128x64xf32> to vector<128x64xf32>
        %dot_general3A_743 = arith.constant dense<0.000000e+00> : vector<1024x64xf32>
        %dot_general3A_744 = tpu.matmul %convert_element_type3A_737, %get3A_742, %dot_general3A_743 {dimension_numbers = #tpu.dot_dimension_numbers<[0], [0], [1], [1], [0, 1, 1, 1], [], []>, transpose_lhs_hint = false} : vector<128x1024xf32>, vector<128x64xf32>, vector<1024x64xf32> -> vector<1024x64xf32>
        %add3A_745 = arith.addf %add3A_730, %dot_general3A_744 : vector<1024x64xf32>
        %add3A_746 = arith.constant 640 : i32
        %add3A_747 = vector.broadcast %add3A_746 : i32 to vector<128x1024xi32>
        %add3A_748 = arith.addi %iota3A, %add3A_747 : vector<128x1024xi32>
        %eq3A_749 = vector.broadcast %slice3A_668 : vector<1x1024xi32> to vector<128x1024xi32>
        %eq3A_750 = arith.cmpi eq, %eq3A_749, %add3A_748 : vector<128x1024xi32>
        %convert_element_type3A_751 = arith.extui %eq3A_750 : vector<128x1024xi1> to vector<128x1024xi32>
        %convert_element_type3A_752 = arith.sitofp %convert_element_type3A_751 : vector<128x1024xi32> to vector<128x1024xf32>
        %get3A_753 = arith.constant 3 : index
        %get3A_754 = arith.constant 640 : index
        %get3A_755 = arith.constant 0 : index
        %get3A_756 = vector.load %arg27[%get3A_753, %get3A_754, %get3A_755] : memref<4x1024x64xf32, #tpu.memory_space<vmem>>, vector<1x128x64xf32>
        %get3A_757 = vector.shape_cast %get3A_756 : vector<1x128x64xf32> to vector<128x64xf32>
        %dot_general3A_758 = arith.constant dense<0.000000e+00> : vector<1024x64xf32>
        %dot_general3A_759 = tpu.matmul %convert_element_type3A_752, %get3A_757, %dot_general3A_758 {dimension_numbers = #tpu.dot_dimension_numbers<[0], [0], [1], [1], [0, 1, 1, 1], [], []>, transpose_lhs_hint = false} : vector<128x1024xf32>, vector<128x64xf32>, vector<1024x64xf32> -> vector<1024x64xf32>
        %add3A_760 = arith.addf %add3A_745, %dot_general3A_759 : vector<1024x64xf32>
        %add3A_761 = arith.constant 768 : i32
        %add3A_762 = vector.broadcast %add3A_761 : i32 to vector<128x1024xi32>
        %add3A_763 = arith.addi %iota3A, %add3A_762 : vector<128x1024xi32>
        %eq3A_764 = vector.broadcast %slice3A_668 : vector<1x1024xi32> to vector<128x1024xi32>
        %eq3A_765 = arith.cmpi eq, %eq3A_764, %add3A_763 : vector<128x1024xi32>
        %convert_element_type3A_766 = arith.extui %eq3A_765 : vector<128x1024xi1> to vector<128x1024xi32>
        %convert_element_type3A_767 = arith.sitofp %convert_element_type3A_766 : vector<128x1024xi32> to vector<128x1024xf32>
        %get3A_768 = arith.constant 3 : index
        %get3A_769 = arith.constant 768 : index
        %get3A_770 = arith.constant 0 : index
        %get3A_771 = vector.load %arg27[%get3A_768, %get3A_769, %get3A_770] : memref<4x1024x64xf32, #tpu.memory_space<vmem>>, vector<1x128x64xf32>
        %get3A_772 = vector.shape_cast %get3A_771 : vector<1x128x64xf32> to vector<128x64xf32>
        %dot_general3A_773 = arith.constant dense<0.000000e+00> : vector<1024x64xf32>
        %dot_general3A_774 = tpu.matmul %convert_element_type3A_767, %get3A_772, %dot_general3A_773 {dimension_numbers = #tpu.dot_dimension_numbers<[0], [0], [1], [1], [0, 1, 1, 1], [], []>, transpose_lhs_hint = false} : vector<128x1024xf32>, vector<128x64xf32>, vector<1024x64xf32> -> vector<1024x64xf32>
        %add3A_775 = arith.addf %add3A_760, %dot_general3A_774 : vector<1024x64xf32>
        %add3A_776 = arith.constant 896 : i32
        %add3A_777 = vector.broadcast %add3A_776 : i32 to vector<128x1024xi32>
        %add3A_778 = arith.addi %iota3A, %add3A_777 : vector<128x1024xi32>
        %eq3A_779 = vector.broadcast %slice3A_668 : vector<1x1024xi32> to vector<128x1024xi32>
        %eq3A_780 = arith.cmpi eq, %eq3A_779, %add3A_778 : vector<128x1024xi32>
        %convert_element_type3A_781 = arith.extui %eq3A_780 : vector<128x1024xi1> to vector<128x1024xi32>
        %convert_element_type3A_782 = arith.sitofp %convert_element_type3A_781 : vector<128x1024xi32> to vector<128x1024xf32>
        %get3A_783 = arith.constant 3 : index
        %get3A_784 = arith.constant 896 : index
        %get3A_785 = arith.constant 0 : index
        %get3A_786 = vector.load %arg27[%get3A_783, %get3A_784, %get3A_785] : memref<4x1024x64xf32, #tpu.memory_space<vmem>>, vector<1x128x64xf32>
        %get3A_787 = vector.shape_cast %get3A_786 : vector<1x128x64xf32> to vector<128x64xf32>
        %dot_general3A_788 = arith.constant dense<0.000000e+00> : vector<1024x64xf32>
        %dot_general3A_789 = tpu.matmul %convert_element_type3A_782, %get3A_787, %dot_general3A_788 {dimension_numbers = #tpu.dot_dimension_numbers<[0], [0], [1], [1], [0, 1, 1, 1], [], []>, transpose_lhs_hint = false} : vector<128x1024xf32>, vector<128x64xf32>, vector<1024x64xf32> -> vector<1024x64xf32>
        %add3A_790 = arith.addf %add3A_775, %dot_general3A_789 : vector<1024x64xf32>
        %get3A_791 = arith.constant 192 : index
        %get3A_792 = arith.constant 0 : index
        %get3A_793 = vector.load %arg28[%get3A_791, %get3A_792] : memref<384x128xf32, #tpu.memory_space<vmem>>, vector<64x128xf32>
        %dot_general3A_794 = arith.constant dense<0.000000e+00> : vector<1024x128xf32>
        %dot_general3A_795 = tpu.matmul %add3A_790, %get3A_793, %dot_general3A_794 {dimension_numbers = #tpu.dot_dimension_numbers<[1], [0], [0], [1], [0, 0, 1, 1], [], []>, transpose_lhs_hint = false} : vector<1024x64xf32>, vector<64x128xf32>, vector<1024x128xf32> -> vector<1024x128xf32>
        %add3A_796 = arith.addf %add3A_667, %dot_general3A_795 : vector<1024x128xf32>
        %mul3A_797 = arith.constant 5.000000e-01 : f32
        %mul3A_798 = vector.broadcast %mul3A_797 : f32 to vector<1024x128xf32>
        %mul3A_799 = arith.mulf %mul3A_798, %add3A_796 : vector<1024x128xf32>
        %mul3A_800 = arith.constant 0.707106769 : f32
        %mul3A_801 = vector.broadcast %mul3A_800 : f32 to vector<1024x128xf32>
        %mul3A_802 = arith.mulf %add3A_796, %mul3A_801 : vector<1024x128xf32>
        %erf3A_803 = math.erf %mul3A_802 : vector<1024x128xf32>
        %add3A_804 = arith.constant 1.000000e+00 : f32
        %add3A_805 = vector.broadcast %add3A_804 : f32 to vector<1024x128xf32>
        %add3A_806 = arith.addf %add3A_805, %erf3A_803 : vector<1024x128xf32>
        %mul3A_807 = arith.mulf %mul3A_799, %add3A_806 : vector<1024x128xf32>
        %reduce_sum3A_808 = arith.constant dense<0.000000e+00> : vector<1024xf32>
        %reduce_sum3A_809 = vector.multi_reduction <add>, %mul3A_807, %reduce_sum3A_808 [1] : vector<1024x128xf32> to vector<1024xf32>
        %broadcast_in_dim3A_810 = vector.shape_cast %reduce_sum3A_809 : vector<1024xf32> to vector<1024x1xf32>
        %div3A_811 = arith.constant 1.280000e+02 : f32
        %div3A_812 = vector.broadcast %div3A_811 : f32 to vector<1024x1xf32>
        %div3A_813 = arith.divf %broadcast_in_dim3A_810, %div3A_812 : vector<1024x1xf32>
        %sub3A_814 = vector.broadcast %div3A_813 : vector<1024x1xf32> to vector<1024x128xf32>
        %sub3A_815 = arith.subf %mul3A_807, %sub3A_814 : vector<1024x128xf32>
        %integer_pow3A_816 = arith.mulf %sub3A_815, %sub3A_815 : vector<1024x128xf32>
        %reduce_sum3A_817 = arith.constant dense<0.000000e+00> : vector<1024xf32>
        %reduce_sum3A_818 = vector.multi_reduction <add>, %integer_pow3A_816, %reduce_sum3A_817 [1] : vector<1024x128xf32> to vector<1024xf32>
        %broadcast_in_dim3A_819 = vector.shape_cast %reduce_sum3A_818 : vector<1024xf32> to vector<1024x1xf32>
        %div3A_820 = arith.constant 1.280000e+02 : f32
        %div3A_821 = vector.broadcast %div3A_820 : f32 to vector<1024x1xf32>
        %div3A_822 = arith.divf %broadcast_in_dim3A_819, %div3A_821 : vector<1024x1xf32>
        %sub3A_823 = vector.broadcast %div3A_813 : vector<1024x1xf32> to vector<1024x128xf32>
        %sub3A_824 = arith.subf %mul3A_807, %sub3A_823 : vector<1024x128xf32>
        %add3A_825 = arith.constant 9.99999974E-6 : f32
        %add3A_826 = vector.broadcast %add3A_825 : f32 to vector<1024x1xf32>
        %add3A_827 = arith.addf %div3A_822, %add3A_826 : vector<1024x1xf32>
        %sqrt3A_828 = math.sqrt %add3A_827 : vector<1024x1xf32>
        %div3A_829 = vector.broadcast %sqrt3A_828 : vector<1024x1xf32> to vector<1024x128xf32>
        %div3A_830 = arith.divf %sub3A_824, %div3A_829 : vector<1024x128xf32>
        %get3A_831 = arith.constant 0 : index
        %get3A_832 = arith.constant 0 : index
        %get3A_833 = vector.load %arg23[%get3A_831, %get3A_832] : memref<1x128xf32, #tpu.memory_space<vmem>>, vector<1x128xf32>
        %mul3A_834 = vector.broadcast %get3A_833 : vector<1x128xf32> to vector<1024x128xf32>
        %mul3A_835 = arith.mulf %div3A_830, %mul3A_834 : vector<1024x128xf32>
        %get3A_836 = arith.constant 0 : index
        %get3A_837 = arith.constant 0 : index
        %get3A_838 = vector.load %arg24[%get3A_836, %get3A_837] : memref<1x128xf32, #tpu.memory_space<vmem>>, vector<1x128xf32>
        %add3A_839 = vector.broadcast %get3A_838 : vector<1x128xf32> to vector<1024x128xf32>
        %add3A_840 = arith.addf %mul3A_835, %add3A_839 : vector<1024x128xf32>
        %eq3A_841 = arith.constant 1 : i32
        %eq3A_842 = vector.broadcast %eq3A_841 : i32 to vector<1x1024xi32>
        %eq3A_843 = arith.cmpi eq, %slice3A_110, %eq3A_842 : vector<1x1024xi32>
        %convert_element_type3A_844 = arith.extui %eq3A_843 : vector<1x1024xi1> to vector<1x1024xi32>
        %convert_element_type3A_845 = arith.sitofp %convert_element_type3A_844 : vector<1x1024xi32> to vector<1x1024xf32>
        %broadcast_in_dim3A_846 = arith.constant 1.000000e+00 : f32
        %broadcast_in_dim3A_847 = vector.broadcast %broadcast_in_dim3A_846 : f32 to vector<1x1xf32>
        %dot_general3A_848 = arith.constant dense<0.000000e+00> : vector<1024x1xf32>
        %dot_general3A_849 = tpu.matmul %convert_element_type3A_845, %broadcast_in_dim3A_847, %dot_general3A_848 {dimension_numbers = #tpu.dot_dimension_numbers<[0], [0], [1], [1], [0, 1, 1, 1], [], []>, transpose_lhs_hint = false} : vector<1x1024xf32>, vector<1x1xf32>, vector<1024x1xf32> -> vector<1024x1xf32>
        %get3A_850 = arith.constant 1 : index
        %get3A_851 = arith.constant 0 : index
        %get3A_852 = arith.constant 0 : index
        %get3A_853 = vector.load %arg25[%get3A_850, %get3A_851, %get3A_852] : memref<2x1024x128xf32, #tpu.memory_space<vmem>>, vector<1x1024x128xf32>
        %get3A_854 = vector.shape_cast %get3A_853 : vector<1x1024x128xf32> to vector<1024x128xf32>
        %mul3A_855 = vector.broadcast %dot_general3A_849 : vector<1024x1xf32> to vector<1024x128xf32>
        %mul3A_856 = arith.mulf %mul3A_855, %add3A_840 : vector<1024x128xf32>
        %add3A_857 = arith.addf %get3A_854, %mul3A_856 : vector<1024x128xf32>
        %swap3A_858 = arith.constant 1 : index
        %swap3A_859 = arith.constant 0 : index
        %swap3A_860 = arith.constant 0 : index
        %swap3A_861 = vector.load %arg25[%swap3A_858, %swap3A_859, %swap3A_860] : memref<2x1024x128xf32, #tpu.memory_space<vmem>>, vector<1x1024x128xf32>
        %swap3A_862 = vector.shape_cast %swap3A_861 : vector<1x1024x128xf32> to vector<1024x128xf32>
        %swap3A_863 = vector.shape_cast %add3A_857 : vector<1024x128xf32> to vector<1x1024x128xf32>
        tpu.vector_store %arg25[%swap3A_858, %swap3A_859, %swap3A_860], %swap3A_863 {strides = array<i32>} : memref<2x1024x128xf32, #tpu.memory_space<vmem>>, vector<1x1024x128xf32>,
      } else {
      }
    } else {
    }
    return
  }
  func.func @transform_0(%arg0: i32) -> (i32, i32, i32) {
    %c0_i32 = arith.constant 0 : i32
    %c0_i32_0 = arith.constant 0 : i32
    %c0_i32_1 = arith.constant 0 : i32
    return %arg0, %c0_i32, %c0_i32_0 : i32, i32, i32
  }
  func.func @transform_1(%arg0: i32) -> (i32, i32, i32) {
    %c0_i32 = arith.constant 0 : i32
    %c0_i32_0 = arith.constant 0 : i32
    %c0_i32_1 = arith.constant 0 : i32
    return %arg0, %c0_i32, %c0_i32_0 : i32, i32, i32
  }
  func.func @transform_2(%arg0: i32) -> (i32, i32) {
    %c0_i32 = arith.constant 0 : i32
    %c0_i32_0 = arith.constant 0 : i32
    %c0_i32_1 = arith.constant 0 : i32
    return %c0_i32, %c0_i32_0 : i32, i32
  }
  func.func @transform_3(%arg0: i32) -> (i32, i32) {
    %c0_i32 = arith.constant 0 : i32
    %c0_i32_0 = arith.constant 0 : i32
    %c0_i32_1 = arith.constant 0 : i32
    return %c0_i32, %c0_i32_0 : i32, i32
  }
  func.func @transform_9(%arg0: i32) -> (i32, i32) {
    %c0_i32 = arith.constant 0 : i32
    %c0_i32_0 = arith.constant 0 : i32
    %c0_i32_1 = arith.constant 0 : i32
    return %c0_i32, %c0_i32_0 : i32, i32
  }
  func.func @transform_10(%arg0: i32) -> (i32, i32) {
    %c0_i32 = arith.constant 0 : i32
    %c0_i32_0 = arith.constant 0 : i32
    %c0_i32_1 = arith.constant 0 : i32
    return %c0_i32, %c0_i32_0 : i32, i32
  }
  func.func @transform_11(%arg0: i32) -> (i32, i32) {
    %c0_i32 = arith.constant 0 : i32
    %c0_i32_0 = arith.constant 0 : i32
    %c0_i32_1 = arith.constant 0 : i32
    return %c0_i32, %c0_i32_0 : i32, i32
  }
  func.func @transform_12(%arg0: i32) -> (i32, i32) {
    %c0_i32 = arith.constant 0 : i32
    %c0_i32_0 = arith.constant 0 : i32
    %c0_i32_1 = arith.constant 0 : i32
    return %c0_i32, %c0_i32_0 : i32, i32
  }
  func.func @transform_13(%arg0: i32) -> (i32, i32) {
    %c0_i32 = arith.constant 0 : i32
    %c0_i32_0 = arith.constant 0 : i32
    %c0_i32_1 = arith.constant 0 : i32
    return %c0_i32, %c0_i32_0 : i32, i32
  }
  func.func @transform_14(%arg0: i32) -> (i32, i32) {
    %c0_i32 = arith.constant 0 : i32
    %c0_i32_0 = arith.constant 0 : i32
    %c0_i32_1 = arith.constant 0 : i32
    return %c0_i32, %c0_i32_0 : i32, i32
  }
  func.func @transform_15(%arg0: i32) -> (i32, i32) {
    %c0_i32 = arith.constant 0 : i32
    %c0_i32_0 = arith.constant 0 : i32
    %c0_i32_1 = arith.constant 0 : i32
    return %c0_i32, %c0_i32_0 : i32, i32
  }
  func.func @transform_16(%arg0: i32) -> (i32, i32) {
    %c0_i32 = arith.constant 0 : i32
    %c0_i32_0 = arith.constant 0 : i32
    %c0_i32_1 = arith.constant 0 : i32
    return %c0_i32, %c0_i32_0 : i32, i32
  }
  func.func @transform_17(%arg0: i32) -> (i32, i32) {
    %c0_i32 = arith.constant 0 : i32
    %c0_i32_0 = arith.constant 0 : i32
    %c0_i32_1 = arith.constant 0 : i32
    return %c0_i32, %c0_i32_0 : i32, i32
  }
  func.func @transform_18(%arg0: i32) -> (i32, i32) {
    %c0_i32 = arith.constant 0 : i32
    %c0_i32_0 = arith.constant 0 : i32
    %c0_i32_1 = arith.constant 0 : i32
    return %c0_i32, %c0_i32_0 : i32, i32
  }
  func.func @transform_19(%arg0: i32) -> (i32, i32) {
    %c0_i32 = arith.constant 0 : i32
    %c0_i32_0 = arith.constant 0 : i32
    %c0_i32_1 = arith.constant 0 : i32
    return %c0_i32, %c0_i32_0 : i32, i32
  }
  func.func @transform_20(%arg0: i32) -> (i32, i32) {
    %c0_i32 = arith.constant 0 : i32
    %c0_i32_0 = arith.constant 0 : i32
    %c0_i32_1 = arith.constant 0 : i32
    return %c0_i32, %c0_i32_0 : i32, i32
  }
  func.func @transform_21(%arg0: i32) -> (i32, i32) {
    %c0_i32 = arith.constant 0 : i32
    %c0_i32_0 = arith.constant 0 : i32
    %c0_i32_1 = arith.constant 0 : i32
    return %c0_i32, %c0_i32_0 : i32, i32
  }
  func.func @transform_22(%arg0: i32) -> (i32, i32) {
    %c0_i32 = arith.constant 0 : i32
    %c0_i32_0 = arith.constant 0 : i32
    %c0_i32_1 = arith.constant 0 : i32
    return %c0_i32, %c0_i32_0 : i32, i32
  }
  func.func @transform_23(%arg0: i32) -> (i32, i32) {
    %c0_i32 = arith.constant 0 : i32
    %c0_i32_0 = arith.constant 0 : i32
    %c0_i32_1 = arith.constant 0 : i32
    return %c0_i32, %c0_i32_0 : i32, i32
  }
  func.func @transform_24(%arg0: i32) -> (i32, i32, i32) {
    %c0_i32 = arith.constant 0 : i32
    %c0_i32_0 = arith.constant 0 : i32
    %c0_i32_1 = arith.constant 0 : i32
    return %arg0, %c0_i32, %c0_i32_0 : i32, i32, i32
  }
}

</mosaic_0001>

<sc_bundles>
// kernel: kernel.4.cloned.1.call-start
scs
__scs_entry_jumppad:
0x0: {  	(pc) =	sbr.rel $0x88, $3  }
0x1: {  	(tag) =	ssettag $0x0;
	lr =	simm.s32 $0x1  }
0x2: {  	[smem:$0x3F86] =	sst lr;
	_ =	strace $0xD0000000  }
0x3: {  	_ = 	snop  }
0x4: {  	_ = 	snop  }
0x5: {  	_ = 	snop  }
0x6: {  	_ = 	snop  }
0x7: {  	_ = 	snop  }
__scs_overlays_trampoline_lowered:
0x8: {  	[smem:$0x3F95] =	sst s0  }
0x9: {  	[smem:$0x3F96] =	sst s1  }
0xa: {  	[smem:$0x3F97] =	sst s2  }
0xb: {  	[smem:$0x3F98] =	sst s3  }
0xc: {  	[smem:$0x3F99] =	sst s4  }
0xd: {  	[smem:$0x3F9A] =	sst s5  }
0xe: {  	[smem:$0x3F9B] =	sst s6  }
0xf: {  	[smem:$0x3F9C] =	sst s7  }
0x10: {  	[smem:$0x3F9D] =	sst s8  }
0x11: {  	[smem:$0x3F9E] =	sst s9;
	s0 =	simm.s32 @!p0 $0x0  }
0x12: {  	s1 =	sld [smem:$0x3F84];
	s0 =	simm.s32 @p0 $0x1  }
0x13: {  	[smem:$0x3F9F] =	sst s0;
	s0 =	simm.s32 @!p1 $0x0  }
0x14: {  	s2 =	sld [smem:$0x3F83];
	s0 =	simm.s32 @p1 $0x1  }
0x15: {  	[smem:$0x3FA0] =	sst s0;
	s0 =	simm.s32 @!p2 $0x0  }
0x16: {  	s3 =	sld [smem:$0x3FDB];
	s0 =	simm.s32 @p2 $0x1  }
0x17: {  	s4 =	simm.s32 $0x1BF5;
	[smem:$0x3FA2] =	sst s0  }
0x18: {  	s0 =	sld [smem:$0x3F85];
	_ =	swait.ge [sflag:s4], $0x0  }
0x19: {  	s7 =	sld [smem:$0x3F86]  }
0x1a: {  	s8 =	sadd.s32 $0xFFFFE003, lr  }
0x1b: {  	s9 =	sadd.s32 $0xFFFFFEF7, lr;
	s5 =	simm.s32 $0xFFFFFFFF;
	p2 =	slt.u32 s8, $0xFFFFF086  }
0x1c: {  	p1 =	slt.u32 s9, $0xF7A;
	s5 =	simm.s32 @!p2 $0x0  }
0x1d: {  	s5 =	simm.s32 @p1 $0x1;
	p0 =	seq.s32 s7, s2  }
0x1e: {  	s7 =	smul.u32 @!p0 $0xF7A, s2;
	p2 =	seq.s32 @!p0 s5, $0x0  }
0x1f: {  	s9 =	smul.u32 $0xF7A, s1;
	s8 =	simm.s32 @!p0 $0x1BF5;
	p2 =	por !p2, p0  }
0x20: {  	[sflag:s8] =	ssyncset.s32 @!p0 $0xFFFFF086;
	s6 =	sadd.s32 @!p0 s3, s7;
	s7 =	simm.s32 @!p0 $0x108  }
0x21: {  	s3 =	sadd.s32 s3, s9;
	s6 =	sadd.s32 @!p0 $0x88, s6;
	s7 =	simm.s32 @p2 $0x1082  }
0x22: {  	[simem:s7], [sflag:s8] =	dma.local @!p0 [hbm:s6], $0xF7A  }
0x23: {  	s9 =	sor.u32 $0xD0000000, s2;
	s6 =	simm.s32 $0x108;
	_ =	swait.ge @!p0 [sflag:s8], $0x0  }
0x24: {  	s3 =	sadd.s32 $0x88, s3;
	s6 =	simm.s32 @!p1 $0x1082;
	[sflag:s4] =	ssyncset.s32 $0xFFFFF086  }
0x25: {  	[simem:s6], [sflag:s4] =	dma.local [hbm:s3], $0xF7A  }
0x26: {  	[smem:$0x3F86] =	sst s1;
	(tag) =	ssettag s2;
	_ =	strace s9  }
0x27: {  	s1 =	sld [smem:$0x3F96]  }
0x28: {  	s2 =	sld [smem:$0x3F97]  }
0x29: {  	s4 =	sld [smem:$0x3F99]  }
0x2a: {  	p0 =	seq.s32 s5, $0x0;
	s5 =	sld [smem:$0x3F9A]  }
0x2b: {  	s6 =	sld [smem:$0x3F9B]  }
0x2c: {  	s7 =	sld [smem:$0x3F9C]  }
0x2d: {  	s3 =	simm.s32 $0x108;
	s8 =	sld [smem:$0x3F9D]  }
0x2e: {  	s3 =	simm.s32 @!p0 $0x1082;
	s9 =	sld [smem:$0x3F9E]  }
0x2f: {  	lr =	sadd.s32 s0, s3;
	s0 =	sld [smem:$0x3F95]  }
0x30: {  	s3 =	sld [smem:$0x3F98]  }
0x31: {  	[smem:$0x3FA1] =	sst s10  }
0x32: {  	s10 =	sld [smem:$0x3F9F];
	_ =	sdelay $0x3  }
0x33: {  	p0 =	seq.s32 s10, $0x1;
	s10 =	sld [smem:$0x3FA1];
	_ =	sdelay $0x3  }
0x34: {  	[smem:$0x3FA1] =	sst s10  }
0x35: {  	s10 =	sld [smem:$0x3FA0];
	_ =	sdelay $0x3  }
0x36: {  	p1 =	seq.s32 s10, $0x1;
	s10 =	sld [smem:$0x3FA1];
	_ =	sdelay $0x3  }
0x37: {  	[smem:$0x3FA1] =	sst s10  }
0x38: {  	s10 =	sld [smem:$0x3FA2]  }
0x39: {  	_ = 	snop;
	(pc) =	sbr.ind lr, $3  }
0x3a: {  	_ = 	snop  }
0x3b: {  	_ = 	snop  }
0x3c: {  	p2 =	seq.s32 s10, $0x1;
	s10 =	sld [smem:$0x3FA1]  }
0x3d: {  	_ =	shalt  }
0x3e: {  	_ =	shalt  }
0x3f: {  	_ =	shalt  }
0x40: {  	_ =	shalt  }
0x41: {  	_ =	shalt  }
0x42: {  	_ =	shalt  }
0x43: {  	_ =	shalt  }
0x44: {  	_ =	shalt  }
0x45: {  	_ =	shalt  }
0x46: {  	_ =	shalt  }
0x47: {  	_ =	shalt  }
0x48: {  	_ =	shalt  }
0x49: {  	_ =	shalt  }
0x4a: {  	_ =	shalt  }
0x4b: {  	_ =	shalt  }
0x4c: {  	_ =	shalt  }
0x4d: {  	_ =	shalt  }
0x4e: {  	_ =	shalt  }
0x4f: {  	_ =	shalt  }
0x50: {  	_ =	shalt  }
0x51: {  	_ =	shalt  }
0x52: {  	_ =	shalt  }
0x53: {  	_ =	shalt  }
0x54: {  	_ =	shalt  }
0x55: {  	_ =	shalt  }
0x56: {  	_ =	shalt  }
0x57: {  	_ =	shalt  }
0x58: {  	_ =	shalt  }
0x59: {  	_ =	shalt  }
0x5a: {  	_ =	shalt  }
0x5b: {  	_ =	shalt  }
0x5c: {  	_ =	shalt  }
0x5d: {  	_ =	shalt  }
0x5e: {  	_ =	shalt  }
0x5f: {  	_ =	shalt  }
0x60: {  	_ =	shalt  }
0x61: {  	_ =	shalt  }
0x62: {  	_ =	shalt  }
0x63: {  	_ =	shalt  }
0x64: {  	_ =	shalt  }
0x65: {  	_ =	shalt  }
0x66: {  	_ =	shalt  }
0x67: {  	_ =	shalt  }
0x68: {  	_ =	shalt  }
0x69: {  	_ =	shalt  }
0x6a: {  	_ =	shalt  }
0x6b: {  	_ =	shalt  }
0x6c: {  	_ =	shalt  }
0x6d: {  	_ =	shalt  }
0x6e: {  	_ =	shalt  }
0x6f: {  	_ =	shalt  }
0x70: {  	_ =	shalt  }
0x71: {  	_ =	shalt  }
0x72: {  	_ =	shalt  }
0x73: {  	_ =	shalt  }
0x74: {  	_ =	shalt  }
0x75: {  	_ =	shalt  }
0x76: {  	_ =	shalt  }
0x77: {  	_ =	shalt  }
0x78: {  	_ =	shalt  }
0x79: {  	_ =	shalt  }
0x7a: {  	_ =	shalt  }
0x7b: {  	_ =	shalt  }
0x7c: {  	_ =	shalt  }
0x7d: {  	_ =	shalt  }
0x7e: {  	_ =	shalt  }
0x7f: {  	_ =	shalt  }
0x80: {  	_ =	shalt  }
0x81: {  	_ =	shalt  }
0x82: {  	_ =	shalt  }
0x83: {  	_ =	shalt  }
0x84: {  	_ =	shalt  }
0x85: {  	_ =	shalt  }
0x86: {  	_ =	shalt  }
0x87: {  	_ =	shalt  }
.Lfunc_end0:
.L_simem_size_0:
called_computation_lowered:
.L_overlay_start_0:
0x88: {  	s2 =	sld [smem:$0x3FD9]  }
0x89: {  	s3 =	sld [smem:$0x3FFE];
	_ =	sdelay $0x1  }
0x8a: {  	s1 =	srdreg.scid  }
0x8b: {  	s0 =	sand.u32 $0x1, s1  }
0x8c: {  	s17 =	sshll.u32 s0, $0xA;
	s2 =	sadd.s32 s3, s2  }
0x8d: {  	s2 =	sadd.s32 s2, s17  }
0x8e: {  	[smem:$0x3FAD] =	sst s2  }
0x8f: {  	_ = 	snop  }
0x90: {  	s2 =	sld [smem:$0x3FC5]  }
0x91: {  	s18 =	sld [smem:$0x3FD0];
	(tm) =	ssettm $0x1  }
0x92: {  	s4 =	sld [smem:$0x3FFB];
	_ =	sdelay $0x3  }
0x93: {  	_ =	strace s4  }
0x94: {  	s4 =	sld [smem:$0x3FFC];
	_ =	sdelay $0x3  }
0x95: {  	_ =	strace s4  }
0x96: {  	s4 =	sld [smem:$0x3FFD];
	_ =	sdelay $0x3  }
0x97: {  	_ =	strace s4  }
0x98: {  	_ =	strace $0x8FFFFFFF  }
0x99: {  	s19 =	sld [smem:$0x3FDB];
	_ =	sdelay $0x1  }
0x9a: {  	s5 =	simm.s32 $_scs_section_size  }
0x9b: {  	s6 =	simm.s32 $_size__tile_overlayer_lowered;
	s7 =	simm.s32 $_tile_overlayer_lowered  }
0x9c: {  	s22 =	simm.s32 $0x1BFF;
	s21 =	sshll.u32 s7, $0x1;
	s4 =	sadd.s32 s5, s19  }
0x9d: {  	s8 =	simm.s32 $0x0;
	s20 =	sshll.u32 s6, $0x1;
	s6 =	sadd.s32 s21, s4  }
0x9e: {  	[timem:s8], [sflag:s22] =	dma.local [hbm:s6], s20  }
0x9f: {  	_ =	swait.ge [sflag:s22], s20  }
0xa0: {  	s5 =	ssub.s32 $0x0, s20;
	[sflag:s22] =	ssyncset.done $0x0  }
0xa1: {  	[sflag:s22] =	ssyncadd.s32 s5;
	_ =	sdelay $0x1  }
0xa2: {  	s23 =	simm.s32 $0x1B8B  }
0xa3: {  	_ =	swait.ge [sflag:s23], $0x1  }
0xa4: {  	[sflag:s23] =	ssyncset.done $0x0  }
0xa5: {  	s25 =	simm.s32 $0x1B8E;
	s24 =	sld [smem:$0x3FFE];
	[sflag:s23] =	ssyncadd.s32 $0xFFFFFFFF  }
0xa6: {  	s26 =	simm.s32 $execute0_lowered;
	[smem:$0x3FD2] =	sst s25  }
0xa7: {  	s6 =	sshll.u32 s26, $0x1;
	_ =	strace $0x80000046;
	[dreg:$0x1] =	wrdreg $0xFFFFFFFF  }
0xa8: {  	s28 =	simm.s32 $_size_execute0_lowered;
	s4 =	sadd.s32 s4, s6;
	[dreg:$0x0] =	wrdreg $0x0  }
0xa9: {  	s6 =	sshll.u32 s28, $0x1;
	[dreg:$0x2] =	wrdreg s4  }
0xaa: {  	[dreg:$0x3] =	wrdreg s6  }
0xab: {  	[dreg:$0x4] =	wrdreg $0xC0  }
0xac: {  	_ =	task [dreg:s8], $0x5FFFF  }
0xad: {  	[dreg:$0x1] =	wrdreg $0xFFFFFFFF  }
0xae: {  	[dreg:$0x0] =	wrdreg $0x60  }
0xaf: {  	[dreg:$0x2] =	wrdreg s18  }
0xb0: {  	[dreg:$0x3] =	wrdreg s2  }
0xb1: {  	[dreg:$0x4] =	wrdreg s24  }
0xb2: {  	[dreg:$0x5] =	wrdreg $0x9  }
0xb3: {  	_ =	task.clear_ibuf [dreg:s8], $0x6FFFF;
	_ =	strace $0x90000046  }
0xb4: {  	s29 =	simm.s32 $0x9;
	_ =	strace $0x80000048  }
0xb5: {  	_ =	swait.ge [sflag:s29], $0x1  }
0xb6: {  	[sflag:s29] =	ssyncadd.s32 $0xFFFFFFFF  }
0xb7: {  	_ =	strace $0x90000048  }
0xb8: {  	_ =	sfence  }
0xb9: {  	s30 =	sld [smem:$0x0];
	_ =	sdelay $0x2  }
0xba: {  	s31 =	sshll.u32 s1, $0xD;
	s1 =	sshrl.u32 s1, $0x2  }
0xbb: {  	s3 =	sand.u32 $0x4000, s31;
	s1 =	sadd.s32 s1, s30  }
0xbc: {  	s0 =	sor.u32 s3, s0;
	s1 =	sshll.u32 s1, $0x11  }
0xbd: {  	s0 =	sor.u32 s1, s0  }
0xbe: {  	s0 =	sadd.s32 $0x8F2B, s0  }
0xbf: {  	[sflag:s0] =	ssyncadd.remote.s32 $0x1  }
0xc0: {  	_ =	sfence.sel $0xFFFF  }
0xc1: {  	[dreg:$0x0] =	wrdreg $0xFFFFFFFF;
	(pc) =	sbr.abs _section_cstart, $3  }
0xc2: {  	[dreg:$0x1] =	wrdreg $0xFFFFFFFF  }
0xc3: {  	_ =	task.clear_ibuf [dreg:s8], $0x2FFFF;
	_ =	strace $0x9FFFFFFF  }
0xc4: {  	(tm) =	ssettm $0x7FFFFFFF  }
0xc5: {  	_ =	shalt  }
tec
execute0_lowered:
.L_overlay_start_1:
0x0: {  	(tag) =	ssettag $0x1  }
0x1: {  	s1 =	srdreg.scid;
	s0 =	stileid.u32  }
0x2: {  	s1 =	sand.u32 $0x1, s1;
	s3 =	sshll.u32 s0, $0x1  }
0x3: {  	s4 =	rddreg [dreg:$0x0];
	s11 =	sor.u32 s1, s3  }
0x4: {  	s2 =	rddreg [dreg:$0x1];
	s6 =	smul.u32 $0xC8, s11  }
0x5: {  	s5 =	rddreg [dreg:$0x2];
	s3 =	simm.s32 $0x0  }
0x6: {  	[smem:$0x7FF] =	sst s3;
	s25 =	smul.u32 $0x6400, s11;
	s4 =	sadd.s32 s4, s6  }
0x7: {  	s14 =	sadd.s32 $0x3400, s5;
	_ =	strace $0x80000047;
	[dreg:$0x4] =	wrdreg s4  }
0x8: {  	s4 =	sadd.s32 s14, s25;
	s26 =	rddreg [dreg:$0x4]  }
0x9: {  	[dreg:$0x5] =	wrdreg s4;
	s4 =	simm.s32 $0x9  }
0xa: {  	[tilespmem:s3], [sflag:$0x9] =	stream.linear.gather [hbm4b:s26+s3], $0x640, $0x38;
	[tilespmem:$0x19680] =	vst v63  }
0xb: {  	_ =	swait.ge [sflag:s4], $0x640  }
0xc: {  	[sflag:s4] =	ssyncset.done $0x0  }
0xd: {  	s5 =	simm.s32 $0xC8;
	s6 =	simm.s32 $0x680;
	[sflag:s4] =	ssyncadd.s32 $0xFFFFF9C0  }
0xe: {  	[tilespmem:s6], [sflag:$0x1] =	stream.indirect.gather [hbm4b:s2+s5], $0x80, s3, s5, $0xb8;
	[tilespmem:$0x19680] =	vst v63  }
0xf: {  	s7 =	simm.s32 $0x6A80  }
0x10: {  	[tilespmem:s7], [sflag:$0x2] =	stream.indirect.gather [hbm4b:s2+s5], $0x80, s5, s5, $0xb8;
	[tilespmem:$0x19680] =	vst v63  }
0x11: {  	s8 =	simm.s32 $0x190;
	s9 =	simm.s32 $0xCE80;
	s10 =	simm.s32 $0x1  }
0x12: {  	[tilespmem:s9], [sflag:$0x3] =	stream.indirect.gather [hbm4b:s2+s5], $0x80, s8, s5, $0xb8;
	[tilespmem:$0x19680] =	vst v63  }
0x13: {  	_ =	swait.ge [sflag:s10], $0x6400  }
0x14: {  	[sflag:s10] =	ssyncset.done $0x0  }
0x15: {  	s13 =	simm.s32 $0x2;
	s12 =	rddreg [dreg:$0x5];
	[sflag:s10] =	ssyncadd.s32 $0xFFFF9C00  }
0x16: {  	[hbm4b:s12+s3] =	stream.linear.scatter [tilespmem:s6], [sflag:$0x5], $0x6400, $0x38;
	[tilespmem:$0x19680] =	vst v63  }
0x17: {  	s15 =	smul.u32 $0x32000, s11;
	s11 =	simm.s32 $0x258;
	s12 =	simm.s32 $0x13280  }
0x18: {  	[tilespmem:s12], [sflag:$0x4] =	stream.indirect.gather [hbm4b:s2+s5], $0x80, s11, s5, $0xb8;
	[tilespmem:$0x19680] =	vst v63  }
0x19: {  	s15 =	sshrl.u32 s15, $0x3;
	_ =	swait.ge [sflag:s13], $0x6400  }
0x1a: {  	s31 =	sadd.s32 s14, s15;
	[sflag:s13] =	ssyncset.done $0x0  }
0x1b: {  	s15 =	simm.s32 $0x5;
	s14 =	sadd.s32 $0xC80, s31;
	[sflag:s13] =	ssyncadd.s32 $0xFFFF9C00  }
0x1c: {  	[hbm4b:s14+s3] =	stream.linear.scatter [tilespmem:s7], [sflag:$0x6], $0x6400, $0x38;
	[tilespmem:$0x19680] =	vst v63  }
0x1d: {  	_ =	swait.ge [sflag:s15], $0x6400  }
0x1e: {  	[sflag:s15] =	ssyncset.done $0x0  }
0x1f: {  	s16 =	simm.s32 $0x320;
	s17 =	simm.s32 $0x3;
	[sflag:s15] =	ssyncadd.s32 $0xFFFF9C00  }
0x20: {  	[tilespmem:s6], [sflag:$0x1] =	stream.indirect.gather [hbm4b:s2+s5], $0x80, s16, s5, $0xb8;
	[tilespmem:$0x19680] =	vst v63  }
0x21: {  	_ =	swait.ge [sflag:s17], $0x6400  }
0x22: {  	[sflag:s17] =	ssyncset.done $0x0  }
0x23: {  	s19 =	simm.s32 $0x6;
	s18 =	sadd.s32 $0x1900, s31;
	[sflag:s17] =	ssyncadd.s32 $0xFFFF9C00  }
0x24: {  	[hbm4b:s18+s3] =	stream.linear.scatter [tilespmem:s9], [sflag:$0x7], $0x6400, $0x38;
	[tilespmem:$0x19680] =	vst v63  }
0x25: {  	_ =	swait.ge [sflag:s19], $0x6400  }
0x26: {  	[sflag:s19] =	ssyncset.done $0x0  }
0x27: {  	s20 =	simm.s32 $0x3E8;
	s21 =	simm.s32 $0x4;
	[sflag:s19] =	ssyncadd.s32 $0xFFFF9C00  }
0x28: {  	[tilespmem:s7], [sflag:$0x2] =	stream.indirect.gather [hbm4b:s2+s5], $0x80, s20, s5, $0xb8;
	[tilespmem:$0x19680] =	vst v63  }
0x29: {  	_ =	swait.ge [sflag:s21], $0x6400  }
0x2a: {  	[sflag:s21] =	ssyncset.done $0x0  }
0x2b: {  	s23 =	simm.s32 $0x7;
	s22 =	sadd.s32 $0x2580, s31;
	[sflag:s21] =	ssyncadd.s32 $0xFFFF9C00  }
0x2c: {  	[hbm4b:s22+s3] =	stream.linear.scatter [tilespmem:s12], [sflag:$0x8], $0x6400, $0x38;
	[tilespmem:$0x19680] =	vst v63  }
0x2d: {  	_ =	swait.ge [sflag:s23], $0x6400  }
0x2e: {  	[sflag:s23] =	ssyncset.done $0x0  }
0x2f: {  	s24 =	simm.s32 $0x4B0;
	[sflag:s23] =	ssyncadd.s32 $0xFFFF9C00  }
0x30: {  	[tilespmem:s9], [sflag:$0x3] =	stream.indirect.gather [hbm4b:s2+s5], $0x80, s24, s5, $0xb8;
	[tilespmem:$0x19680] =	vst v63  }
0x31: {  	_ =	swait.ge [sflag:s10], $0x6400  }
0x32: {  	[sflag:s10] =	ssyncset.done $0x0  }
0x33: {  	s25 =	simm.s32 $0x8;
	s26 =	sadd.s32 $0x3200, s31;
	[sflag:s10] =	ssyncadd.s32 $0xFFFF9C00  }
0x34: {  	[hbm4b:s26+s3] =	stream.linear.scatter [tilespmem:s6], [sflag:$0x5], $0x6400, $0x38;
	[tilespmem:$0x19680] =	vst v63  }
0x35: {  	_ =	swait.ge [sflag:s25], $0x6400  }
0x36: {  	[sflag:s25] =	ssyncset.done $0x0  }
0x37: {  	s28 =	simm.s32 $0x578;
	[sflag:s25] =	ssyncadd.s32 $0xFFFF9C00  }
0x38: {  	[tilespmem:s12], [sflag:$0x4] =	stream.indirect.gather [hbm4b:s2+s5], $0x80, s28, s5, $0xb8;
	[tilespmem:$0x19680] =	vst v63  }
0x39: {  	_ =	swait.ge [sflag:s13], $0x6400  }
0x3a: {  	[sflag:s13] =	ssyncset.done $0x0  }
0x3b: {  	s29 =	sadd.s32 $0x3E80, s31;
	[sflag:s13] =	ssyncadd.s32 $0xFFFF9C00  }
0x3c: {  	[hbm4b:s29+s3] =	stream.linear.scatter [tilespmem:s7], [sflag:$0x6], $0x6400, $0x38;
	[tilespmem:$0x19680] =	vst v63  }
0x3d: {  	_ =	swait.ge [sflag:s17], $0x6400  }
0x3e: {  	[sflag:s17] =	ssyncset.done $0x0  }
0x3f: {  	s30 =	sadd.s32 $0x4B00, s31;
	[sflag:s17] =	ssyncadd.s32 $0xFFFF9C00  }
0x40: {  	[hbm4b:s30+s3] =	stream.linear.scatter [tilespmem:s9], [sflag:$0x7], $0x6400, $0x38;
	[tilespmem:$0x19680] =	vst v63  }
0x41: {  	_ =	swait.ge [sflag:s21], $0x6400  }
0x42: {  	[sflag:s21] =	ssyncset.done $0x0  }
0x43: {  	s31 =	sadd.s32 $0x5780, s31;
	[sflag:s21] =	ssyncadd.s32 $0xFFFF9C00  }
0x44: {  	[hbm4b:s31+s3] =	stream.linear.scatter [tilespmem:s12], [sflag:$0x8], $0x6400, $0x38;
	[tilespmem:$0x19680] =	vst v63  }
0x45: {  	s1 =	ssub.s32 $0x2, s1;
	_ =	swait.ge [sflag:s15], $0x6400  }
0x46: {  	s0 =	sshrl.u32 s1, $0x1;
	[sflag:s15] =	ssyncset.done $0x0  }
0x47: {  	s0 =	ssub.s32 s1, s0;
	[sflag:s15] =	ssyncadd.s32 $0xFFFF9C00  }
0x48: {  	s0 =	smax.u32 s0, $0x1;
	_ =	swait.ge [sflag:s19], $0x6400  }
0x49: {  	p0 =	sne.s32 s0, $0x1;
	[sflag:s19] =	ssyncset.done $0x0  }
.Ltmp0:
0x4a: {  	[sflag:s19] =	ssyncadd.s32 $0xFFFF9C00;
	(pc) =	sbr.rel @!p0 .LBB2_2-.Ltmp0, $4  }
0x4b: {  	_ =	swait.ge [sflag:s23], $0x6400  }
0x4c: {  	[sflag:s23] =	ssyncset.done $0x0  }
0x4d: {  	[sflag:s23] =	ssyncadd.s32 $0xFFFF9C00  }
0x4e: {  	s1 =	sadd.s32 $0xFFFFFFFF, s0;
	_ =	swait.ge [sflag:s25], $0x6400  }
.LBB2_1:
0x4f: {  	[sflag:s25] =	ssyncset.done $0x0  }
0x50: {  	s0 =	rddreg [dreg:$0x4];
	[sflag:s25] =	ssyncadd.s32 $0xFFFF9C00  }
0x51: {  	[tilespmem:s3], [sflag:$0x9] =	stream.linear.gather [hbm4b:s0+s3], $0x640, $0x38;
	[tilespmem:$0x19680] =	vst v63  }
0x52: {  	_ =	swait.ge [sflag:s4], $0x640  }
0x53: {  	[sflag:s4] =	ssyncset.done $0x0  }
0x54: {  	[sflag:s4] =	ssyncadd.s32 $0xFFFFF9C0  }
0x55: {  	[tilespmem:s6], [sflag:$0x1] =	stream.indirect.gather [hbm4b:s2+s5], $0x80, s3, s5, $0xb8;
	[tilespmem:$0x19680] =	vst v63  }
0x56: {  	_ = 	snop  }
0x57: {  	[tilespmem:s7], [sflag:$0x2] =	stream.indirect.gather [hbm4b:s2+s5], $0x80, s5, s5, $0xb8;
	[tilespmem:$0x19680] =	vst v63  }
0x58: {  	_ = 	snop  }
0x59: {  	[tilespmem:s9], [sflag:$0x3] =	stream.indirect.gather [hbm4b:s2+s5], $0x80, s8, s5, $0xb8;
	[tilespmem:$0x19680] =	vst v63  }
0x5a: {  	_ =	swait.ge [sflag:s10], $0x6400  }
0x5b: {  	[sflag:s10] =	ssyncset.done $0x0  }
0x5c: {  	s0 =	rddreg [dreg:$0x5];
	[sflag:s10] =	ssyncadd.s32 $0xFFFF9C00  }
0x5d: {  	[hbm4b:s0+s3] =	stream.linear.scatter [tilespmem:s6], [sflag:$0x5], $0x6400, $0x38;
	[tilespmem:$0x19680] =	vst v63  }
0x5e: {  	_ = 	snop  }
0x5f: {  	[tilespmem:s12], [sflag:$0x4] =	stream.indirect.gather [hbm4b:s2+s5], $0x80, s11, s5, $0xb8;
	[tilespmem:$0x19680] =	vst v63  }
0x60: {  	_ =	swait.ge [sflag:s13], $0x6400  }
0x61: {  	[sflag:s13] =	ssyncset.done $0x0  }
0x62: {  	[sflag:s13] =	ssyncadd.s32 $0xFFFF9C00  }
0x63: {  	[hbm4b:s14+s3] =	stream.linear.scatter [tilespmem:s7], [sflag:$0x6], $0x6400, $0x38;
	[tilespmem:$0x19680] =	vst v63  }
0x64: {  	_ =	swait.ge [sflag:s15], $0x6400  }
0x65: {  	[sflag:s15] =	ssyncset.done $0x0  }
0x66: {  	[sflag:s15] =	ssyncadd.s32 $0xFFFF9C00  }
0x67: {  	[tilespmem:s6], [sflag:$0x1] =	stream.indirect.gather [hbm4b:s2+s5], $0x80, s16, s5, $0xb8;
	[tilespmem:$0x19680] =	vst v63  }
0x68: {  	_ =	swait.ge [sflag:s17], $0x6400  }
0x69: {  	[sflag:s17] =	ssyncset.done $0x0  }
0x6a: {  	[sflag:s17] =	ssyncadd.s32 $0xFFFF9C00  }
0x6b: {  	[hbm4b:s18+s3] =	stream.linear.scatter [tilespmem:s9], [sflag:$0x7], $0x6400, $0x38;
	[tilespmem:$0x19680] =	vst v63  }
0x6c: {  	_ =	swait.ge [sflag:s19], $0x6400  }
0x6d: {  	[sflag:s19] =	ssyncset.done $0x0  }
0x6e: {  	[sflag:s19] =	ssyncadd.s32 $0xFFFF9C00  }
0x6f: {  	[tilespmem:s7], [sflag:$0x2] =	stream.indirect.gather [hbm4b:s2+s5], $0x80, s20, s5, $0xb8;
	[tilespmem:$0x19680] =	vst v63  }
0x70: {  	_ =	swait.ge [sflag:s21], $0x6400  }
0x71: {  	[sflag:s21] =	ssyncset.done $0x0  }
0x72: {  	[sflag:s21] =	ssyncadd.s32 $0xFFFF9C00  }
0x73: {  	[hbm4b:s22+s3] =	stream.linear.scatter [tilespmem:s12], [sflag:$0x8], $0x6400, $0x38;
	[tilespmem:$0x19680] =	vst v63  }
0x74: {  	_ =	swait.ge [sflag:s23], $0x6400  }
0x75: {  	[sflag:s23] =	ssyncset.done $0x0  }
0x76: {  	[sflag:s23] =	ssyncadd.s32 $0xFFFF9C00  }
0x77: {  	[tilespmem:s9], [sflag:$0x3] =	stream.indirect.gather [hbm4b:s2+s5], $0x80, s24, s5, $0xb8;
	[tilespmem:$0x19680] =	vst v63  }
0x78: {  	_ =	swait.ge [sflag:s10], $0x6400  }
0x79: {  	[sflag:s10] =	ssyncset.done $0x0  }
0x7a: {  	[sflag:s10] =	ssyncadd.s32 $0xFFFF9C00  }
0x7b: {  	[hbm4b:s26+s3] =	stream.linear.scatter [tilespmem:s6], [sflag:$0x5], $0x6400, $0x38;
	[tilespmem:$0x19680] =	vst v63  }
0x7c: {  	_ =	swait.ge [sflag:s25], $0x6400  }
0x7d: {  	[sflag:s25] =	ssyncset.done $0x0  }
0x7e: {  	[sflag:s25] =	ssyncadd.s32 $0xFFFF9C00  }
0x7f: {  	[tilespmem:s12], [sflag:$0x4] =	stream.indirect.gather [hbm4b:s2+s5], $0x80, s28, s5, $0xb8;
	[tilespmem:$0x19680] =	vst v63  }
0x80: {  	_ =	swait.ge [sflag:s13], $0x6400  }
0x81: {  	[sflag:s13] =	ssyncset.done $0x0  }
0x82: {  	[sflag:s13] =	ssyncadd.s32 $0xFFFF9C00  }
0x83: {  	[hbm4b:s29+s3] =	stream.linear.scatter [tilespmem:s7], [sflag:$0x6], $0x6400, $0x38;
	[tilespmem:$0x19680] =	vst v63  }
0x84: {  	_ =	swait.ge [sflag:s17], $0x6400  }
0x85: {  	[sflag:s17] =	ssyncset.done $0x0  }
0x86: {  	[sflag:s17] =	ssyncadd.s32 $0xFFFF9C00  }
0x87: {  	[hbm4b:s30+s3] =	stream.linear.scatter [tilespmem:s9], [sflag:$0x7], $0x6400, $0x38;
	[tilespmem:$0x19680] =	vst v63  }
0x88: {  	_ =	swait.ge [sflag:s21], $0x6400  }
0x89: {  	[sflag:s21] =	ssyncset.done $0x0  }
0x8a: {  	[sflag:s21] =	ssyncadd.s32 $0xFFFF9C00  }
0x8b: {  	[hbm4b:s31+s3] =	stream.linear.scatter [tilespmem:s12], [sflag:$0x8], $0x6400, $0x38;
	[tilespmem:$0x19680] =	vst v63  }
0x8c: {  	_ =	swait.ge [sflag:s15], $0x6400  }
0x8d: {  	[sflag:s15] =	ssyncset.done $0x0  }
0x8e: {  	[sflag:s15] =	ssyncadd.s32 $0xFFFF9C00  }
0x8f: {  	_ =	swait.ge [sflag:s19], $0x6400  }
0x90: {  	p0 =	sne.s32 s1, $0x1;
	[sflag:s19] =	ssyncset.done $0x0  }
.Ltmp1:
0x91: {  	[sflag:s19] =	ssyncadd.s32 $0xFFFF9C00;
	(pc) =	sbr.rel @p0 .LBB2_1-.Ltmp1, $4  }
0x92: {  	_ =	swait.ge [sflag:s23], $0x6400  }
0x93: {  	[sflag:s23] =	ssyncset.done $0x0  }
0x94: {  	[sflag:s23] =	ssyncadd.s32 $0xFFFF9C00  }
0x95: {  	s1 =	sadd.s32 $0xFFFFFFFF, s1;
	_ =	swait.ge [sflag:s25], $0x6400  }
.LBB2_2:
0x96: {  	[sflag:s25] =	ssyncset.done $0x0  }
0x97: {  	[sflag:s25] =	ssyncadd.s32 $0xFFFF9C00  }
0x98: {  	_ =	sfence.sel $0x180000  }
0x99: {  	[bflag:$0x0] =	sbarrier.arrive $0xFFFF  }
0x9a: {  	_ =	strace $0x90000047  }
0x9b: {  	s0 =	stileid.u32;
	[bflag:$0x2] =	sbarrier.arrive $0xFFFF  }
0x9c: {  	p0 =	sne.s32 s0, $0x0;
	s0 =	rddreg [dreg:$0x3]  }
0x9d: {  	s0 =	sadd.s32 @!p0 $0x100000, s0  }
0x9e: {  	[sflag:s0] =	ssyncadd.tile.s32 @!p0 $0x1;
	_ =	shalt  }
.Lfunc_end2:
_tile_overlayer_lowered:
.L_overlay_start_2:
0x9f: {  	(tag) =	ssettag $0x2  }
0xa0: {  	s0 =	rddreg [dreg:$0x0];
	s2 =	stileid.u32  }
0xa1: {  	s1 =	rddreg [dreg:$0x1];
	p0 =	sne.s32 s2, $0x0  }
0xa2: {  	s3 =	rddreg [dreg:$0x2];
	[bflag:$0x3] =	sbarrier.arrive $0xFFFF;
	s2 =	simm.s32 @!p0 $0x1C09  }
0xa3: {  	[timem:s3], [sflag:s2] =	dma.local @!p0 [hbm:s0], s1  }
0xa4: {  	s0 =	simm.s32 @!p0 $0x9  }
0xa5: {  	_ =	swait.ge @!p0 [sflag:s0], s1  }
0xa6: {  	s1 =	ssub.s32 @!p0 $0x0, s1;
	[sflag:s0] =	ssyncset.done @!p0 $0x0  }
0xa7: {  	[sflag:s0] =	ssyncadd.s32 @!p0 s1  }
0xa8: {  	[bflag:$0x3] =	sbarrier.arrive $0xFFFF  }
0xa9: {  	_ =	shalt  }

</sc_bundles>
